<compile_context>
chip_gen: v7x
topology: tpu7x:2x2x1
jax: 0.10.2.dev20260603
libtpu: 0.0.44.dev20260713+nightly
codegen_flags: <defaults>
</compile_context>

<pallas_src>
import functools

import jax
import jax.numpy as jnp
from jax import lax
from jax.experimental import pallas as pl
from jax.experimental.pallas import tpu as pltpu
from jax.experimental.pallas import tpu_sc as plsc

VOCAB = 100000
DIM = 128
HID = 1024
N_DENO = 41
N_CONO = 2
B = 16384
L = 50

NC = 2
NS = 16
NW = NC * NS

BL = B * L
ROWS_PER_W = BL // NW
B_PER_W = B // NW
BW_B = 128
LSPAN = 2
BGROUPS = B_PER_W // BW_B
LGROUPS = L // LSPAN
CHUNKS = BGROUPS * LGROUPS

BT = 2048
G = B // BT
NEG = -1e30
LOG2 = 0.6931471805599453


def _sc_body(table_hbm, idx_hbm, vecs_hbm, repr_hbm,
             idx_v, rows_a, rows_b, acc_v, gsa, gsb, wsa, wsb):
    wid = lax.axis_index("c") * NS + lax.axis_index("s")
    bbase = wid * B_PER_W
    pltpu.sync_copy(idx_hbm.at[wid], idx_v)

    def zero_acc():
        def zbody(j, carry):
            for d in range(8):
                acc_v[j, pl.ds(d * 16, 16)] = jnp.zeros((16,), jnp.float32)
            return carry
        lax.fori_loop(0, BW_B, zbody, 0)

    def gather_fire(c, rows, sem):
        for s in range(LSPAN):
            pltpu.async_copy(table_hbm.at[idx_v.at[c, s]],
                             rows.at[pl.ds(s * BW_B, BW_B)], sem)

    def gather_wait(rows, sem):
        for s in range(LSPAN):
            pltpu.make_async_copy(table_hbm.at[idx_v.at[0, 0]],
                                  rows.at[pl.ds(s * BW_B, BW_B)], sem).wait()

    def write_fire(c, rows, sem):
        h = c % LGROUPS
        g = c // LGROUPS
        for s in range(LSPAN):
            pltpu.async_copy(
                rows.at[pl.ds(s * BW_B, BW_B)],
                vecs_hbm.at[h * LSPAN + s, pl.ds(bbase + g * BW_B, BW_B)], sem)

    def write_wait(rows, sem):
        for s in range(LSPAN):
            pltpu.make_async_copy(rows.at[pl.ds(s * BW_B, BW_B)],
                                  vecs_hbm.at[0, pl.ds(0, BW_B)], sem).wait()

    def process(c, rows):
        @plsc.parallel_loop(0, BW_B, unroll=4)
        def jbody(j):
            for d in range(8):
                v = rows[j, pl.ds(d * 16, 16)]
                for s in range(1, LSPAN):
                    v = v + rows[s * BW_B + j, pl.ds(d * 16, 16)]
                plsc.addupdate(acc_v.at[j, pl.ds(d * 16, 16)], v)

        @pl.when(c % LGROUPS == LGROUPS - 1)
        def _flush():
            g = c // LGROUPS
            pltpu.sync_copy(acc_v,
                            repr_hbm.at[pl.ds(bbase + g * BW_B, BW_B)])
            zero_acc()

    zero_acc()
    gather_fire(0, rows_a, gsa)
    gather_fire(1, rows_b, gsb)

    def body(j, carry):
        ca = 2 * j
        cb = 2 * j + 1
        gather_wait(rows_a, gsa)
        process(ca, rows_a)
        write_fire(ca, rows_a, wsa)
        gather_wait(rows_b, gsb)
        process(cb, rows_b)
        write_fire(cb, rows_b, wsb)
        write_wait(rows_a, wsa)
        gather_fire(ca + 2, rows_a, gsa)
        write_wait(rows_b, wsb)
        gather_fire(cb + 2, rows_b, gsb)
        return carry

    lax.fori_loop(0, CHUNKS // 2 - 1, body, 0)
    gather_wait(rows_a, gsa)
    process(CHUNKS - 2, rows_a)
    write_fire(CHUNKS - 2, rows_a, wsa)
    gather_wait(rows_b, gsb)
    process(CHUNKS - 1, rows_b)
    write_fire(CHUNKS - 1, rows_b, wsb)
    write_wait(rows_a, wsa)
    write_wait(rows_b, wsb)


_sc_gather = functools.partial(
    pl.kernel,
    mesh=plsc.VectorSubcoreMesh(core_axis_name="c", subcore_axis_name="s"),
    out_type=[
        jax.ShapeDtypeStruct((L, B, DIM), jnp.float32),
        jax.ShapeDtypeStruct((B, DIM), jnp.float32),
    ],
    scratch_types=[
        pltpu.VMEM((CHUNKS, LSPAN, BW_B), jnp.int32),
        pltpu.VMEM((LSPAN * BW_B, DIM), jnp.float32),
        pltpu.VMEM((LSPAN * BW_B, DIM), jnp.float32),
        pltpu.VMEM((BW_B, DIM), jnp.float32),
        pltpu.SemaphoreType.DMA,
        pltpu.SemaphoreType.DMA,
        pltpu.SemaphoreType.DMA,
        pltpu.SemaphoreType.DMA,
    ],
)(_sc_body)


def _tc_body(x_ref, dW1_ref, db1_ref, dW2_ref, db2_ref, dW3_ref, db3_ref,
             cW1_ref, cb1_ref, cW2_ref, cb2_ref, cW3_ref, cb3_ref,
             dlab_ref, clab_ref, dsum_ref, csum_ref, asum_ref):
    i = pl.program_id(0)

    @pl.when(i == 0)
    def _init():
        dsum_ref[...] = jnp.zeros_like(dsum_ref)
        csum_ref[...] = jnp.zeros_like(csum_ref)
        asum_ref[...] = jnp.zeros_like(asum_ref)

    x = x_ref[...] * (1.0 / L)

    def probe(W1, b1, W2, b2, W3, b3):
        h = jnp.maximum(
            jnp.dot(x, W1[...], preferred_element_type=jnp.float32) + b1[...], 0.0)
        h = jnp.maximum(
            jnp.dot(h, W2[...], preferred_element_type=jnp.float32) + b2[...], 0.0)
        return jnp.dot(h, W3[...], preferred_element_type=jnp.float32) + b3[...]

    dlogits = probe(dW1_ref, db1_ref, dW2_ref, db2_ref, dW3_ref, db3_ref)
    clogits = probe(cW1_ref, cb1_ref, cW2_ref, cb2_ref, cW3_ref, cb3_ref)

    col = lax.broadcasted_iota(jnp.int32, (BT, 128), 1)

    def lse(lg):
        m = jnp.max(lg, axis=1, keepdims=True)
        return jnp.log(jnp.sum(jnp.exp(lg - m), axis=1, keepdims=True)) + m

    dlse = lse(dlogits)
    clse = lse(clogits)
    dpick = jnp.sum(jnp.where(col == dlab_ref[0], dlogits, 0.0), axis=1,
                    keepdims=True)
    cpick = jnp.sum(jnp.where(col == clab_ref[0], clogits, 0.0), axis=1,
                    keepdims=True)
    c2 = jnp.sum(jnp.where(col < N_CONO, clogits, 0.0), axis=1, keepdims=True)

    dsum_ref[...] += jnp.sum(dlse - dpick).reshape(1, 1)
    csum_ref[...] += jnp.sum(clse - cpick).reshape(1, 1)
    asum_ref[...] += jnp.sum((clse - 0.5 * c2) - LOG2).reshape(1, 1)


def _tc_losses(seq_repr, dW1, db1, dW2, db2, dW3p, db3p,
               cW1, cb1, cW2, cb2, cW3p, cb3p, dlab3, clab3):
    full = lambda shape: pl.BlockSpec(shape, lambda i: tuple(0 for _ in shape))
    return pl.pallas_call(
        _tc_body,
        grid=(G,),
        in_specs=[
            pl.BlockSpec((BT, DIM), lambda i: (i, 0)),
            full((DIM, HID)), full((1, HID)),
            full((HID, HID)), full((1, HID)),
            full((HID, 128)), full((1, 128)),
            full((DIM, HID)), full((1, HID)),
            full((HID, HID)), full((1, HID)),
            full((HID, 128)), full((1, 128)),
            pl.BlockSpec((1, BT, 1), lambda i: (i, 0, 0)),
            pl.BlockSpec((1, BT, 1), lambda i: (i, 0, 0)),
        ],
        out_specs=[pl.BlockSpec((1, 1), lambda i: (0, 0))] * 3,
        out_shape=[jax.ShapeDtypeStruct((1, 1), jnp.float32)] * 3,
    )(seq_repr, dW1, db1, dW2, db2, dW3p, db3p,
      cW1, cb1, cW2, cb2, cW3p, cb3p, dlab3, clab3)


def kernel(table, dW1, db1, dW2, db2, dW3, db3, cW1, cb1, cW2, cb2, cW3, cb3,
           seq_word_ids, deno_labels, cono_labels):
    idx_t = seq_word_ids.astype(jnp.int32).T
    idx5 = (idx_t.reshape(LGROUPS, LSPAN, NW, BGROUPS, BW_B)
            .transpose(2, 3, 0, 1, 4)
            .reshape(NW, CHUNKS, LSPAN, BW_B))

    vecs_t, seq_repr = _sc_gather(table, idx5)
    vecs = jnp.transpose(vecs_t, (1, 0, 2))

    dW3p = jnp.pad(dW3, ((0, 0), (0, 128 - N_DENO)))
    db3p = jnp.pad(db3, (0, 128 - N_DENO), constant_values=NEG).reshape(1, 128)
    cW3p = jnp.pad(cW3, ((0, 0), (0, 128 - N_CONO)))
    cb3p = jnp.pad(cb3, (0, 128 - N_CONO), constant_values=NEG).reshape(1, 128)
    dlab3 = deno_labels.reshape(G, BT, 1)
    clab3 = cono_labels.reshape(G, BT, 1)

    dsum, csum, asum = _tc_losses(
        seq_repr, dW1, db1.reshape(1, HID), dW2, db2.reshape(1, HID),
        dW3p, db3p, cW1, cb1.reshape(1, HID), cW2, cb2.reshape(1, HID),
        cW3p, cb3p, dlab3, clab3)

    deno_probe_loss = dsum[0, 0] / B
    cono_probe_loss = csum[0, 0] / B
    cono_adversary_loss = asum[0, 0] / B

    return (deno_probe_loss, cono_probe_loss, cono_adversary_loss, vecs)

# --- scband reference (transcript-rebuilt; emitter-appended) ---
"""Pipeline reference for scband-decomposer-12335146074141 (READ-ONLY COPY).

The authoritative reference and input builder live on the scoring server;
editing this copy changes nothing except your own understanding.
"""

import jax, jax.numpy as jnp
import numpy as np

VOCAB = 100000
DIM = 128
HID = 1024
N_DENO = 41
N_CONO = 2
B = 16384
L = 50


def _init_linear(key, fan_in, fan_out):
    k1, k2 = jax.random.split(key)
    bound = 1.0 / np.sqrt(fan_in)
    W = jax.random.uniform(k1, (fan_in, fan_out), jnp.float32, -bound, bound)
    b = jax.random.uniform(k2, (fan_out,), jnp.float32, -bound, bound)
    return W, b


def setup_inputs(seed: int = 0) -> dict:
    key = jax.random.key(seed)
    ks = jax.random.split(key, 10)
    table = jax.random.normal(ks[0], (VOCAB, DIM), jnp.float32)
    dW1, db1 = _init_linear(ks[1], DIM, HID)
    dW2, db2 = _init_linear(ks[2], HID, HID)
    dW3, db3 = _init_linear(ks[3], HID, N_DENO)
    cW1, cb1 = _init_linear(ks[4], DIM, HID)
    cW2, cb2 = _init_linear(ks[5], HID, HID)
    cW3, cb3 = _init_linear(ks[6], HID, N_CONO)
    seq_word_ids = jax.random.randint(ks[7], (B, L), 0, VOCAB, jnp.int64 if jax.config.jax_enable_x64 else jnp.int32)
    deno_labels = jax.random.randint(ks[8], (B,), 0, N_DENO, jnp.int32)
    cono_labels = jax.random.randint(ks[9], (B,), 0, N_CONO, jnp.int32)
    return {
        "table": table,
        "dW1": dW1, "db1": db1, "dW2": dW2, "db2": db2, "dW3": dW3, "db3": db3,
        "cW1": cW1, "cb1": cb1, "cW2": cW2, "cb2": cb2, "cW3": cW3, "cb3": cb3,
        "seq_word_ids": seq_word_ids,
        "deno_labels": deno_labels,
        "cono_labels": cono_labels,
    }


def _probe(x, W1, b1, W2, b2, W3, b3):
    h = jax.nn.relu(x @ W1 + b1)
    h = jax.nn.relu(h @ W2 + b2)
    return h @ W3 + b3


def _nll_loss(log_prob, labels):
    picked = jnp.take_along_axis(log_prob, labels[:, None], axis=1)[:, 0]
    return -jnp.mean(picked)


def _kl_div_batchmean(log_prob, target):
    # F.kl_div(input=log_prob, target=target, reduction='batchmean')
    return jnp.sum(target * (jnp.log(target) - log_prob)) / log_prob.shape[0]


def reference(table, dW1, db1, dW2, db2, dW3, db3, cW1, cb1, cW2, cb2, cW3, cb3, seq_word_ids, deno_labels, cono_labels):
    # Embedding lookup (SparseCore gather)
    seq_word_vecs = jnp.take(table, seq_word_ids, axis=0)  # [B, L, DIM]
    seq_repr = jnp.mean(seq_word_vecs, axis=1)             # [B, DIM]

    deno_logits = _probe(seq_repr, dW1, db1, dW2, db2, dW3, db3)
    deno_log_prob = jax.nn.log_softmax(deno_logits, axis=1)
    deno_probe_loss = _nll_loss(deno_log_prob, deno_labels)

    cono_logits = _probe(seq_repr, cW1, cb1, cW2, cb2, cW3, cb3)
    cono_log_prob = jax.nn.log_softmax(cono_logits, axis=1)
    cono_probe_loss = _nll_loss(cono_log_prob, cono_labels)

    # preserve == 'deno': adversarial loss drives cono toward uniform
    uniform_dist = jnp.full_like(cono_log_prob, 1.0 / N_CONO)
    cono_adversary_loss = _kl_div_batchmean(cono_log_prob, uniform_dist)

    return (deno_probe_loss, cono_probe_loss, cono_adversary_loss, seq_word_vecs)

if __name__ == "__main__":
    import jax
    _d = setup_inputs()
    print(jax.jit(kernel)(*tuple(_d.values())))

</pallas_src>

<mosaic_0001>
#map = affine_map<(d0, d1) -> (0, 0)>
#map1 = affine_map<(d0, d1) -> (0, 0, 0, 0)>
#map2 = affine_map<(d0, d1) -> (0, 0, 0)>
module attributes {stable_mosaic.version = 14 : i64} {
  func.func @_sc_body(%arg0: i32, %arg1: i32, %arg2: memref<100000x128xf32, #tpu.memory_space<hbm>>, %arg3: memref<32x100x2x128xi32, #tpu.memory_space<hbm>>, %arg4: memref<50x16384x128xf32, #tpu.memory_space<hbm>>, %arg5: memref<16384x128xf32, #tpu.memory_space<hbm>>, %arg6: memref<100x2x128xi32, #tpu.memory_space<vmem>>, %arg7: memref<256x128xf32, #tpu.memory_space<vmem>>, %arg8: memref<256x128xf32, #tpu.memory_space<vmem>>, %arg9: memref<128x128xf32, #tpu.memory_space<vmem>>, %arg10: memref<!tpu.dma_semaphore, #tpu.memory_space<semaphore_mem>>, %arg11: memref<!tpu.dma_semaphore, #tpu.memory_space<semaphore_mem>>, %arg12: memref<!tpu.dma_semaphore, #tpu.memory_space<semaphore_mem>>, %arg13: memref<!tpu.dma_semaphore, #tpu.memory_space<semaphore_mem>>) attributes {dimension_semantics = [#tpu.dimension_semantics<core_parallel>, #tpu.dimension_semantics<subcore_parallel>], iteration_bounds = array<i64: 2, 16>, scalar_prefetch = 0 : i64, scratch_operands = 8 : i64, tpu.core_type = #tpu.core_type<sc_vector_subcore>, window_params = [{transform_indices = #map}, {transform_indices = #map1}, {transform_indices = #map2}, {transform_indices = #map}]} {
    %mul3A = arith.constant 16 : i32
    %mul3A_0 = arith.muli %arg0, %mul3A : i32
    %add3A = arith.addi %mul3A_0, %arg1 : i32
    %mul3A_1 = arith.constant 512 : i32
    %mul3A_2 = arith.muli %add3A, %mul3A_1 : i32
    "tpu.region"() ({
      %run_scoped3A = tpu.sem_alloc : memref<!tpu.dma_semaphore, #tpu.memory_space<semaphore_mem>>
      %dma_start3A_233 = arith.constant 0 : i32
      %dma_start3A_234 = arith.constant 0 : i32
      %dma_start3A_235 = arith.constant 0 : i32
      %dma_start3A_236 = tpu.memref_slice %arg3[%add3A, %dma_start3A_233, %dma_start3A_234, %dma_start3A_235] : memref<32x100x2x128xi32, #tpu.memory_space<hbm>> -> memref<1x100x2x128xi32, #tpu.memory_space<hbm>>
      %dma_start3A_237 = tpu.memref_squeeze %dma_start3A_236 : memref<1x100x2x128xi32, #tpu.memory_space<hbm>> -> memref<100x2x128xi32, #tpu.memory_space<hbm>>
      %dma_start3A_238 = arith.constant 0 : i32
      %dma_start3A_239 = arith.constant 0 : i32
      %dma_start3A_240 = arith.constant 0 : i32
      %dma_start3A_241 = tpu.memref_slice %arg3[%add3A, %dma_start3A_238, %dma_start3A_239, %dma_start3A_240] : memref<32x100x2x128xi32, #tpu.memory_space<hbm>> -> memref<1x100x2x128xi32, #tpu.memory_space<hbm>>
      %dma_start3A_242 = tpu.memref_squeeze %dma_start3A_241 : memref<1x100x2x128xi32, #tpu.memory_space<hbm>> -> memref<100x2x128xi32, #tpu.memory_space<hbm>>
      tpu.enqueue_dma source(%dma_start3A_242 : memref<100x2x128xi32, #tpu.memory_space<hbm>>) target(%arg6 : memref<100x2x128xi32, #tpu.memory_space<vmem>>) target_semaphore(%run_scoped3A : memref<!tpu.dma_semaphore, #tpu.memory_space<semaphore_mem>>)
      %dma_wait3A_243 = arith.constant 0 : i32
      %dma_wait3A_244 = arith.constant 0 : i32
      %dma_wait3A_245 = arith.constant 0 : i32
      %dma_wait3A_246 = tpu.memref_slice %arg3[%add3A, %dma_wait3A_243, %dma_wait3A_244, %dma_wait3A_245] : memref<32x100x2x128xi32, #tpu.memory_space<hbm>> -> memref<1x100x2x128xi32, #tpu.memory_space<hbm>>
      %dma_wait3A_247 = tpu.memref_squeeze %dma_wait3A_246 : memref<1x100x2x128xi32, #tpu.memory_space<hbm>> -> memref<100x2x128xi32, #tpu.memory_space<hbm>>
      %dma_wait3A_248 = arith.constant 0 : i32
      %dma_wait3A_249 = arith.constant 0 : i32
      %dma_wait3A_250 = arith.constant 0 : i32
      %dma_wait3A_251 = tpu.memref_slice %arg3[%add3A, %dma_wait3A_248, %dma_wait3A_249, %dma_wait3A_250] : memref<32x100x2x128xi32, #tpu.memory_space<hbm>> -> memref<1x100x2x128xi32, #tpu.memory_space<hbm>>
      %dma_wait3A_252 = tpu.memref_squeeze %dma_wait3A_251 : memref<1x100x2x128xi32, #tpu.memory_space<hbm>> -> memref<100x2x128xi32, #tpu.memory_space<hbm>>
      tpu.wait_dma2 semaphore(%run_scoped3A : memref<!tpu.dma_semaphore, #tpu.memory_space<semaphore_mem>>) src(%dma_wait3A_252 : memref<100x2x128xi32, #tpu.memory_space<hbm>>) dst(%arg6 : memref<100x2x128xi32, #tpu.memory_space<vmem>>)
      tpu.yield
    }) : () -> ()
    %scan3A = arith.constant 0 : i32
    %scan3A_3 = arith.constant 0 : i32
    %scan3A_4 = arith.constant 128 : i32
    %scan3A_5 = arith.addi %scan3A_3, %scan3A_4 : i32
    %scan3A_6 = arith.constant 1 : i32
    scf.for %scan3A_233 = %scan3A_3 to %scan3A_5 step %scan3A_6  : i32 {
      %broadcast_in_dim3A = arith.constant 0.000000e+00 : f32
      %broadcast_in_dim3A_234 = vector.broadcast %broadcast_in_dim3A : f32 to vector<16xf32>
      %swap3A = arith.index_cast %scan3A_233 : i32 to index
      %swap3A_235 = arith.constant 0 : index
      %swap3A_236 = tpu.vector_load %arg9[%swap3A, %swap3A_235] {strides = array<i32>} : memref<128x128xf32, #tpu.memory_space<vmem>>, vector<1x16xf32>,
      %swap3A_237 = vector.shape_cast %swap3A_236 : vector<1x16xf32> to vector<16xf32>
      %swap3A_238 = vector.shape_cast %broadcast_in_dim3A_234 : vector<16xf32> to vector<1x16xf32>
      tpu.vector_store %arg9[%swap3A, %swap3A_235], %swap3A_238 {strides = array<i32>} : memref<128x128xf32, #tpu.memory_space<vmem>>, vector<1x16xf32>,
      %broadcast_in_dim3A_239 = arith.constant 0.000000e+00 : f32
      %broadcast_in_dim3A_240 = vector.broadcast %broadcast_in_dim3A_239 : f32 to vector<16xf32>
      %swap3A_241 = arith.index_cast %scan3A_233 : i32 to index
      %swap3A_242 = arith.constant 16 : index
      %swap3A_243 = tpu.vector_load %arg9[%swap3A_241, %swap3A_242] {strides = array<i32>} : memref<128x128xf32, #tpu.memory_space<vmem>>, vector<1x16xf32>,
      %swap3A_244 = vector.shape_cast %swap3A_243 : vector<1x16xf32> to vector<16xf32>
      %swap3A_245 = vector.shape_cast %broadcast_in_dim3A_240 : vector<16xf32> to vector<1x16xf32>
      tpu.vector_store %arg9[%swap3A_241, %swap3A_242], %swap3A_245 {strides = array<i32>} : memref<128x128xf32, #tpu.memory_space<vmem>>, vector<1x16xf32>,
      %broadcast_in_dim3A_246 = arith.constant 0.000000e+00 : f32
      %broadcast_in_dim3A_247 = vector.broadcast %broadcast_in_dim3A_246 : f32 to vector<16xf32>
      %swap3A_248 = arith.index_cast %scan3A_233 : i32 to index
      %swap3A_249 = arith.constant 32 : index
      %swap3A_250 = tpu.vector_load %arg9[%swap3A_248, %swap3A_249] {strides = array<i32>} : memref<128x128xf32, #tpu.memory_space<vmem>>, vector<1x16xf32>,
      %swap3A_251 = vector.shape_cast %swap3A_250 : vector<1x16xf32> to vector<16xf32>
      %swap3A_252 = vector.shape_cast %broadcast_in_dim3A_247 : vector<16xf32> to vector<1x16xf32>
      tpu.vector_store %arg9[%swap3A_248, %swap3A_249], %swap3A_252 {strides = array<i32>} : memref<128x128xf32, #tpu.memory_space<vmem>>, vector<1x16xf32>,
      %broadcast_in_dim3A_253 = arith.constant 0.000000e+00 : f32
      %broadcast_in_dim3A_254 = vector.broadcast %broadcast_in_dim3A_253 : f32 to vector<16xf32>
      %swap3A_255 = arith.index_cast %scan3A_233 : i32 to index
      %swap3A_256 = arith.constant 48 : index
      %swap3A_257 = tpu.vector_load %arg9[%swap3A_255, %swap3A_256] {strides = array<i32>} : memref<128x128xf32, #tpu.memory_space<vmem>>, vector<1x16xf32>,
      %swap3A_258 = vector.shape_cast %swap3A_257 : vector<1x16xf32> to vector<16xf32>
      %swap3A_259 = vector.shape_cast %broadcast_in_dim3A_254 : vector<16xf32> to vector<1x16xf32>
      tpu.vector_store %arg9[%swap3A_255, %swap3A_256], %swap3A_259 {strides = array<i32>} : memref<128x128xf32, #tpu.memory_space<vmem>>, vector<1x16xf32>,
      %broadcast_in_dim3A_260 = arith.constant 0.000000e+00 : f32
      %broadcast_in_dim3A_261 = vector.broadcast %broadcast_in_dim3A_260 : f32 to vector<16xf32>
      %swap3A_262 = arith.index_cast %scan3A_233 : i32 to index
      %swap3A_263 = arith.constant 64 : index
      %swap3A_264 = tpu.vector_load %arg9[%swap3A_262, %swap3A_263] {strides = array<i32>} : memref<128x128xf32, #tpu.memory_space<vmem>>, vector<1x16xf32>,
      %swap3A_265 = vector.shape_cast %swap3A_264 : vector<1x16xf32> to vector<16xf32>
      %swap3A_266 = vector.shape_cast %broadcast_in_dim3A_261 : vector<16xf32> to vector<1x16xf32>
      tpu.vector_store %arg9[%swap3A_262, %swap3A_263], %swap3A_266 {strides = array<i32>} : memref<128x128xf32, #tpu.memory_space<vmem>>, vector<1x16xf32>,
      %broadcast_in_dim3A_267 = arith.constant 0.000000e+00 : f32
      %broadcast_in_dim3A_268 = vector.broadcast %broadcast_in_dim3A_267 : f32 to vector<16xf32>
      %swap3A_269 = arith.index_cast %scan3A_233 : i32 to index
      %swap3A_270 = arith.constant 80 : index
      %swap3A_271 = tpu.vector_load %arg9[%swap3A_269, %swap3A_270] {strides = array<i32>} : memref<128x128xf32, #tpu.memory_space<vmem>>, vector<1x16xf32>,
      %swap3A_272 = vector.shape_cast %swap3A_271 : vector<1x16xf32> to vector<16xf32>
      %swap3A_273 = vector.shape_cast %broadcast_in_dim3A_268 : vector<16xf32> to vector<1x16xf32>
      tpu.vector_store %arg9[%swap3A_269, %swap3A_270], %swap3A_273 {strides = array<i32>} : memref<128x128xf32, #tpu.memory_space<vmem>>, vector<1x16xf32>,
      %broadcast_in_dim3A_274 = arith.constant 0.000000e+00 : f32
      %broadcast_in_dim3A_275 = vector.broadcast %broadcast_in_dim3A_274 : f32 to vector<16xf32>
      %swap3A_276 = arith.index_cast %scan3A_233 : i32 to index
      %swap3A_277 = arith.constant 96 : index
      %swap3A_278 = tpu.vector_load %arg9[%swap3A_276, %swap3A_277] {strides = array<i32>} : memref<128x128xf32, #tpu.memory_space<vmem>>, vector<1x16xf32>,
      %swap3A_279 = vector.shape_cast %swap3A_278 : vector<1x16xf32> to vector<16xf32>
      %swap3A_280 = vector.shape_cast %broadcast_in_dim3A_275 : vector<16xf32> to vector<1x16xf32>
      tpu.vector_store %arg9[%swap3A_276, %swap3A_277], %swap3A_280 {strides = array<i32>} : memref<128x128xf32, #tpu.memory_space<vmem>>, vector<1x16xf32>,
      %broadcast_in_dim3A_281 = arith.constant 0.000000e+00 : f32
      %broadcast_in_dim3A_282 = vector.broadcast %broadcast_in_dim3A_281 : f32 to vector<16xf32>
      %swap3A_283 = arith.index_cast %scan3A_233 : i32 to index
      %swap3A_284 = arith.constant 112 : index
      %swap3A_285 = tpu.vector_load %arg9[%swap3A_283, %swap3A_284] {strides = array<i32>} : memref<128x128xf32, #tpu.memory_space<vmem>>, vector<1x16xf32>,
      %swap3A_286 = vector.shape_cast %swap3A_285 : vector<1x16xf32> to vector<16xf32>
      %swap3A_287 = vector.shape_cast %broadcast_in_dim3A_282 : vector<16xf32> to vector<1x16xf32>
      tpu.vector_store %arg9[%swap3A_283, %swap3A_284], %swap3A_287 {strides = array<i32>} : memref<128x128xf32, #tpu.memory_space<vmem>>, vector<1x16xf32>,
    }
    %scan3A_7 = arith.constant 128 : i32
    %dma_start3A = arith.constant 0 : i32
    %dma_start3A_8 = arith.constant 0 : i32
    %dma_start3A_9 = arith.constant 0 : i32
    %dma_start3A_10 = arith.constant 0 : i32
    %dma_start3A_11 = tpu.memref_slice %arg7[%dma_start3A_9, %dma_start3A_10] : memref<256x128xf32, #tpu.memory_space<vmem>> -> memref<128x128xf32, #tpu.memory_space<vmem>>
    %dma_start3A_12 = arith.constant 0 : i32
    %dma_start3A_13 = tpu.memref_slice %arg6[%dma_start3A, %dma_start3A_8, %dma_start3A_12] : memref<100x2x128xi32, #tpu.memory_space<vmem>> -> memref<1x1x128xi32, #tpu.memory_space<vmem>>
    %dma_start3A_14 = tpu.memref_squeeze %dma_start3A_13 : memref<1x1x128xi32, #tpu.memory_space<vmem>> -> memref<128xi32, #tpu.memory_space<vmem>>
    %dma_start3A_15 = arith.constant 0 : i32
    %dma_start3A_16 = arith.constant 0 : i32
    %dma_start3A_17 = tpu.memref_slice %arg2[%dma_start3A_15, %dma_start3A_16] : memref<100000x128xf32, #tpu.memory_space<hbm>> -> memref<100000x128xf32, #tpu.memory_space<hbm>>
    tpu.enqueue_indirect_dma source(%dma_start3A_17 : memref<100000x128xf32, #tpu.memory_space<hbm>>) target(%dma_start3A_11 : memref<128x128xf32, #tpu.memory_space<vmem>>) offsets(%dma_start3A_14 : memref<128xi32, #tpu.memory_space<vmem>>) semaphore(%arg10 : memref<!tpu.dma_semaphore, #tpu.memory_space<semaphore_mem>>)
    %dma_start3A_18 = arith.constant 0 : i32
    %dma_start3A_19 = arith.constant 1 : i32
    %dma_start3A_20 = arith.constant 128 : i32
    %dma_start3A_21 = arith.constant 0 : i32
    %dma_start3A_22 = tpu.memref_slice %arg7[%dma_start3A_20, %dma_start3A_21] : memref<256x128xf32, #tpu.memory_space<vmem>> -> memref<128x128xf32, #tpu.memory_space<vmem>>
    %dma_start3A_23 = arith.constant 0 : i32
    %dma_start3A_24 = tpu.memref_slice %arg6[%dma_start3A_18, %dma_start3A_19, %dma_start3A_23] : memref<100x2x128xi32, #tpu.memory_space<vmem>> -> memref<1x1x128xi32, #tpu.memory_space<vmem>>
    %dma_start3A_25 = tpu.memref_squeeze %dma_start3A_24 : memref<1x1x128xi32, #tpu.memory_space<vmem>> -> memref<128xi32, #tpu.memory_space<vmem>>
    %dma_start3A_26 = arith.constant 0 : i32
    %dma_start3A_27 = arith.constant 0 : i32
    %dma_start3A_28 = tpu.memref_slice %arg2[%dma_start3A_26, %dma_start3A_27] : memref<100000x128xf32, #tpu.memory_space<hbm>> -> memref<100000x128xf32, #tpu.memory_space<hbm>>
    tpu.enqueue_indirect_dma source(%dma_start3A_28 : memref<100000x128xf32, #tpu.memory_space<hbm>>) target(%dma_start3A_22 : memref<128x128xf32, #tpu.memory_space<vmem>>) offsets(%dma_start3A_25 : memref<128xi32, #tpu.memory_space<vmem>>) semaphore(%arg10 : memref<!tpu.dma_semaphore, #tpu.memory_space<semaphore_mem>>)
    %dma_start3A_29 = arith.constant 1 : i32
    %dma_start3A_30 = arith.constant 0 : i32
    %dma_start3A_31 = arith.constant 0 : i32
    %dma_start3A_32 = arith.constant 0 : i32
    %dma_start3A_33 = tpu.memref_slice %arg8[%dma_start3A_31, %dma_start3A_32] : memref<256x128xf32, #tpu.memory_space<vmem>> -> memref<128x128xf32, #tpu.memory_space<vmem>>
    %dma_start3A_34 = arith.constant 0 : i32
    %dma_start3A_35 = tpu.memref_slice %arg6[%dma_start3A_29, %dma_start3A_30, %dma_start3A_34] : memref<100x2x128xi32, #tpu.memory_space<vmem>> -> memref<1x1x128xi32, #tpu.memory_space<vmem>>
    %dma_start3A_36 = tpu.memref_squeeze %dma_start3A_35 : memref<1x1x128xi32, #tpu.memory_space<vmem>> -> memref<128xi32, #tpu.memory_space<vmem>>
    %dma_start3A_37 = arith.constant 0 : i32
    %dma_start3A_38 = arith.constant 0 : i32
    %dma_start3A_39 = tpu.memref_slice %arg2[%dma_start3A_37, %dma_start3A_38] : memref<100000x128xf32, #tpu.memory_space<hbm>> -> memref<100000x128xf32, #tpu.memory_space<hbm>>
    tpu.enqueue_indirect_dma source(%dma_start3A_39 : memref<100000x128xf32, #tpu.memory_space<hbm>>) target(%dma_start3A_33 : memref<128x128xf32, #tpu.memory_space<vmem>>) offsets(%dma_start3A_36 : memref<128xi32, #tpu.memory_space<vmem>>) semaphore(%arg11 : memref<!tpu.dma_semaphore, #tpu.memory_space<semaphore_mem>>)
    %dma_start3A_40 = arith.constant 1 : i32
    %dma_start3A_41 = arith.constant 1 : i32
    %dma_start3A_42 = arith.constant 128 : i32
    %dma_start3A_43 = arith.constant 0 : i32
    %dma_start3A_44 = tpu.memref_slice %arg8[%dma_start3A_42, %dma_start3A_43] : memref<256x128xf32, #tpu.memory_space<vmem>> -> memref<128x128xf32, #tpu.memory_space<vmem>>
    %dma_start3A_45 = arith.constant 0 : i32
    %dma_start3A_46 = tpu.memref_slice %arg6[%dma_start3A_40, %dma_start3A_41, %dma_start3A_45] : memref<100x2x128xi32, #tpu.memory_space<vmem>> -> memref<1x1x128xi32, #tpu.memory_space<vmem>>
    %dma_start3A_47 = tpu.memref_squeeze %dma_start3A_46 : memref<1x1x128xi32, #tpu.memory_space<vmem>> -> memref<128xi32, #tpu.memory_space<vmem>>
    %dma_start3A_48 = arith.constant 0 : i32
    %dma_start3A_49 = arith.constant 0 : i32
    %dma_start3A_50 = tpu.memref_slice %arg2[%dma_start3A_48, %dma_start3A_49] : memref<100000x128xf32, #tpu.memory_space<hbm>> -> memref<100000x128xf32, #tpu.memory_space<hbm>>
    tpu.enqueue_indirect_dma source(%dma_start3A_50 : memref<100000x128xf32, #tpu.memory_space<hbm>>) target(%dma_start3A_44 : memref<128x128xf32, #tpu.memory_space<vmem>>) offsets(%dma_start3A_47 : memref<128xi32, #tpu.memory_space<vmem>>) semaphore(%arg11 : memref<!tpu.dma_semaphore, #tpu.memory_space<semaphore_mem>>)
    %scan3A_51 = arith.constant 0 : i32
    %scan3A_52 = arith.constant 0 : i32
    %scan3A_53 = arith.constant 49 : i32
    %scan3A_54 = arith.addi %scan3A_52, %scan3A_53 : i32
    %scan3A_55 = arith.constant 1 : i32
    scf.for %scan3A_233 = %scan3A_52 to %scan3A_54 step %scan3A_55  : i32 {
      %mul3A_234 = arith.constant 2 : i32
      %mul3A_235 = arith.muli %mul3A_234, %scan3A_233 : i32
      %mul3A_236 = arith.constant 2 : i32
      %mul3A_237 = arith.muli %mul3A_236, %scan3A_233 : i32
      %add3A_238 = arith.constant 1 : i32
      %add3A_239 = arith.addi %mul3A_237, %add3A_238 : i32
      %dma_wait3A_240 = arith.constant 0 : i32
      %dma_wait3A_241 = arith.constant 0 : i32
      %dma_wait3A_242 = arith.constant 0 : i32
      %dma_wait3A_243 = arith.constant 0 : i32
      %dma_wait3A_244 = tpu.memref_slice %arg7[%dma_wait3A_242, %dma_wait3A_243] : memref<256x128xf32, #tpu.memory_space<vmem>> -> memref<128x128xf32, #tpu.memory_space<vmem>>
      %dma_wait3A_245 = arith.constant 0 : i32
      %dma_wait3A_246 = tpu.memref_slice %arg6[%dma_wait3A_240, %dma_wait3A_241, %dma_wait3A_245] : memref<100x2x128xi32, #tpu.memory_space<vmem>> -> memref<1x1x128xi32, #tpu.memory_space<vmem>>
      %dma_wait3A_247 = tpu.memref_squeeze %dma_wait3A_246 : memref<1x1x128xi32, #tpu.memory_space<vmem>> -> memref<128xi32, #tpu.memory_space<vmem>>
      %dma_wait3A_248 = arith.constant 0 : i32
      %dma_wait3A_249 = arith.constant 0 : i32
      %dma_wait3A_250 = tpu.memref_slice %arg2[%dma_wait3A_248, %dma_wait3A_249] : memref<100000x128xf32, #tpu.memory_space<hbm>> -> memref<100000x128xf32, #tpu.memory_space<hbm>>
      tpu.wait_indirect_dma semaphore(%arg10 : memref<!tpu.dma_semaphore, #tpu.memory_space<semaphore_mem>>) src(%dma_wait3A_250 : memref<100000x128xf32, #tpu.memory_space<hbm>>) dst(%dma_wait3A_244 : memref<128x128xf32, #tpu.memory_space<vmem>>)
      %dma_wait3A_251 = arith.constant 0 : i32
      %dma_wait3A_252 = arith.constant 0 : i32
      %dma_wait3A_253 = arith.constant 128 : i32
      %dma_wait3A_254 = arith.constant 0 : i32
      %dma_wait3A_255 = tpu.memref_slice %arg7[%dma_wait3A_253, %dma_wait3A_254] : memref<256x128xf32, #tpu.memory_space<vmem>> -> memref<128x128xf32, #tpu.memory_space<vmem>>
      %dma_wait3A_256 = arith.constant 0 : i32
      %dma_wait3A_257 = tpu.memref_slice %arg6[%dma_wait3A_251, %dma_wait3A_252, %dma_wait3A_256] : memref<100x2x128xi32, #tpu.memory_space<vmem>> -> memref<1x1x128xi32, #tpu.memory_space<vmem>>
      %dma_wait3A_258 = tpu.memref_squeeze %dma_wait3A_257 : memref<1x1x128xi32, #tpu.memory_space<vmem>> -> memref<128xi32, #tpu.memory_space<vmem>>
      %dma_wait3A_259 = arith.constant 0 : i32
      %dma_wait3A_260 = arith.constant 0 : i32
      %dma_wait3A_261 = tpu.memref_slice %arg2[%dma_wait3A_259, %dma_wait3A_260] : memref<100000x128xf32, #tpu.memory_space<hbm>> -> memref<100000x128xf32, #tpu.memory_space<hbm>>
      tpu.wait_indirect_dma semaphore(%arg10 : memref<!tpu.dma_semaphore, #tpu.memory_space<semaphore_mem>>) src(%dma_wait3A_261 : memref<100000x128xf32, #tpu.memory_space<hbm>>) dst(%dma_wait3A_255 : memref<128x128xf32, #tpu.memory_space<vmem>>)
      %parallel_loop3A_262 = arith.constant 0 : i32
      %parallel_loop3A_263 = arith.constant 128 : i32
      %parallel_loop3A_264 = arith.constant 1 : i32
      scf.for %parallel_loop3A_580 = %parallel_loop3A_262 to %parallel_loop3A_263 step %parallel_loop3A_264  : i32 {
        %parallel_loop3A_581 = arith.index_cast %parallel_loop3A_580 : i32 to index
        %parallel_loop3A_582 = arith.constant 0 : index
        %parallel_loop3A_583 = tpu.vector_load %arg7[%parallel_loop3A_581, %parallel_loop3A_582] {strides = array<i32>} : memref<256x128xf32, #tpu.memory_space<vmem>>, vector<1x16xf32>,
        %parallel_loop3A_584 = vector.shape_cast %parallel_loop3A_583 : vector<1x16xf32> to vector<16xf32>
        %parallel_loop3A_585 = arith.constant 128 : i32
        %parallel_loop3A_586 = arith.addi %parallel_loop3A_585, %parallel_loop3A_580 : i32
        %parallel_loop3A_587 = arith.index_cast %parallel_loop3A_586 : i32 to index
        %parallel_loop3A_588 = arith.constant 0 : index
        %parallel_loop3A_589 = tpu.vector_load %arg7[%parallel_loop3A_587, %parallel_loop3A_588] {strides = array<i32>} : memref<256x128xf32, #tpu.memory_space<vmem>>, vector<1x16xf32>,
        %parallel_loop3A_590 = vector.shape_cast %parallel_loop3A_589 : vector<1x16xf32> to vector<16xf32>
        %parallel_loop3A_591 = arith.addf %parallel_loop3A_584, %parallel_loop3A_590 : vector<16xf32>
        %parallel_loop3A_592 = arith.index_cast %parallel_loop3A_580 : i32 to index
        %parallel_loop3A_593 = arith.constant 0 : index
        %parallel_loop3A_594 = tpu.vector_load %arg9[%parallel_loop3A_592, %parallel_loop3A_593] {strides = array<i32>} : memref<128x128xf32, #tpu.memory_space<vmem>>, vector<1x16xf32>,
        %parallel_loop3A_595 = vector.shape_cast %parallel_loop3A_594 : vector<1x16xf32> to vector<16xf32>
        %parallel_loop3A_596 = vector.shape_cast %parallel_loop3A_591 : vector<16xf32> to vector<1x16xf32>
        tpu.vector_store %arg9[%parallel_loop3A_592, %parallel_loop3A_593], %parallel_loop3A_596 {add = true, strides = array<i32>} : memref<128x128xf32, #tpu.memory_space<vmem>>, vector<1x16xf32>,
        %parallel_loop3A_597 = arith.index_cast %parallel_loop3A_580 : i32 to index
        %parallel_loop3A_598 = arith.constant 16 : index
        %parallel_loop3A_599 = tpu.vector_load %arg7[%parallel_loop3A_597, %parallel_loop3A_598] {strides = array<i32>} : memref<256x128xf32, #tpu.memory_space<vmem>>, vector<1x16xf32>,
        %parallel_loop3A_600 = vector.shape_cast %parallel_loop3A_599 : vector<1x16xf32> to vector<16xf32>
        %parallel_loop3A_601 = arith.constant 128 : i32
        %parallel_loop3A_602 = arith.addi %parallel_loop3A_601, %parallel_loop3A_580 : i32
        %parallel_loop3A_603 = arith.index_cast %parallel_loop3A_602 : i32 to index
        %parallel_loop3A_604 = arith.constant 16 : index
        %parallel_loop3A_605 = tpu.vector_load %arg7[%parallel_loop3A_603, %parallel_loop3A_604] {strides = array<i32>} : memref<256x128xf32, #tpu.memory_space<vmem>>, vector<1x16xf32>,
        %parallel_loop3A_606 = vector.shape_cast %parallel_loop3A_605 : vector<1x16xf32> to vector<16xf32>
        %parallel_loop3A_607 = arith.addf %parallel_loop3A_600, %parallel_loop3A_606 : vector<16xf32>
        %parallel_loop3A_608 = arith.index_cast %parallel_loop3A_580 : i32 to index
        %parallel_loop3A_609 = arith.constant 16 : index
        %parallel_loop3A_610 = tpu.vector_load %arg9[%parallel_loop3A_608, %parallel_loop3A_609] {strides = array<i32>} : memref<128x128xf32, #tpu.memory_space<vmem>>, vector<1x16xf32>,
        %parallel_loop3A_611 = vector.shape_cast %parallel_loop3A_610 : vector<1x16xf32> to vector<16xf32>
        %parallel_loop3A_612 = vector.shape_cast %parallel_loop3A_607 : vector<16xf32> to vector<1x16xf32>
        tpu.vector_store %arg9[%parallel_loop3A_608, %parallel_loop3A_609], %parallel_loop3A_612 {add = true, strides = array<i32>} : memref<128x128xf32, #tpu.memory_space<vmem>>, vector<1x16xf32>,
        %parallel_loop3A_613 = arith.index_cast %parallel_loop3A_580 : i32 to index
        %parallel_loop3A_614 = arith.constant 32 : index
        %parallel_loop3A_615 = tpu.vector_load %arg7[%parallel_loop3A_613, %parallel_loop3A_614] {strides = array<i32>} : memref<256x128xf32, #tpu.memory_space<vmem>>, vector<1x16xf32>,
        %parallel_loop3A_616 = vector.shape_cast %parallel_loop3A_615 : vector<1x16xf32> to vector<16xf32>
        %parallel_loop3A_617 = arith.constant 128 : i32
        %parallel_loop3A_618 = arith.addi %parallel_loop3A_617, %parallel_loop3A_580 : i32
        %parallel_loop3A_619 = arith.index_cast %parallel_loop3A_618 : i32 to index
        %parallel_loop3A_620 = arith.constant 32 : index
        %parallel_loop3A_621 = tpu.vector_load %arg7[%parallel_loop3A_619, %parallel_loop3A_620] {strides = array<i32>} : memref<256x128xf32, #tpu.memory_space<vmem>>, vector<1x16xf32>,
        %parallel_loop3A_622 = vector.shape_cast %parallel_loop3A_621 : vector<1x16xf32> to vector<16xf32>
        %parallel_loop3A_623 = arith.addf %parallel_loop3A_616, %parallel_loop3A_622 : vector<16xf32>
        %parallel_loop3A_624 = arith.index_cast %parallel_loop3A_580 : i32 to index
        %parallel_loop3A_625 = arith.constant 32 : index
        %parallel_loop3A_626 = tpu.vector_load %arg9[%parallel_loop3A_624, %parallel_loop3A_625] {strides = array<i32>} : memref<128x128xf32, #tpu.memory_space<vmem>>, vector<1x16xf32>,
        %parallel_loop3A_627 = vector.shape_cast %parallel_loop3A_626 : vector<1x16xf32> to vector<16xf32>
        %parallel_loop3A_628 = vector.shape_cast %parallel_loop3A_623 : vector<16xf32> to vector<1x16xf32>
        tpu.vector_store %arg9[%parallel_loop3A_624, %parallel_loop3A_625], %parallel_loop3A_628 {add = true, strides = array<i32>} : memref<128x128xf32, #tpu.memory_space<vmem>>, vector<1x16xf32>,
        %parallel_loop3A_629 = arith.index_cast %parallel_loop3A_580 : i32 to index
        %parallel_loop3A_630 = arith.constant 48 : index
        %parallel_loop3A_631 = tpu.vector_load %arg7[%parallel_loop3A_629, %parallel_loop3A_630] {strides = array<i32>} : memref<256x128xf32, #tpu.memory_space<vmem>>, vector<1x16xf32>,
        %parallel_loop3A_632 = vector.shape_cast %parallel_loop3A_631 : vector<1x16xf32> to vector<16xf32>
        %parallel_loop3A_633 = arith.constant 128 : i32
        %parallel_loop3A_634 = arith.addi %parallel_loop3A_633, %parallel_loop3A_580 : i32
        %parallel_loop3A_635 = arith.index_cast %parallel_loop3A_634 : i32 to index
        %parallel_loop3A_636 = arith.constant 48 : index
        %parallel_loop3A_637 = tpu.vector_load %arg7[%parallel_loop3A_635, %parallel_loop3A_636] {strides = array<i32>} : memref<256x128xf32, #tpu.memory_space<vmem>>, vector<1x16xf32>,
        %parallel_loop3A_638 = vector.shape_cast %parallel_loop3A_637 : vector<1x16xf32> to vector<16xf32>
        %parallel_loop3A_639 = arith.addf %parallel_loop3A_632, %parallel_loop3A_638 : vector<16xf32>
        %parallel_loop3A_640 = arith.index_cast %parallel_loop3A_580 : i32 to index
        %parallel_loop3A_641 = arith.constant 48 : index
        %parallel_loop3A_642 = tpu.vector_load %arg9[%parallel_loop3A_640, %parallel_loop3A_641] {strides = array<i32>} : memref<128x128xf32, #tpu.memory_space<vmem>>, vector<1x16xf32>,
        %parallel_loop3A_643 = vector.shape_cast %parallel_loop3A_642 : vector<1x16xf32> to vector<16xf32>
        %parallel_loop3A_644 = vector.shape_cast %parallel_loop3A_639 : vector<16xf32> to vector<1x16xf32>
        tpu.vector_store %arg9[%parallel_loop3A_640, %parallel_loop3A_641], %parallel_loop3A_644 {add = true, strides = array<i32>} : memref<128x128xf32, #tpu.memory_space<vmem>>, vector<1x16xf32>,
        %parallel_loop3A_645 = arith.index_cast %parallel_loop3A_580 : i32 to index
        %parallel_loop3A_646 = arith.constant 64 : index
        %parallel_loop3A_647 = tpu.vector_load %arg7[%parallel_loop3A_645, %parallel_loop3A_646] {strides = array<i32>} : memref<256x128xf32, #tpu.memory_space<vmem>>, vector<1x16xf32>,
        %parallel_loop3A_648 = vector.shape_cast %parallel_loop3A_647 : vector<1x16xf32> to vector<16xf32>
        %parallel_loop3A_649 = arith.constant 128 : i32
        %parallel_loop3A_650 = arith.addi %parallel_loop3A_649, %parallel_loop3A_580 : i32
        %parallel_loop3A_651 = arith.index_cast %parallel_loop3A_650 : i32 to index
        %parallel_loop3A_652 = arith.constant 64 : index
        %parallel_loop3A_653 = tpu.vector_load %arg7[%parallel_loop3A_651, %parallel_loop3A_652] {strides = array<i32>} : memref<256x128xf32, #tpu.memory_space<vmem>>, vector<1x16xf32>,
        %parallel_loop3A_654 = vector.shape_cast %parallel_loop3A_653 : vector<1x16xf32> to vector<16xf32>
        %parallel_loop3A_655 = arith.addf %parallel_loop3A_648, %parallel_loop3A_654 : vector<16xf32>
        %parallel_loop3A_656 = arith.index_cast %parallel_loop3A_580 : i32 to index
        %parallel_loop3A_657 = arith.constant 64 : index
        %parallel_loop3A_658 = tpu.vector_load %arg9[%parallel_loop3A_656, %parallel_loop3A_657] {strides = array<i32>} : memref<128x128xf32, #tpu.memory_space<vmem>>, vector<1x16xf32>,
        %parallel_loop3A_659 = vector.shape_cast %parallel_loop3A_658 : vector<1x16xf32> to vector<16xf32>
        %parallel_loop3A_660 = vector.shape_cast %parallel_loop3A_655 : vector<16xf32> to vector<1x16xf32>
        tpu.vector_store %arg9[%parallel_loop3A_656, %parallel_loop3A_657], %parallel_loop3A_660 {add = true, strides = array<i32>} : memref<128x128xf32, #tpu.memory_space<vmem>>, vector<1x16xf32>,
        %parallel_loop3A_661 = arith.index_cast %parallel_loop3A_580 : i32 to index
        %parallel_loop3A_662 = arith.constant 80 : index
        %parallel_loop3A_663 = tpu.vector_load %arg7[%parallel_loop3A_661, %parallel_loop3A_662] {strides = array<i32>} : memref<256x128xf32, #tpu.memory_space<vmem>>, vector<1x16xf32>,
        %parallel_loop3A_664 = vector.shape_cast %parallel_loop3A_663 : vector<1x16xf32> to vector<16xf32>
        %parallel_loop3A_665 = arith.constant 128 : i32
        %parallel_loop3A_666 = arith.addi %parallel_loop3A_665, %parallel_loop3A_580 : i32
        %parallel_loop3A_667 = arith.index_cast %parallel_loop3A_666 : i32 to index
        %parallel_loop3A_668 = arith.constant 80 : index
        %parallel_loop3A_669 = tpu.vector_load %arg7[%parallel_loop3A_667, %parallel_loop3A_668] {strides = array<i32>} : memref<256x128xf32, #tpu.memory_space<vmem>>, vector<1x16xf32>,
        %parallel_loop3A_670 = vector.shape_cast %parallel_loop3A_669 : vector<1x16xf32> to vector<16xf32>
        %parallel_loop3A_671 = arith.addf %parallel_loop3A_664, %parallel_loop3A_670 : vector<16xf32>
        %parallel_loop3A_672 = arith.index_cast %parallel_loop3A_580 : i32 to index
        %parallel_loop3A_673 = arith.constant 80 : index
        %parallel_loop3A_674 = tpu.vector_load %arg9[%parallel_loop3A_672, %parallel_loop3A_673] {strides = array<i32>} : memref<128x128xf32, #tpu.memory_space<vmem>>, vector<1x16xf32>,
        %parallel_loop3A_675 = vector.shape_cast %parallel_loop3A_674 : vector<1x16xf32> to vector<16xf32>
        %parallel_loop3A_676 = vector.shape_cast %parallel_loop3A_671 : vector<16xf32> to vector<1x16xf32>
        tpu.vector_store %arg9[%parallel_loop3A_672, %parallel_loop3A_673], %parallel_loop3A_676 {add = true, strides = array<i32>} : memref<128x128xf32, #tpu.memory_space<vmem>>, vector<1x16xf32>,
        %parallel_loop3A_677 = arith.index_cast %parallel_loop3A_580 : i32 to index
        %parallel_loop3A_678 = arith.constant 96 : index
        %parallel_loop3A_679 = tpu.vector_load %arg7[%parallel_loop3A_677, %parallel_loop3A_678] {strides = array<i32>} : memref<256x128xf32, #tpu.memory_space<vmem>>, vector<1x16xf32>,
        %parallel_loop3A_680 = vector.shape_cast %parallel_loop3A_679 : vector<1x16xf32> to vector<16xf32>
        %parallel_loop3A_681 = arith.constant 128 : i32
        %parallel_loop3A_682 = arith.addi %parallel_loop3A_681, %parallel_loop3A_580 : i32
        %parallel_loop3A_683 = arith.index_cast %parallel_loop3A_682 : i32 to index
        %parallel_loop3A_684 = arith.constant 96 : index
        %parallel_loop3A_685 = tpu.vector_load %arg7[%parallel_loop3A_683, %parallel_loop3A_684] {strides = array<i32>} : memref<256x128xf32, #tpu.memory_space<vmem>>, vector<1x16xf32>,
        %parallel_loop3A_686 = vector.shape_cast %parallel_loop3A_685 : vector<1x16xf32> to vector<16xf32>
        %parallel_loop3A_687 = arith.addf %parallel_loop3A_680, %parallel_loop3A_686 : vector<16xf32>
        %parallel_loop3A_688 = arith.index_cast %parallel_loop3A_580 : i32 to index
        %parallel_loop3A_689 = arith.constant 96 : index
        %parallel_loop3A_690 = tpu.vector_load %arg9[%parallel_loop3A_688, %parallel_loop3A_689] {strides = array<i32>} : memref<128x128xf32, #tpu.memory_space<vmem>>, vector<1x16xf32>,
        %parallel_loop3A_691 = vector.shape_cast %parallel_loop3A_690 : vector<1x16xf32> to vector<16xf32>
        %parallel_loop3A_692 = vector.shape_cast %parallel_loop3A_687 : vector<16xf32> to vector<1x16xf32>
        tpu.vector_store %arg9[%parallel_loop3A_688, %parallel_loop3A_689], %parallel_loop3A_692 {add = true, strides = array<i32>} : memref<128x128xf32, #tpu.memory_space<vmem>>, vector<1x16xf32>,
        %parallel_loop3A_693 = arith.index_cast %parallel_loop3A_580 : i32 to index
        %parallel_loop3A_694 = arith.constant 112 : index
        %parallel_loop3A_695 = tpu.vector_load %arg7[%parallel_loop3A_693, %parallel_loop3A_694] {strides = array<i32>} : memref<256x128xf32, #tpu.memory_space<vmem>>, vector<1x16xf32>,
        %parallel_loop3A_696 = vector.shape_cast %parallel_loop3A_695 : vector<1x16xf32> to vector<16xf32>
        %parallel_loop3A_697 = arith.constant 128 : i32
        %parallel_loop3A_698 = arith.addi %parallel_loop3A_697, %parallel_loop3A_580 : i32
        %parallel_loop3A_699 = arith.index_cast %parallel_loop3A_698 : i32 to index
        %parallel_loop3A_700 = arith.constant 112 : index
        %parallel_loop3A_701 = tpu.vector_load %arg7[%parallel_loop3A_699, %parallel_loop3A_700] {strides = array<i32>} : memref<256x128xf32, #tpu.memory_space<vmem>>, vector<1x16xf32>,
        %parallel_loop3A_702 = vector.shape_cast %parallel_loop3A_701 : vector<1x16xf32> to vector<16xf32>
        %parallel_loop3A_703 = arith.addf %parallel_loop3A_696, %parallel_loop3A_702 : vector<16xf32>
        %parallel_loop3A_704 = arith.index_cast %parallel_loop3A_580 : i32 to index
        %parallel_loop3A_705 = arith.constant 112 : index
        %parallel_loop3A_706 = tpu.vector_load %arg9[%parallel_loop3A_704, %parallel_loop3A_705] {strides = array<i32>} : memref<128x128xf32, #tpu.memory_space<vmem>>, vector<1x16xf32>,
        %parallel_loop3A_707 = vector.shape_cast %parallel_loop3A_706 : vector<1x16xf32> to vector<16xf32>
        %parallel_loop3A_708 = vector.shape_cast %parallel_loop3A_703 : vector<16xf32> to vector<1x16xf32>
        tpu.vector_store %arg9[%parallel_loop3A_704, %parallel_loop3A_705], %parallel_loop3A_708 {add = true, strides = array<i32>} : memref<128x128xf32, #tpu.memory_space<vmem>>, vector<1x16xf32>,
      } {sc.loop_unroll_factor = 4 : i64, sc.parallel_access}
      %jit3A = arith.constant 25 : i32
      %eq3A = arith.constant 0 : i32
      %eq3A_265 = arith.cmpi eq, %jit3A, %eq3A : i32
      %jit3A_266 = arith.constant 1 : i32
      %select_n3A = arith.select %eq3A_265, %jit3A_266, %jit3A : i32
      %rem3A = arith.remsi %mul3A_235, %select_n3A : i32
      %ne3A = arith.constant 0 : i32
      %ne3A_267 = arith.cmpi ne, %rem3A, %ne3A : i32
      %lt3A = arith.constant 0 : i32
      %lt3A_268 = arith.cmpi slt, %rem3A, %lt3A : i32
      %lt3A_269 = arith.constant 0 : i32
      %lt3A_270 = arith.cmpi slt, %select_n3A, %lt3A_269 : i32
      %ne3A_271 = arith.xori %lt3A_268, %lt3A_270 : i1
      %and3A = arith.andi %ne3A_271, %ne3A_267 : i1
      %add3A_272 = arith.addi %rem3A, %select_n3A : i32
      %select_n3A_273 = arith.select %and3A, %add3A_272, %rem3A : i32
      %eq3A_274 = arith.constant 24 : i32
      %eq3A_275 = arith.cmpi eq, %select_n3A_273, %eq3A_274 : i32
      %convert_element_type3A = arith.extui %eq3A_275 : i1 to i32
      %cond3A = arith.constant 0 : i32
      %cond3A_276 = arith.cmpi ne, %convert_element_type3A, %cond3A : i32
      scf.if %cond3A_276 {
        %jit3A_580 = arith.constant 25 : i32
        %div3A_581 = arith.divsi %mul3A_235, %jit3A_580 : i32
        %sign3A_582 = arith.constant 0 : i32
        %sign3A_583 = arith.cmpi sgt, %mul3A_235, %sign3A_582 : i32
        %sign3A_584 = arith.extui %sign3A_583 : i1 to i32
        %sign3A_585 = arith.constant 0 : i32
        %sign3A_586 = arith.cmpi slt, %mul3A_235, %sign3A_585 : i32
        %sign3A_587 = arith.extui %sign3A_586 : i1 to i32
        %sign3A_588 = arith.subi %sign3A_584, %sign3A_587 : i32
        %sign3A_589 = arith.constant 0 : i32
        %sign3A_590 = arith.cmpi sgt, %jit3A_580, %sign3A_589 : i32
        %sign3A_591 = arith.extui %sign3A_590 : i1 to i32
        %sign3A_592 = arith.constant 0 : i32
        %sign3A_593 = arith.cmpi slt, %jit3A_580, %sign3A_592 : i32
        %sign3A_594 = arith.extui %sign3A_593 : i1 to i32
        %sign3A_595 = arith.subi %sign3A_591, %sign3A_594 : i32
        %ne3A_596 = arith.cmpi ne, %sign3A_588, %sign3A_595 : i32
        %rem3A_597 = arith.remsi %mul3A_235, %jit3A_580 : i32
        %ne3A_598 = arith.constant 0 : i32
        %ne3A_599 = arith.cmpi ne, %rem3A_597, %ne3A_598 : i32
        %and3A_600 = arith.andi %ne3A_596, %ne3A_599 : i1
        %sub3A_601 = arith.constant 1 : i32
        %sub3A_602 = arith.subi %div3A_581, %sub3A_601 : i32
        %select_n3A_603 = arith.select %and3A_600, %sub3A_602, %div3A_581 : i32
        %mul3A_604 = arith.constant 128 : i32
        %mul3A_605 = arith.muli %select_n3A_603, %mul3A_604 : i32
        %add3A_606 = arith.addi %mul3A_2, %mul3A_605 : i32
        "tpu.region"() ({
          %run_scoped3A = tpu.sem_alloc : memref<!tpu.dma_semaphore, #tpu.memory_space<semaphore_mem>>
          %dma_start3A_613 = arith.constant 0 : i32
          %dma_start3A_614 = tpu.memref_slice %arg5[%add3A_606, %dma_start3A_613] : memref<16384x128xf32, #tpu.memory_space<hbm>> -> memref<128x128xf32, #tpu.memory_space<hbm>>
          %dma_start3A_615 = arith.constant 0 : i32
          %dma_start3A_616 = tpu.memref_slice %arg5[%add3A_606, %dma_start3A_615] : memref<16384x128xf32, #tpu.memory_space<hbm>> -> memref<128x128xf32, #tpu.memory_space<hbm>>
          tpu.enqueue_dma source(%arg9 : memref<128x128xf32, #tpu.memory_space<vmem>>) target(%dma_start3A_616 : memref<128x128xf32, #tpu.memory_space<hbm>>) target_semaphore(%run_scoped3A : memref<!tpu.dma_semaphore, #tpu.memory_space<semaphore_mem>>)
          %dma_wait3A_617 = arith.constant 0 : i32
          %dma_wait3A_618 = tpu.memref_slice %arg5[%add3A_606, %dma_wait3A_617] : memref<16384x128xf32, #tpu.memory_space<hbm>> -> memref<128x128xf32, #tpu.memory_space<hbm>>
          %dma_wait3A_619 = arith.constant 0 : i32
          %dma_wait3A_620 = tpu.memref_slice %arg5[%add3A_606, %dma_wait3A_619] : memref<16384x128xf32, #tpu.memory_space<hbm>> -> memref<128x128xf32, #tpu.memory_space<hbm>>
          tpu.wait_dma2 semaphore(%run_scoped3A : memref<!tpu.dma_semaphore, #tpu.memory_space<semaphore_mem>>) src(%arg9 : memref<128x128xf32, #tpu.memory_space<vmem>>) dst(%dma_wait3A_620 : memref<128x128xf32, #tpu.memory_space<hbm>>)
          tpu.yield
        }) : () -> ()
        %scan3A_607 = arith.constant 0 : i32
        %scan3A_608 = arith.constant 0 : i32
        %scan3A_609 = arith.constant 128 : i32
        %scan3A_610 = arith.addi %scan3A_608, %scan3A_609 : i32
        %scan3A_611 = arith.constant 1 : i32
        scf.for %scan3A_613 = %scan3A_608 to %scan3A_610 step %scan3A_611  : i32 {
          %broadcast_in_dim3A = arith.constant 0.000000e+00 : f32
          %broadcast_in_dim3A_614 = vector.broadcast %broadcast_in_dim3A : f32 to vector<16xf32>
          %swap3A = arith.index_cast %scan3A_613 : i32 to index
          %swap3A_615 = arith.constant 0 : index
          %swap3A_616 = tpu.vector_load %arg9[%swap3A, %swap3A_615] {strides = array<i32>} : memref<128x128xf32, #tpu.memory_space<vmem>>, vector<1x16xf32>,
          %swap3A_617 = vector.shape_cast %swap3A_616 : vector<1x16xf32> to vector<16xf32>
          %swap3A_618 = vector.shape_cast %broadcast_in_dim3A_614 : vector<16xf32> to vector<1x16xf32>
          tpu.vector_store %arg9[%swap3A, %swap3A_615], %swap3A_618 {strides = array<i32>} : memref<128x128xf32, #tpu.memory_space<vmem>>, vector<1x16xf32>,
          %broadcast_in_dim3A_619 = arith.constant 0.000000e+00 : f32
          %broadcast_in_dim3A_620 = vector.broadcast %broadcast_in_dim3A_619 : f32 to vector<16xf32>
          %swap3A_621 = arith.index_cast %scan3A_613 : i32 to index
          %swap3A_622 = arith.constant 16 : index
          %swap3A_623 = tpu.vector_load %arg9[%swap3A_621, %swap3A_622] {strides = array<i32>} : memref<128x128xf32, #tpu.memory_space<vmem>>, vector<1x16xf32>,
          %swap3A_624 = vector.shape_cast %swap3A_623 : vector<1x16xf32> to vector<16xf32>
          %swap3A_625 = vector.shape_cast %broadcast_in_dim3A_620 : vector<16xf32> to vector<1x16xf32>
          tpu.vector_store %arg9[%swap3A_621, %swap3A_622], %swap3A_625 {strides = array<i32>} : memref<128x128xf32, #tpu.memory_space<vmem>>, vector<1x16xf32>,
          %broadcast_in_dim3A_626 = arith.constant 0.000000e+00 : f32
          %broadcast_in_dim3A_627 = vector.broadcast %broadcast_in_dim3A_626 : f32 to vector<16xf32>
          %swap3A_628 = arith.index_cast %scan3A_613 : i32 to index
          %swap3A_629 = arith.constant 32 : index
          %swap3A_630 = tpu.vector_load %arg9[%swap3A_628, %swap3A_629] {strides = array<i32>} : memref<128x128xf32, #tpu.memory_space<vmem>>, vector<1x16xf32>,
          %swap3A_631 = vector.shape_cast %swap3A_630 : vector<1x16xf32> to vector<16xf32>
          %swap3A_632 = vector.shape_cast %broadcast_in_dim3A_627 : vector<16xf32> to vector<1x16xf32>
          tpu.vector_store %arg9[%swap3A_628, %swap3A_629], %swap3A_632 {strides = array<i32>} : memref<128x128xf32, #tpu.memory_space<vmem>>, vector<1x16xf32>,
          %broadcast_in_dim3A_633 = arith.constant 0.000000e+00 : f32
          %broadcast_in_dim3A_634 = vector.broadcast %broadcast_in_dim3A_633 : f32 to vector<16xf32>
          %swap3A_635 = arith.index_cast %scan3A_613 : i32 to index
          %swap3A_636 = arith.constant 48 : index
          %swap3A_637 = tpu.vector_load %arg9[%swap3A_635, %swap3A_636] {strides = array<i32>} : memref<128x128xf32, #tpu.memory_space<vmem>>, vector<1x16xf32>,
          %swap3A_638 = vector.shape_cast %swap3A_637 : vector<1x16xf32> to vector<16xf32>
          %swap3A_639 = vector.shape_cast %broadcast_in_dim3A_634 : vector<16xf32> to vector<1x16xf32>
          tpu.vector_store %arg9[%swap3A_635, %swap3A_636], %swap3A_639 {strides = array<i32>} : memref<128x128xf32, #tpu.memory_space<vmem>>, vector<1x16xf32>,
          %broadcast_in_dim3A_640 = arith.constant 0.000000e+00 : f32
          %broadcast_in_dim3A_641 = vector.broadcast %broadcast_in_dim3A_640 : f32 to vector<16xf32>
          %swap3A_642 = arith.index_cast %scan3A_613 : i32 to index
          %swap3A_643 = arith.constant 64 : index
          %swap3A_644 = tpu.vector_load %arg9[%swap3A_642, %swap3A_643] {strides = array<i32>} : memref<128x128xf32, #tpu.memory_space<vmem>>, vector<1x16xf32>,
          %swap3A_645 = vector.shape_cast %swap3A_644 : vector<1x16xf32> to vector<16xf32>
          %swap3A_646 = vector.shape_cast %broadcast_in_dim3A_641 : vector<16xf32> to vector<1x16xf32>
          tpu.vector_store %arg9[%swap3A_642, %swap3A_643], %swap3A_646 {strides = array<i32>} : memref<128x128xf32, #tpu.memory_space<vmem>>, vector<1x16xf32>,
          %broadcast_in_dim3A_647 = arith.constant 0.000000e+00 : f32
          %broadcast_in_dim3A_648 = vector.broadcast %broadcast_in_dim3A_647 : f32 to vector<16xf32>
          %swap3A_649 = arith.index_cast %scan3A_613 : i32 to index
          %swap3A_650 = arith.constant 80 : index
          %swap3A_651 = tpu.vector_load %arg9[%swap3A_649, %swap3A_650] {strides = array<i32>} : memref<128x128xf32, #tpu.memory_space<vmem>>, vector<1x16xf32>,
          %swap3A_652 = vector.shape_cast %swap3A_651 : vector<1x16xf32> to vector<16xf32>
          %swap3A_653 = vector.shape_cast %broadcast_in_dim3A_648 : vector<16xf32> to vector<1x16xf32>
          tpu.vector_store %arg9[%swap3A_649, %swap3A_650], %swap3A_653 {strides = array<i32>} : memref<128x128xf32, #tpu.memory_space<vmem>>, vector<1x16xf32>,
          %broadcast_in_dim3A_654 = arith.constant 0.000000e+00 : f32
          %broadcast_in_dim3A_655 = vector.broadcast %broadcast_in_dim3A_654 : f32 to vector<16xf32>
          %swap3A_656 = arith.index_cast %scan3A_613 : i32 to index
          %swap3A_657 = arith.constant 96 : index
          %swap3A_658 = tpu.vector_load %arg9[%swap3A_656, %swap3A_657] {strides = array<i32>} : memref<128x128xf32, #tpu.memory_space<vmem>>, vector<1x16xf32>,
          %swap3A_659 = vector.shape_cast %swap3A_658 : vector<1x16xf32> to vector<16xf32>
          %swap3A_660 = vector.shape_cast %broadcast_in_dim3A_655 : vector<16xf32> to vector<1x16xf32>
          tpu.vector_store %arg9[%swap3A_656, %swap3A_657], %swap3A_660 {strides = array<i32>} : memref<128x128xf32, #tpu.memory_space<vmem>>, vector<1x16xf32>,
          %broadcast_in_dim3A_661 = arith.constant 0.000000e+00 : f32
          %broadcast_in_dim3A_662 = vector.broadcast %broadcast_in_dim3A_661 : f32 to vector<16xf32>
          %swap3A_663 = arith.index_cast %scan3A_613 : i32 to index
          %swap3A_664 = arith.constant 112 : index
          %swap3A_665 = tpu.vector_load %arg9[%swap3A_663, %swap3A_664] {strides = array<i32>} : memref<128x128xf32, #tpu.memory_space<vmem>>, vector<1x16xf32>,
          %swap3A_666 = vector.shape_cast %swap3A_665 : vector<1x16xf32> to vector<16xf32>
          %swap3A_667 = vector.shape_cast %broadcast_in_dim3A_662 : vector<16xf32> to vector<1x16xf32>
          tpu.vector_store %arg9[%swap3A_663, %swap3A_664], %swap3A_667 {strides = array<i32>} : memref<128x128xf32, #tpu.memory_space<vmem>>, vector<1x16xf32>,
        }
        %scan3A_612 = arith.constant 128 : i32
      } else {
      }
      %jit3A_277 = arith.constant 25 : i32
      %eq3A_278 = arith.constant 0 : i32
      %eq3A_279 = arith.cmpi eq, %jit3A_277, %eq3A_278 : i32
      %jit3A_280 = arith.constant 1 : i32
      %select_n3A_281 = arith.select %eq3A_279, %jit3A_280, %jit3A_277 : i32
      %rem3A_282 = arith.remsi %mul3A_235, %select_n3A_281 : i32
      %ne3A_283 = arith.constant 0 : i32
      %ne3A_284 = arith.cmpi ne, %rem3A_282, %ne3A_283 : i32
      %lt3A_285 = arith.constant 0 : i32
      %lt3A_286 = arith.cmpi slt, %rem3A_282, %lt3A_285 : i32
      %lt3A_287 = arith.constant 0 : i32
      %lt3A_288 = arith.cmpi slt, %select_n3A_281, %lt3A_287 : i32
      %ne3A_289 = arith.xori %lt3A_286, %lt3A_288 : i1
      %and3A_290 = arith.andi %ne3A_289, %ne3A_284 : i1
      %add3A_291 = arith.addi %rem3A_282, %select_n3A_281 : i32
      %select_n3A_292 = arith.select %and3A_290, %add3A_291, %rem3A_282 : i32
      %jit3A_293 = arith.constant 25 : i32
      %div3A = arith.divsi %mul3A_235, %jit3A_293 : i32
      %sign3A = arith.constant 0 : i32
      %sign3A_294 = arith.cmpi sgt, %mul3A_235, %sign3A : i32
      %sign3A_295 = arith.extui %sign3A_294 : i1 to i32
      %sign3A_296 = arith.constant 0 : i32
      %sign3A_297 = arith.cmpi slt, %mul3A_235, %sign3A_296 : i32
      %sign3A_298 = arith.extui %sign3A_297 : i1 to i32
      %sign3A_299 = arith.subi %sign3A_295, %sign3A_298 : i32
      %sign3A_300 = arith.constant 0 : i32
      %sign3A_301 = arith.cmpi sgt, %jit3A_293, %sign3A_300 : i32
      %sign3A_302 = arith.extui %sign3A_301 : i1 to i32
      %sign3A_303 = arith.constant 0 : i32
      %sign3A_304 = arith.cmpi slt, %jit3A_293, %sign3A_303 : i32
      %sign3A_305 = arith.extui %sign3A_304 : i1 to i32
      %sign3A_306 = arith.subi %sign3A_302, %sign3A_305 : i32
      %ne3A_307 = arith.cmpi ne, %sign3A_299, %sign3A_306 : i32
      %rem3A_308 = arith.remsi %mul3A_235, %jit3A_293 : i32
      %ne3A_309 = arith.constant 0 : i32
      %ne3A_310 = arith.cmpi ne, %rem3A_308, %ne3A_309 : i32
      %and3A_311 = arith.andi %ne3A_307, %ne3A_310 : i1
      %sub3A = arith.constant 1 : i32
      %sub3A_312 = arith.subi %div3A, %sub3A : i32
      %select_n3A_313 = arith.select %and3A_311, %sub3A_312, %div3A : i32
      %mul3A_314 = arith.constant 2 : i32
      %mul3A_315 = arith.muli %select_n3A_292, %mul3A_314 : i32
      %add3A_316 = arith.constant 0 : i32
      %add3A_317 = arith.addi %mul3A_315, %add3A_316 : i32
      %mul3A_318 = arith.constant 128 : i32
      %mul3A_319 = arith.muli %select_n3A_313, %mul3A_318 : i32
      %add3A_320 = arith.addi %mul3A_2, %mul3A_319 : i32
      %dma_start3A_321 = arith.constant 0 : i32
      %dma_start3A_322 = arith.constant 0 : i32
      %dma_start3A_323 = tpu.memref_slice %arg7[%dma_start3A_321, %dma_start3A_322] : memref<256x128xf32, #tpu.memory_space<vmem>> -> memref<128x128xf32, #tpu.memory_space<vmem>>
      %dma_start3A_324 = arith.constant 0 : i32
      %dma_start3A_325 = tpu.memref_slice %arg4[%add3A_317, %add3A_320, %dma_start3A_324] : memref<50x16384x128xf32, #tpu.memory_space<hbm>> -> memref<1x128x128xf32, #tpu.memory_space<hbm>>
      %dma_start3A_326 = tpu.memref_squeeze %dma_start3A_325 : memref<1x128x128xf32, #tpu.memory_space<hbm>> -> memref<128x128xf32, #tpu.memory_space<hbm>>
      %dma_start3A_327 = arith.constant 0 : i32
      %dma_start3A_328 = tpu.memref_slice %arg4[%add3A_317, %add3A_320, %dma_start3A_327] : memref<50x16384x128xf32, #tpu.memory_space<hbm>> -> memref<1x128x128xf32, #tpu.memory_space<hbm>>
      %dma_start3A_329 = tpu.memref_squeeze %dma_start3A_328 : memref<1x128x128xf32, #tpu.memory_space<hbm>> -> memref<128x128xf32, #tpu.memory_space<hbm>>
      %dma_start3A_330 = arith.constant 0 : i32
      %dma_start3A_331 = arith.constant 0 : i32
      %dma_start3A_332 = tpu.memref_slice %arg7[%dma_start3A_330, %dma_start3A_331] : memref<256x128xf32, #tpu.memory_space<vmem>> -> memref<128x128xf32, #tpu.memory_space<vmem>>
      tpu.enqueue_dma source(%dma_start3A_332 : memref<128x128xf32, #tpu.memory_space<vmem>>) target(%dma_start3A_329 : memref<128x128xf32, #tpu.memory_space<hbm>>) target_semaphore(%arg12 : memref<!tpu.dma_semaphore, #tpu.memory_space<semaphore_mem>>)
      %mul3A_333 = arith.constant 2 : i32
      %mul3A_334 = arith.muli %select_n3A_292, %mul3A_333 : i32
      %add3A_335 = arith.constant 1 : i32
      %add3A_336 = arith.addi %mul3A_334, %add3A_335 : i32
      %mul3A_337 = arith.constant 128 : i32
      %mul3A_338 = arith.muli %select_n3A_313, %mul3A_337 : i32
      %add3A_339 = arith.addi %mul3A_2, %mul3A_338 : i32
      %dma_start3A_340 = arith.constant 128 : i32
      %dma_start3A_341 = arith.constant 0 : i32
      %dma_start3A_342 = tpu.memref_slice %arg7[%dma_start3A_340, %dma_start3A_341] : memref<256x128xf32, #tpu.memory_space<vmem>> -> memref<128x128xf32, #tpu.memory_space<vmem>>
      %dma_start3A_343 = arith.constant 0 : i32
      %dma_start3A_344 = tpu.memref_slice %arg4[%add3A_336, %add3A_339, %dma_start3A_343] : memref<50x16384x128xf32, #tpu.memory_space<hbm>> -> memref<1x128x128xf32, #tpu.memory_space<hbm>>
      %dma_start3A_345 = tpu.memref_squeeze %dma_start3A_344 : memref<1x128x128xf32, #tpu.memory_space<hbm>> -> memref<128x128xf32, #tpu.memory_space<hbm>>
      %dma_start3A_346 = arith.constant 0 : i32
      %dma_start3A_347 = tpu.memref_slice %arg4[%add3A_336, %add3A_339, %dma_start3A_346] : memref<50x16384x128xf32, #tpu.memory_space<hbm>> -> memref<1x128x128xf32, #tpu.memory_space<hbm>>
      %dma_start3A_348 = tpu.memref_squeeze %dma_start3A_347 : memref<1x128x128xf32, #tpu.memory_space<hbm>> -> memref<128x128xf32, #tpu.memory_space<hbm>>
      %dma_start3A_349 = arith.constant 128 : i32
      %dma_start3A_350 = arith.constant 0 : i32
      %dma_start3A_351 = tpu.memref_slice %arg7[%dma_start3A_349, %dma_start3A_350] : memref<256x128xf32, #tpu.memory_space<vmem>> -> memref<128x128xf32, #tpu.memory_space<vmem>>
      tpu.enqueue_dma source(%dma_start3A_351 : memref<128x128xf32, #tpu.memory_space<vmem>>) target(%dma_start3A_348 : memref<128x128xf32, #tpu.memory_space<hbm>>) target_semaphore(%arg12 : memref<!tpu.dma_semaphore, #tpu.memory_space<semaphore_mem>>)
      %dma_wait3A_352 = arith.constant 0 : i32
      %dma_wait3A_353 = arith.constant 0 : i32
      %dma_wait3A_354 = arith.constant 0 : i32
      %dma_wait3A_355 = arith.constant 0 : i32
      %dma_wait3A_356 = tpu.memref_slice %arg8[%dma_wait3A_354, %dma_wait3A_355] : memref<256x128xf32, #tpu.memory_space<vmem>> -> memref<128x128xf32, #tpu.memory_space<vmem>>
      %dma_wait3A_357 = arith.constant 0 : i32
      %dma_wait3A_358 = tpu.memref_slice %arg6[%dma_wait3A_352, %dma_wait3A_353, %dma_wait3A_357] : memref<100x2x128xi32, #tpu.memory_space<vmem>> -> memref<1x1x128xi32, #tpu.memory_space<vmem>>
      %dma_wait3A_359 = tpu.memref_squeeze %dma_wait3A_358 : memref<1x1x128xi32, #tpu.memory_space<vmem>> -> memref<128xi32, #tpu.memory_space<vmem>>
      %dma_wait3A_360 = arith.constant 0 : i32
      %dma_wait3A_361 = arith.constant 0 : i32
      %dma_wait3A_362 = tpu.memref_slice %arg2[%dma_wait3A_360, %dma_wait3A_361] : memref<100000x128xf32, #tpu.memory_space<hbm>> -> memref<100000x128xf32, #tpu.memory_space<hbm>>
      tpu.wait_indirect_dma semaphore(%arg11 : memref<!tpu.dma_semaphore, #tpu.memory_space<semaphore_mem>>) src(%dma_wait3A_362 : memref<100000x128xf32, #tpu.memory_space<hbm>>) dst(%dma_wait3A_356 : memref<128x128xf32, #tpu.memory_space<vmem>>)
      %dma_wait3A_363 = arith.constant 0 : i32
      %dma_wait3A_364 = arith.constant 0 : i32
      %dma_wait3A_365 = arith.constant 128 : i32
      %dma_wait3A_366 = arith.constant 0 : i32
      %dma_wait3A_367 = tpu.memref_slice %arg8[%dma_wait3A_365, %dma_wait3A_366] : memref<256x128xf32, #tpu.memory_space<vmem>> -> memref<128x128xf32, #tpu.memory_space<vmem>>
      %dma_wait3A_368 = arith.constant 0 : i32
      %dma_wait3A_369 = tpu.memref_slice %arg6[%dma_wait3A_363, %dma_wait3A_364, %dma_wait3A_368] : memref<100x2x128xi32, #tpu.memory_space<vmem>> -> memref<1x1x128xi32, #tpu.memory_space<vmem>>
      %dma_wait3A_370 = tpu.memref_squeeze %dma_wait3A_369 : memref<1x1x128xi32, #tpu.memory_space<vmem>> -> memref<128xi32, #tpu.memory_space<vmem>>
      %dma_wait3A_371 = arith.constant 0 : i32
      %dma_wait3A_372 = arith.constant 0 : i32
      %dma_wait3A_373 = tpu.memref_slice %arg2[%dma_wait3A_371, %dma_wait3A_372] : memref<100000x128xf32, #tpu.memory_space<hbm>> -> memref<100000x128xf32, #tpu.memory_space<hbm>>
      tpu.wait_indirect_dma semaphore(%arg11 : memref<!tpu.dma_semaphore, #tpu.memory_space<semaphore_mem>>) src(%dma_wait3A_373 : memref<100000x128xf32, #tpu.memory_space<hbm>>) dst(%dma_wait3A_367 : memref<128x128xf32, #tpu.memory_space<vmem>>)
      %parallel_loop3A_374 = arith.constant 0 : i32
      %parallel_loop3A_375 = arith.constant 128 : i32
      %parallel_loop3A_376 = arith.constant 1 : i32
      scf.for %parallel_loop3A_580 = %parallel_loop3A_374 to %parallel_loop3A_375 step %parallel_loop3A_376  : i32 {
        %parallel_loop3A_581 = arith.index_cast %parallel_loop3A_580 : i32 to index
        %parallel_loop3A_582 = arith.constant 0 : index
        %parallel_loop3A_583 = tpu.vector_load %arg8[%parallel_loop3A_581, %parallel_loop3A_582] {strides = array<i32>} : memref<256x128xf32, #tpu.memory_space<vmem>>, vector<1x16xf32>,
        %parallel_loop3A_584 = vector.shape_cast %parallel_loop3A_583 : vector<1x16xf32> to vector<16xf32>
        %parallel_loop3A_585 = arith.constant 128 : i32
        %parallel_loop3A_586 = arith.addi %parallel_loop3A_585, %parallel_loop3A_580 : i32
        %parallel_loop3A_587 = arith.index_cast %parallel_loop3A_586 : i32 to index
        %parallel_loop3A_588 = arith.constant 0 : index
        %parallel_loop3A_589 = tpu.vector_load %arg8[%parallel_loop3A_587, %parallel_loop3A_588] {strides = array<i32>} : memref<256x128xf32, #tpu.memory_space<vmem>>, vector<1x16xf32>,
        %parallel_loop3A_590 = vector.shape_cast %parallel_loop3A_589 : vector<1x16xf32> to vector<16xf32>
        %parallel_loop3A_591 = arith.addf %parallel_loop3A_584, %parallel_loop3A_590 : vector<16xf32>
        %parallel_loop3A_592 = arith.index_cast %parallel_loop3A_580 : i32 to index
        %parallel_loop3A_593 = arith.constant 0 : index
        %parallel_loop3A_594 = tpu.vector_load %arg9[%parallel_loop3A_592, %parallel_loop3A_593] {strides = array<i32>} : memref<128x128xf32, #tpu.memory_space<vmem>>, vector<1x16xf32>,
        %parallel_loop3A_595 = vector.shape_cast %parallel_loop3A_594 : vector<1x16xf32> to vector<16xf32>
        %parallel_loop3A_596 = vector.shape_cast %parallel_loop3A_591 : vector<16xf32> to vector<1x16xf32>
        tpu.vector_store %arg9[%parallel_loop3A_592, %parallel_loop3A_593], %parallel_loop3A_596 {add = true, strides = array<i32>} : memref<128x128xf32, #tpu.memory_space<vmem>>, vector<1x16xf32>,
        %parallel_loop3A_597 = arith.index_cast %parallel_loop3A_580 : i32 to index
        %parallel_loop3A_598 = arith.constant 16 : index
        %parallel_loop3A_599 = tpu.vector_load %arg8[%parallel_loop3A_597, %parallel_loop3A_598] {strides = array<i32>} : memref<256x128xf32, #tpu.memory_space<vmem>>, vector<1x16xf32>,
        %parallel_loop3A_600 = vector.shape_cast %parallel_loop3A_599 : vector<1x16xf32> to vector<16xf32>
        %parallel_loop3A_601 = arith.constant 128 : i32
        %parallel_loop3A_602 = arith.addi %parallel_loop3A_601, %parallel_loop3A_580 : i32
        %parallel_loop3A_603 = arith.index_cast %parallel_loop3A_602 : i32 to index
        %parallel_loop3A_604 = arith.constant 16 : index
        %parallel_loop3A_605 = tpu.vector_load %arg8[%parallel_loop3A_603, %parallel_loop3A_604] {strides = array<i32>} : memref<256x128xf32, #tpu.memory_space<vmem>>, vector<1x16xf32>,
        %parallel_loop3A_606 = vector.shape_cast %parallel_loop3A_605 : vector<1x16xf32> to vector<16xf32>
        %parallel_loop3A_607 = arith.addf %parallel_loop3A_600, %parallel_loop3A_606 : vector<16xf32>
        %parallel_loop3A_608 = arith.index_cast %parallel_loop3A_580 : i32 to index
        %parallel_loop3A_609 = arith.constant 16 : index
        %parallel_loop3A_610 = tpu.vector_load %arg9[%parallel_loop3A_608, %parallel_loop3A_609] {strides = array<i32>} : memref<128x128xf32, #tpu.memory_space<vmem>>, vector<1x16xf32>,
        %parallel_loop3A_611 = vector.shape_cast %parallel_loop3A_610 : vector<1x16xf32> to vector<16xf32>
        %parallel_loop3A_612 = vector.shape_cast %parallel_loop3A_607 : vector<16xf32> to vector<1x16xf32>
        tpu.vector_store %arg9[%parallel_loop3A_608, %parallel_loop3A_609], %parallel_loop3A_612 {add = true, strides = array<i32>} : memref<128x128xf32, #tpu.memory_space<vmem>>, vector<1x16xf32>,
        %parallel_loop3A_613 = arith.index_cast %parallel_loop3A_580 : i32 to index
        %parallel_loop3A_614 = arith.constant 32 : index
        %parallel_loop3A_615 = tpu.vector_load %arg8[%parallel_loop3A_613, %parallel_loop3A_614] {strides = array<i32>} : memref<256x128xf32, #tpu.memory_space<vmem>>, vector<1x16xf32>,
        %parallel_loop3A_616 = vector.shape_cast %parallel_loop3A_615 : vector<1x16xf32> to vector<16xf32>
        %parallel_loop3A_617 = arith.constant 128 : i32
        %parallel_loop3A_618 = arith.addi %parallel_loop3A_617, %parallel_loop3A_580 : i32
        %parallel_loop3A_619 = arith.index_cast %parallel_loop3A_618 : i32 to index
        %parallel_loop3A_620 = arith.constant 32 : index
        %parallel_loop3A_621 = tpu.vector_load %arg8[%parallel_loop3A_619, %parallel_loop3A_620] {strides = array<i32>} : memref<256x128xf32, #tpu.memory_space<vmem>>, vector<1x16xf32>,
        %parallel_loop3A_622 = vector.shape_cast %parallel_loop3A_621 : vector<1x16xf32> to vector<16xf32>
        %parallel_loop3A_623 = arith.addf %parallel_loop3A_616, %parallel_loop3A_622 : vector<16xf32>
        %parallel_loop3A_624 = arith.index_cast %parallel_loop3A_580 : i32 to index
        %parallel_loop3A_625 = arith.constant 32 : index
        %parallel_loop3A_626 = tpu.vector_load %arg9[%parallel_loop3A_624, %parallel_loop3A_625] {strides = array<i32>} : memref<128x128xf32, #tpu.memory_space<vmem>>, vector<1x16xf32>,
        %parallel_loop3A_627 = vector.shape_cast %parallel_loop3A_626 : vector<1x16xf32> to vector<16xf32>
        %parallel_loop3A_628 = vector.shape_cast %parallel_loop3A_623 : vector<16xf32> to vector<1x16xf32>
        tpu.vector_store %arg9[%parallel_loop3A_624, %parallel_loop3A_625], %parallel_loop3A_628 {add = true, strides = array<i32>} : memref<128x128xf32, #tpu.memory_space<vmem>>, vector<1x16xf32>,
        %parallel_loop3A_629 = arith.index_cast %parallel_loop3A_580 : i32 to index
        %parallel_loop3A_630 = arith.constant 48 : index
        %parallel_loop3A_631 = tpu.vector_load %arg8[%parallel_loop3A_629, %parallel_loop3A_630] {strides = array<i32>} : memref<256x128xf32, #tpu.memory_space<vmem>>, vector<1x16xf32>,
        %parallel_loop3A_632 = vector.shape_cast %parallel_loop3A_631 : vector<1x16xf32> to vector<16xf32>
        %parallel_loop3A_633 = arith.constant 128 : i32
        %parallel_loop3A_634 = arith.addi %parallel_loop3A_633, %parallel_loop3A_580 : i32
        %parallel_loop3A_635 = arith.index_cast %parallel_loop3A_634 : i32 to index
        %parallel_loop3A_636 = arith.constant 48 : index
        %parallel_loop3A_637 = tpu.vector_load %arg8[%parallel_loop3A_635, %parallel_loop3A_636] {strides = array<i32>} : memref<256x128xf32, #tpu.memory_space<vmem>>, vector<1x16xf32>,
        %parallel_loop3A_638 = vector.shape_cast %parallel_loop3A_637 : vector<1x16xf32> to vector<16xf32>
        %parallel_loop3A_639 = arith.addf %parallel_loop3A_632, %parallel_loop3A_638 : vector<16xf32>
        %parallel_loop3A_640 = arith.index_cast %parallel_loop3A_580 : i32 to index
        %parallel_loop3A_641 = arith.constant 48 : index
        %parallel_loop3A_642 = tpu.vector_load %arg9[%parallel_loop3A_640, %parallel_loop3A_641] {strides = array<i32>} : memref<128x128xf32, #tpu.memory_space<vmem>>, vector<1x16xf32>,
        %parallel_loop3A_643 = vector.shape_cast %parallel_loop3A_642 : vector<1x16xf32> to vector<16xf32>
        %parallel_loop3A_644 = vector.shape_cast %parallel_loop3A_639 : vector<16xf32> to vector<1x16xf32>
        tpu.vector_store %arg9[%parallel_loop3A_640, %parallel_loop3A_641], %parallel_loop3A_644 {add = true, strides = array<i32>} : memref<128x128xf32, #tpu.memory_space<vmem>>, vector<1x16xf32>,
        %parallel_loop3A_645 = arith.index_cast %parallel_loop3A_580 : i32 to index
        %parallel_loop3A_646 = arith.constant 64 : index
        %parallel_loop3A_647 = tpu.vector_load %arg8[%parallel_loop3A_645, %parallel_loop3A_646] {strides = array<i32>} : memref<256x128xf32, #tpu.memory_space<vmem>>, vector<1x16xf32>,
        %parallel_loop3A_648 = vector.shape_cast %parallel_loop3A_647 : vector<1x16xf32> to vector<16xf32>
        %parallel_loop3A_649 = arith.constant 128 : i32
        %parallel_loop3A_650 = arith.addi %parallel_loop3A_649, %parallel_loop3A_580 : i32
        %parallel_loop3A_651 = arith.index_cast %parallel_loop3A_650 : i32 to index
        %parallel_loop3A_652 = arith.constant 64 : index
        %parallel_loop3A_653 = tpu.vector_load %arg8[%parallel_loop3A_651, %parallel_loop3A_652] {strides = array<i32>} : memref<256x128xf32, #tpu.memory_space<vmem>>, vector<1x16xf32>,
        %parallel_loop3A_654 = vector.shape_cast %parallel_loop3A_653 : vector<1x16xf32> to vector<16xf32>
        %parallel_loop3A_655 = arith.addf %parallel_loop3A_648, %parallel_loop3A_654 : vector<16xf32>
        %parallel_loop3A_656 = arith.index_cast %parallel_loop3A_580 : i32 to index
        %parallel_loop3A_657 = arith.constant 64 : index
        %parallel_loop3A_658 = tpu.vector_load %arg9[%parallel_loop3A_656, %parallel_loop3A_657] {strides = array<i32>} : memref<128x128xf32, #tpu.memory_space<vmem>>, vector<1x16xf32>,
        %parallel_loop3A_659 = vector.shape_cast %parallel_loop3A_658 : vector<1x16xf32> to vector<16xf32>
        %parallel_loop3A_660 = vector.shape_cast %parallel_loop3A_655 : vector<16xf32> to vector<1x16xf32>
        tpu.vector_store %arg9[%parallel_loop3A_656, %parallel_loop3A_657], %parallel_loop3A_660 {add = true, strides = array<i32>} : memref<128x128xf32, #tpu.memory_space<vmem>>, vector<1x16xf32>,
        %parallel_loop3A_661 = arith.index_cast %parallel_loop3A_580 : i32 to index
        %parallel_loop3A_662 = arith.constant 80 : index
        %parallel_loop3A_663 = tpu.vector_load %arg8[%parallel_loop3A_661, %parallel_loop3A_662] {strides = array<i32>} : memref<256x128xf32, #tpu.memory_space<vmem>>, vector<1x16xf32>,
        %parallel_loop3A_664 = vector.shape_cast %parallel_loop3A_663 : vector<1x16xf32> to vector<16xf32>
        %parallel_loop3A_665 = arith.constant 128 : i32
        %parallel_loop3A_666 = arith.addi %parallel_loop3A_665, %parallel_loop3A_580 : i32
        %parallel_loop3A_667 = arith.index_cast %parallel_loop3A_666 : i32 to index
        %parallel_loop3A_668 = arith.constant 80 : index
        %parallel_loop3A_669 = tpu.vector_load %arg8[%parallel_loop3A_667, %parallel_loop3A_668] {strides = array<i32>} : memref<256x128xf32, #tpu.memory_space<vmem>>, vector<1x16xf32>,
        %parallel_loop3A_670 = vector.shape_cast %parallel_loop3A_669 : vector<1x16xf32> to vector<16xf32>
        %parallel_loop3A_671 = arith.addf %parallel_loop3A_664, %parallel_loop3A_670 : vector<16xf32>
        %parallel_loop3A_672 = arith.index_cast %parallel_loop3A_580 : i32 to index
        %parallel_loop3A_673 = arith.constant 80 : index
        %parallel_loop3A_674 = tpu.vector_load %arg9[%parallel_loop3A_672, %parallel_loop3A_673] {strides = array<i32>} : memref<128x128xf32, #tpu.memory_space<vmem>>, vector<1x16xf32>,
        %parallel_loop3A_675 = vector.shape_cast %parallel_loop3A_674 : vector<1x16xf32> to vector<16xf32>
        %parallel_loop3A_676 = vector.shape_cast %parallel_loop3A_671 : vector<16xf32> to vector<1x16xf32>
        tpu.vector_store %arg9[%parallel_loop3A_672, %parallel_loop3A_673], %parallel_loop3A_676 {add = true, strides = array<i32>} : memref<128x128xf32, #tpu.memory_space<vmem>>, vector<1x16xf32>,
        %parallel_loop3A_677 = arith.index_cast %parallel_loop3A_580 : i32 to index
        %parallel_loop3A_678 = arith.constant 96 : index
        %parallel_loop3A_679 = tpu.vector_load %arg8[%parallel_loop3A_677, %parallel_loop3A_678] {strides = array<i32>} : memref<256x128xf32, #tpu.memory_space<vmem>>, vector<1x16xf32>,
        %parallel_loop3A_680 = vector.shape_cast %parallel_loop3A_679 : vector<1x16xf32> to vector<16xf32>
        %parallel_loop3A_681 = arith.constant 128 : i32
        %parallel_loop3A_682 = arith.addi %parallel_loop3A_681, %parallel_loop3A_580 : i32
        %parallel_loop3A_683 = arith.index_cast %parallel_loop3A_682 : i32 to index
        %parallel_loop3A_684 = arith.constant 96 : index
        %parallel_loop3A_685 = tpu.vector_load %arg8[%parallel_loop3A_683, %parallel_loop3A_684] {strides = array<i32>} : memref<256x128xf32, #tpu.memory_space<vmem>>, vector<1x16xf32>,
        %parallel_loop3A_686 = vector.shape_cast %parallel_loop3A_685 : vector<1x16xf32> to vector<16xf32>
        %parallel_loop3A_687 = arith.addf %parallel_loop3A_680, %parallel_loop3A_686 : vector<16xf32>
        %parallel_loop3A_688 = arith.index_cast %parallel_loop3A_580 : i32 to index
        %parallel_loop3A_689 = arith.constant 96 : index
        %parallel_loop3A_690 = tpu.vector_load %arg9[%parallel_loop3A_688, %parallel_loop3A_689] {strides = array<i32>} : memref<128x128xf32, #tpu.memory_space<vmem>>, vector<1x16xf32>,
        %parallel_loop3A_691 = vector.shape_cast %parallel_loop3A_690 : vector<1x16xf32> to vector<16xf32>
        %parallel_loop3A_692 = vector.shape_cast %parallel_loop3A_687 : vector<16xf32> to vector<1x16xf32>
        tpu.vector_store %arg9[%parallel_loop3A_688, %parallel_loop3A_689], %parallel_loop3A_692 {add = true, strides = array<i32>} : memref<128x128xf32, #tpu.memory_space<vmem>>, vector<1x16xf32>,
        %parallel_loop3A_693 = arith.index_cast %parallel_loop3A_580 : i32 to index
        %parallel_loop3A_694 = arith.constant 112 : index
        %parallel_loop3A_695 = tpu.vector_load %arg8[%parallel_loop3A_693, %parallel_loop3A_694] {strides = array<i32>} : memref<256x128xf32, #tpu.memory_space<vmem>>, vector<1x16xf32>,
        %parallel_loop3A_696 = vector.shape_cast %parallel_loop3A_695 : vector<1x16xf32> to vector<16xf32>
        %parallel_loop3A_697 = arith.constant 128 : i32
        %parallel_loop3A_698 = arith.addi %parallel_loop3A_697, %parallel_loop3A_580 : i32
        %parallel_loop3A_699 = arith.index_cast %parallel_loop3A_698 : i32 to index
        %parallel_loop3A_700 = arith.constant 112 : index
        %parallel_loop3A_701 = tpu.vector_load %arg8[%parallel_loop3A_699, %parallel_loop3A_700] {strides = array<i32>} : memref<256x128xf32, #tpu.memory_space<vmem>>, vector<1x16xf32>,
        %parallel_loop3A_702 = vector.shape_cast %parallel_loop3A_701 : vector<1x16xf32> to vector<16xf32>
        %parallel_loop3A_703 = arith.addf %parallel_loop3A_696, %parallel_loop3A_702 : vector<16xf32>
        %parallel_loop3A_704 = arith.index_cast %parallel_loop3A_580 : i32 to index
        %parallel_loop3A_705 = arith.constant 112 : index
        %parallel_loop3A_706 = tpu.vector_load %arg9[%parallel_loop3A_704, %parallel_loop3A_705] {strides = array<i32>} : memref<128x128xf32, #tpu.memory_space<vmem>>, vector<1x16xf32>,
        %parallel_loop3A_707 = vector.shape_cast %parallel_loop3A_706 : vector<1x16xf32> to vector<16xf32>
        %parallel_loop3A_708 = vector.shape_cast %parallel_loop3A_703 : vector<16xf32> to vector<1x16xf32>
        tpu.vector_store %arg9[%parallel_loop3A_704, %parallel_loop3A_705], %parallel_loop3A_708 {add = true, strides = array<i32>} : memref<128x128xf32, #tpu.memory_space<vmem>>, vector<1x16xf32>,
      } {sc.loop_unroll_factor = 4 : i64, sc.parallel_access}
      %jit3A_377 = arith.constant 25 : i32
      %eq3A_378 = arith.constant 0 : i32
      %eq3A_379 = arith.cmpi eq, %jit3A_377, %eq3A_378 : i32
      %jit3A_380 = arith.constant 1 : i32
      %select_n3A_381 = arith.select %eq3A_379, %jit3A_380, %jit3A_377 : i32
      %rem3A_382 = arith.remsi %add3A_239, %select_n3A_381 : i32
      %ne3A_383 = arith.constant 0 : i32
      %ne3A_384 = arith.cmpi ne, %rem3A_382, %ne3A_383 : i32
      %lt3A_385 = arith.constant 0 : i32
      %lt3A_386 = arith.cmpi slt, %rem3A_382, %lt3A_385 : i32
      %lt3A_387 = arith.constant 0 : i32
      %lt3A_388 = arith.cmpi slt, %select_n3A_381, %lt3A_387 : i32
      %ne3A_389 = arith.xori %lt3A_386, %lt3A_388 : i1
      %and3A_390 = arith.andi %ne3A_389, %ne3A_384 : i1
      %add3A_391 = arith.addi %rem3A_382, %select_n3A_381 : i32
      %select_n3A_392 = arith.select %and3A_390, %add3A_391, %rem3A_382 : i32
      %eq3A_393 = arith.constant 24 : i32
      %eq3A_394 = arith.cmpi eq, %select_n3A_392, %eq3A_393 : i32
      %convert_element_type3A_395 = arith.extui %eq3A_394 : i1 to i32
      %cond3A_396 = arith.constant 0 : i32
      %cond3A_397 = arith.cmpi ne, %convert_element_type3A_395, %cond3A_396 : i32
      scf.if %cond3A_397 {
        %jit3A_580 = arith.constant 25 : i32
        %div3A_581 = arith.divsi %add3A_239, %jit3A_580 : i32
        %sign3A_582 = arith.constant 0 : i32
        %sign3A_583 = arith.cmpi sgt, %add3A_239, %sign3A_582 : i32
        %sign3A_584 = arith.extui %sign3A_583 : i1 to i32
        %sign3A_585 = arith.constant 0 : i32
        %sign3A_586 = arith.cmpi slt, %add3A_239, %sign3A_585 : i32
        %sign3A_587 = arith.extui %sign3A_586 : i1 to i32
        %sign3A_588 = arith.subi %sign3A_584, %sign3A_587 : i32
        %sign3A_589 = arith.constant 0 : i32
        %sign3A_590 = arith.cmpi sgt, %jit3A_580, %sign3A_589 : i32
        %sign3A_591 = arith.extui %sign3A_590 : i1 to i32
        %sign3A_592 = arith.constant 0 : i32
        %sign3A_593 = arith.cmpi slt, %jit3A_580, %sign3A_592 : i32
        %sign3A_594 = arith.extui %sign3A_593 : i1 to i32
        %sign3A_595 = arith.subi %sign3A_591, %sign3A_594 : i32
        %ne3A_596 = arith.cmpi ne, %sign3A_588, %sign3A_595 : i32
        %rem3A_597 = arith.remsi %add3A_239, %jit3A_580 : i32
        %ne3A_598 = arith.constant 0 : i32
        %ne3A_599 = arith.cmpi ne, %rem3A_597, %ne3A_598 : i32
        %and3A_600 = arith.andi %ne3A_596, %ne3A_599 : i1
        %sub3A_601 = arith.constant 1 : i32
        %sub3A_602 = arith.subi %div3A_581, %sub3A_601 : i32
        %select_n3A_603 = arith.select %and3A_600, %sub3A_602, %div3A_581 : i32
        %mul3A_604 = arith.constant 128 : i32
        %mul3A_605 = arith.muli %select_n3A_603, %mul3A_604 : i32
        %add3A_606 = arith.addi %mul3A_2, %mul3A_605 : i32
        "tpu.region"() ({
          %run_scoped3A = tpu.sem_alloc : memref<!tpu.dma_semaphore, #tpu.memory_space<semaphore_mem>>
          %dma_start3A_613 = arith.constant 0 : i32
          %dma_start3A_614 = tpu.memref_slice %arg5[%add3A_606, %dma_start3A_613] : memref<16384x128xf32, #tpu.memory_space<hbm>> -> memref<128x128xf32, #tpu.memory_space<hbm>>
          %dma_start3A_615 = arith.constant 0 : i32
          %dma_start3A_616 = tpu.memref_slice %arg5[%add3A_606, %dma_start3A_615] : memref<16384x128xf32, #tpu.memory_space<hbm>> -> memref<128x128xf32, #tpu.memory_space<hbm>>
          tpu.enqueue_dma source(%arg9 : memref<128x128xf32, #tpu.memory_space<vmem>>) target(%dma_start3A_616 : memref<128x128xf32, #tpu.memory_space<hbm>>) target_semaphore(%run_scoped3A : memref<!tpu.dma_semaphore, #tpu.memory_space<semaphore_mem>>)
          %dma_wait3A_617 = arith.constant 0 : i32
          %dma_wait3A_618 = tpu.memref_slice %arg5[%add3A_606, %dma_wait3A_617] : memref<16384x128xf32, #tpu.memory_space<hbm>> -> memref<128x128xf32, #tpu.memory_space<hbm>>
          %dma_wait3A_619 = arith.constant 0 : i32
          %dma_wait3A_620 = tpu.memref_slice %arg5[%add3A_606, %dma_wait3A_619] : memref<16384x128xf32, #tpu.memory_space<hbm>> -> memref<128x128xf32, #tpu.memory_space<hbm>>
          tpu.wait_dma2 semaphore(%run_scoped3A : memref<!tpu.dma_semaphore, #tpu.memory_space<semaphore_mem>>) src(%arg9 : memref<128x128xf32, #tpu.memory_space<vmem>>) dst(%dma_wait3A_620 : memref<128x128xf32, #tpu.memory_space<hbm>>)
          tpu.yield
        }) : () -> ()
        %scan3A_607 = arith.constant 0 : i32
        %scan3A_608 = arith.constant 0 : i32
        %scan3A_609 = arith.constant 128 : i32
        %scan3A_610 = arith.addi %scan3A_608, %scan3A_609 : i32
        %scan3A_611 = arith.constant 1 : i32
        scf.for %scan3A_613 = %scan3A_608 to %scan3A_610 step %scan3A_611  : i32 {
          %broadcast_in_dim3A = arith.constant 0.000000e+00 : f32
          %broadcast_in_dim3A_614 = vector.broadcast %broadcast_in_dim3A : f32 to vector<16xf32>
          %swap3A = arith.index_cast %scan3A_613 : i32 to index
          %swap3A_615 = arith.constant 0 : index
          %swap3A_616 = tpu.vector_load %arg9[%swap3A, %swap3A_615] {strides = array<i32>} : memref<128x128xf32, #tpu.memory_space<vmem>>, vector<1x16xf32>,
          %swap3A_617 = vector.shape_cast %swap3A_616 : vector<1x16xf32> to vector<16xf32>
          %swap3A_618 = vector.shape_cast %broadcast_in_dim3A_614 : vector<16xf32> to vector<1x16xf32>
          tpu.vector_store %arg9[%swap3A, %swap3A_615], %swap3A_618 {strides = array<i32>} : memref<128x128xf32, #tpu.memory_space<vmem>>, vector<1x16xf32>,
          %broadcast_in_dim3A_619 = arith.constant 0.000000e+00 : f32
          %broadcast_in_dim3A_620 = vector.broadcast %broadcast_in_dim3A_619 : f32 to vector<16xf32>
          %swap3A_621 = arith.index_cast %scan3A_613 : i32 to index
          %swap3A_622 = arith.constant 16 : index
          %swap3A_623 = tpu.vector_load %arg9[%swap3A_621, %swap3A_622] {strides = array<i32>} : memref<128x128xf32, #tpu.memory_space<vmem>>, vector<1x16xf32>,
          %swap3A_624 = vector.shape_cast %swap3A_623 : vector<1x16xf32> to vector<16xf32>
          %swap3A_625 = vector.shape_cast %broadcast_in_dim3A_620 : vector<16xf32> to vector<1x16xf32>
          tpu.vector_store %arg9[%swap3A_621, %swap3A_622], %swap3A_625 {strides = array<i32>} : memref<128x128xf32, #tpu.memory_space<vmem>>, vector<1x16xf32>,
          %broadcast_in_dim3A_626 = arith.constant 0.000000e+00 : f32
          %broadcast_in_dim3A_627 = vector.broadcast %broadcast_in_dim3A_626 : f32 to vector<16xf32>
          %swap3A_628 = arith.index_cast %scan3A_613 : i32 to index
          %swap3A_629 = arith.constant 32 : index
          %swap3A_630 = tpu.vector_load %arg9[%swap3A_628, %swap3A_629] {strides = array<i32>} : memref<128x128xf32, #tpu.memory_space<vmem>>, vector<1x16xf32>,
          %swap3A_631 = vector.shape_cast %swap3A_630 : vector<1x16xf32> to vector<16xf32>
          %swap3A_632 = vector.shape_cast %broadcast_in_dim3A_627 : vector<16xf32> to vector<1x16xf32>
          tpu.vector_store %arg9[%swap3A_628, %swap3A_629], %swap3A_632 {strides = array<i32>} : memref<128x128xf32, #tpu.memory_space<vmem>>, vector<1x16xf32>,
          %broadcast_in_dim3A_633 = arith.constant 0.000000e+00 : f32
          %broadcast_in_dim3A_634 = vector.broadcast %broadcast_in_dim3A_633 : f32 to vector<16xf32>
          %swap3A_635 = arith.index_cast %scan3A_613 : i32 to index
          %swap3A_636 = arith.constant 48 : index
          %swap3A_637 = tpu.vector_load %arg9[%swap3A_635, %swap3A_636] {strides = array<i32>} : memref<128x128xf32, #tpu.memory_space<vmem>>, vector<1x16xf32>,
          %swap3A_638 = vector.shape_cast %swap3A_637 : vector<1x16xf32> to vector<16xf32>
          %swap3A_639 = vector.shape_cast %broadcast_in_dim3A_634 : vector<16xf32> to vector<1x16xf32>
          tpu.vector_store %arg9[%swap3A_635, %swap3A_636], %swap3A_639 {strides = array<i32>} : memref<128x128xf32, #tpu.memory_space<vmem>>, vector<1x16xf32>,
          %broadcast_in_dim3A_640 = arith.constant 0.000000e+00 : f32
          %broadcast_in_dim3A_641 = vector.broadcast %broadcast_in_dim3A_640 : f32 to vector<16xf32>
          %swap3A_642 = arith.index_cast %scan3A_613 : i32 to index
          %swap3A_643 = arith.constant 64 : index
          %swap3A_644 = tpu.vector_load %arg9[%swap3A_642, %swap3A_643] {strides = array<i32>} : memref<128x128xf32, #tpu.memory_space<vmem>>, vector<1x16xf32>,
          %swap3A_645 = vector.shape_cast %swap3A_644 : vector<1x16xf32> to vector<16xf32>
          %swap3A_646 = vector.shape_cast %broadcast_in_dim3A_641 : vector<16xf32> to vector<1x16xf32>
          tpu.vector_store %arg9[%swap3A_642, %swap3A_643], %swap3A_646 {strides = array<i32>} : memref<128x128xf32, #tpu.memory_space<vmem>>, vector<1x16xf32>,
          %broadcast_in_dim3A_647 = arith.constant 0.000000e+00 : f32
          %broadcast_in_dim3A_648 = vector.broadcast %broadcast_in_dim3A_647 : f32 to vector<16xf32>
          %swap3A_649 = arith.index_cast %scan3A_613 : i32 to index
          %swap3A_650 = arith.constant 80 : index
          %swap3A_651 = tpu.vector_load %arg9[%swap3A_649, %swap3A_650] {strides = array<i32>} : memref<128x128xf32, #tpu.memory_space<vmem>>, vector<1x16xf32>,
          %swap3A_652 = vector.shape_cast %swap3A_651 : vector<1x16xf32> to vector<16xf32>
          %swap3A_653 = vector.shape_cast %broadcast_in_dim3A_648 : vector<16xf32> to vector<1x16xf32>
          tpu.vector_store %arg9[%swap3A_649, %swap3A_650], %swap3A_653 {strides = array<i32>} : memref<128x128xf32, #tpu.memory_space<vmem>>, vector<1x16xf32>,
          %broadcast_in_dim3A_654 = arith.constant 0.000000e+00 : f32
          %broadcast_in_dim3A_655 = vector.broadcast %broadcast_in_dim3A_654 : f32 to vector<16xf32>
          %swap3A_656 = arith.index_cast %scan3A_613 : i32 to index
          %swap3A_657 = arith.constant 96 : index
          %swap3A_658 = tpu.vector_load %arg9[%swap3A_656, %swap3A_657] {strides = array<i32>} : memref<128x128xf32, #tpu.memory_space<vmem>>, vector<1x16xf32>,
          %swap3A_659 = vector.shape_cast %swap3A_658 : vector<1x16xf32> to vector<16xf32>
          %swap3A_660 = vector.shape_cast %broadcast_in_dim3A_655 : vector<16xf32> to vector<1x16xf32>
          tpu.vector_store %arg9[%swap3A_656, %swap3A_657], %swap3A_660 {strides = array<i32>} : memref<128x128xf32, #tpu.memory_space<vmem>>, vector<1x16xf32>,
          %broadcast_in_dim3A_661 = arith.constant 0.000000e+00 : f32
          %broadcast_in_dim3A_662 = vector.broadcast %broadcast_in_dim3A_661 : f32 to vector<16xf32>
          %swap3A_663 = arith.index_cast %scan3A_613 : i32 to index
          %swap3A_664 = arith.constant 112 : index
          %swap3A_665 = tpu.vector_load %arg9[%swap3A_663, %swap3A_664] {strides = array<i32>} : memref<128x128xf32, #tpu.memory_space<vmem>>, vector<1x16xf32>,
          %swap3A_666 = vector.shape_cast %swap3A_665 : vector<1x16xf32> to vector<16xf32>
          %swap3A_667 = vector.shape_cast %broadcast_in_dim3A_662 : vector<16xf32> to vector<1x16xf32>
          tpu.vector_store %arg9[%swap3A_663, %swap3A_664], %swap3A_667 {strides = array<i32>} : memref<128x128xf32, #tpu.memory_space<vmem>>, vector<1x16xf32>,
        }
        %scan3A_612 = arith.constant 128 : i32
      } else {
      }
      %jit3A_398 = arith.constant 25 : i32
      %eq3A_399 = arith.constant 0 : i32
      %eq3A_400 = arith.cmpi eq, %jit3A_398, %eq3A_399 : i32
      %jit3A_401 = arith.constant 1 : i32
      %select_n3A_402 = arith.select %eq3A_400, %jit3A_401, %jit3A_398 : i32
      %rem3A_403 = arith.remsi %add3A_239, %select_n3A_402 : i32
      %ne3A_404 = arith.constant 0 : i32
      %ne3A_405 = arith.cmpi ne, %rem3A_403, %ne3A_404 : i32
      %lt3A_406 = arith.constant 0 : i32
      %lt3A_407 = arith.cmpi slt, %rem3A_403, %lt3A_406 : i32
      %lt3A_408 = arith.constant 0 : i32
      %lt3A_409 = arith.cmpi slt, %select_n3A_402, %lt3A_408 : i32
      %ne3A_410 = arith.xori %lt3A_407, %lt3A_409 : i1
      %and3A_411 = arith.andi %ne3A_410, %ne3A_405 : i1
      %add3A_412 = arith.addi %rem3A_403, %select_n3A_402 : i32
      %select_n3A_413 = arith.select %and3A_411, %add3A_412, %rem3A_403 : i32
      %jit3A_414 = arith.constant 25 : i32
      %div3A_415 = arith.divsi %add3A_239, %jit3A_414 : i32
      %sign3A_416 = arith.constant 0 : i32
      %sign3A_417 = arith.cmpi sgt, %add3A_239, %sign3A_416 : i32
      %sign3A_418 = arith.extui %sign3A_417 : i1 to i32
      %sign3A_419 = arith.constant 0 : i32
      %sign3A_420 = arith.cmpi slt, %add3A_239, %sign3A_419 : i32
      %sign3A_421 = arith.extui %sign3A_420 : i1 to i32
      %sign3A_422 = arith.subi %sign3A_418, %sign3A_421 : i32
      %sign3A_423 = arith.constant 0 : i32
      %sign3A_424 = arith.cmpi sgt, %jit3A_414, %sign3A_423 : i32
      %sign3A_425 = arith.extui %sign3A_424 : i1 to i32
      %sign3A_426 = arith.constant 0 : i32
      %sign3A_427 = arith.cmpi slt, %jit3A_414, %sign3A_426 : i32
      %sign3A_428 = arith.extui %sign3A_427 : i1 to i32
      %sign3A_429 = arith.subi %sign3A_425, %sign3A_428 : i32
      %ne3A_430 = arith.cmpi ne, %sign3A_422, %sign3A_429 : i32
      %rem3A_431 = arith.remsi %add3A_239, %jit3A_414 : i32
      %ne3A_432 = arith.constant 0 : i32
      %ne3A_433 = arith.cmpi ne, %rem3A_431, %ne3A_432 : i32
      %and3A_434 = arith.andi %ne3A_430, %ne3A_433 : i1
      %sub3A_435 = arith.constant 1 : i32
      %sub3A_436 = arith.subi %div3A_415, %sub3A_435 : i32
      %select_n3A_437 = arith.select %and3A_434, %sub3A_436, %div3A_415 : i32
      %mul3A_438 = arith.constant 2 : i32
      %mul3A_439 = arith.muli %select_n3A_413, %mul3A_438 : i32
      %add3A_440 = arith.constant 0 : i32
      %add3A_441 = arith.addi %mul3A_439, %add3A_440 : i32
      %mul3A_442 = arith.constant 128 : i32
      %mul3A_443 = arith.muli %select_n3A_437, %mul3A_442 : i32
      %add3A_444 = arith.addi %mul3A_2, %mul3A_443 : i32
      %dma_start3A_445 = arith.constant 0 : i32
      %dma_start3A_446 = arith.constant 0 : i32
      %dma_start3A_447 = tpu.memref_slice %arg8[%dma_start3A_445, %dma_start3A_446] : memref<256x128xf32, #tpu.memory_space<vmem>> -> memref<128x128xf32, #tpu.memory_space<vmem>>
      %dma_start3A_448 = arith.constant 0 : i32
      %dma_start3A_449 = tpu.memref_slice %arg4[%add3A_441, %add3A_444, %dma_start3A_448] : memref<50x16384x128xf32, #tpu.memory_space<hbm>> -> memref<1x128x128xf32, #tpu.memory_space<hbm>>
      %dma_start3A_450 = tpu.memref_squeeze %dma_start3A_449 : memref<1x128x128xf32, #tpu.memory_space<hbm>> -> memref<128x128xf32, #tpu.memory_space<hbm>>
      %dma_start3A_451 = arith.constant 0 : i32
      %dma_start3A_452 = tpu.memref_slice %arg4[%add3A_441, %add3A_444, %dma_start3A_451] : memref<50x16384x128xf32, #tpu.memory_space<hbm>> -> memref<1x128x128xf32, #tpu.memory_space<hbm>>
      %dma_start3A_453 = tpu.memref_squeeze %dma_start3A_452 : memref<1x128x128xf32, #tpu.memory_space<hbm>> -> memref<128x128xf32, #tpu.memory_space<hbm>>
      %dma_start3A_454 = arith.constant 0 : i32
      %dma_start3A_455 = arith.constant 0 : i32
      %dma_start3A_456 = tpu.memref_slice %arg8[%dma_start3A_454, %dma_start3A_455] : memref<256x128xf32, #tpu.memory_space<vmem>> -> memref<128x128xf32, #tpu.memory_space<vmem>>
      tpu.enqueue_dma source(%dma_start3A_456 : memref<128x128xf32, #tpu.memory_space<vmem>>) target(%dma_start3A_453 : memref<128x128xf32, #tpu.memory_space<hbm>>) target_semaphore(%arg13 : memref<!tpu.dma_semaphore, #tpu.memory_space<semaphore_mem>>)
      %mul3A_457 = arith.constant 2 : i32
      %mul3A_458 = arith.muli %select_n3A_413, %mul3A_457 : i32
      %add3A_459 = arith.constant 1 : i32
      %add3A_460 = arith.addi %mul3A_458, %add3A_459 : i32
      %mul3A_461 = arith.constant 128 : i32
      %mul3A_462 = arith.muli %select_n3A_437, %mul3A_461 : i32
      %add3A_463 = arith.addi %mul3A_2, %mul3A_462 : i32
      %dma_start3A_464 = arith.constant 128 : i32
      %dma_start3A_465 = arith.constant 0 : i32
      %dma_start3A_466 = tpu.memref_slice %arg8[%dma_start3A_464, %dma_start3A_465] : memref<256x128xf32, #tpu.memory_space<vmem>> -> memref<128x128xf32, #tpu.memory_space<vmem>>
      %dma_start3A_467 = arith.constant 0 : i32
      %dma_start3A_468 = tpu.memref_slice %arg4[%add3A_460, %add3A_463, %dma_start3A_467] : memref<50x16384x128xf32, #tpu.memory_space<hbm>> -> memref<1x128x128xf32, #tpu.memory_space<hbm>>
      %dma_start3A_469 = tpu.memref_squeeze %dma_start3A_468 : memref<1x128x128xf32, #tpu.memory_space<hbm>> -> memref<128x128xf32, #tpu.memory_space<hbm>>
      %dma_start3A_470 = arith.constant 0 : i32
      %dma_start3A_471 = tpu.memref_slice %arg4[%add3A_460, %add3A_463, %dma_start3A_470] : memref<50x16384x128xf32, #tpu.memory_space<hbm>> -> memref<1x128x128xf32, #tpu.memory_space<hbm>>
      %dma_start3A_472 = tpu.memref_squeeze %dma_start3A_471 : memref<1x128x128xf32, #tpu.memory_space<hbm>> -> memref<128x128xf32, #tpu.memory_space<hbm>>
      %dma_start3A_473 = arith.constant 128 : i32
      %dma_start3A_474 = arith.constant 0 : i32
      %dma_start3A_475 = tpu.memref_slice %arg8[%dma_start3A_473, %dma_start3A_474] : memref<256x128xf32, #tpu.memory_space<vmem>> -> memref<128x128xf32, #tpu.memory_space<vmem>>
      tpu.enqueue_dma source(%dma_start3A_475 : memref<128x128xf32, #tpu.memory_space<vmem>>) target(%dma_start3A_472 : memref<128x128xf32, #tpu.memory_space<hbm>>) target_semaphore(%arg13 : memref<!tpu.dma_semaphore, #tpu.memory_space<semaphore_mem>>)
      %dma_wait3A_476 = arith.constant 0 : i32
      %dma_wait3A_477 = arith.constant 0 : i32
      %dma_wait3A_478 = arith.constant 0 : i32
      %dma_wait3A_479 = tpu.memref_slice %arg7[%dma_wait3A_477, %dma_wait3A_478] : memref<256x128xf32, #tpu.memory_space<vmem>> -> memref<128x128xf32, #tpu.memory_space<vmem>>
      %dma_wait3A_480 = arith.constant 0 : i32
      %dma_wait3A_481 = arith.constant 0 : i32
      %dma_wait3A_482 = tpu.memref_slice %arg4[%dma_wait3A_476, %dma_wait3A_480, %dma_wait3A_481] : memref<50x16384x128xf32, #tpu.memory_space<hbm>> -> memref<1x128x128xf32, #tpu.memory_space<hbm>>
      %dma_wait3A_483 = tpu.memref_squeeze %dma_wait3A_482 : memref<1x128x128xf32, #tpu.memory_space<hbm>> -> memref<128x128xf32, #tpu.memory_space<hbm>>
      %dma_wait3A_484 = arith.constant 0 : i32
      %dma_wait3A_485 = arith.constant 0 : i32
      %dma_wait3A_486 = tpu.memref_slice %arg4[%dma_wait3A_476, %dma_wait3A_484, %dma_wait3A_485] : memref<50x16384x128xf32, #tpu.memory_space<hbm>> -> memref<1x128x128xf32, #tpu.memory_space<hbm>>
      %dma_wait3A_487 = tpu.memref_squeeze %dma_wait3A_486 : memref<1x128x128xf32, #tpu.memory_space<hbm>> -> memref<128x128xf32, #tpu.memory_space<hbm>>
      %dma_wait3A_488 = arith.constant 0 : i32
      %dma_wait3A_489 = arith.constant 0 : i32
      %dma_wait3A_490 = tpu.memref_slice %arg7[%dma_wait3A_488, %dma_wait3A_489] : memref<256x128xf32, #tpu.memory_space<vmem>> -> memref<128x128xf32, #tpu.memory_space<vmem>>
      tpu.wait_dma2 semaphore(%arg12 : memref<!tpu.dma_semaphore, #tpu.memory_space<semaphore_mem>>) src(%dma_wait3A_490 : memref<128x128xf32, #tpu.memory_space<vmem>>) dst(%dma_wait3A_487 : memref<128x128xf32, #tpu.memory_space<hbm>>)
      %dma_wait3A_491 = arith.constant 0 : i32
      %dma_wait3A_492 = arith.constant 128 : i32
      %dma_wait3A_493 = arith.constant 0 : i32
      %dma_wait3A_494 = tpu.memref_slice %arg7[%dma_wait3A_492, %dma_wait3A_493] : memref<256x128xf32, #tpu.memory_space<vmem>> -> memref<128x128xf32, #tpu.memory_space<vmem>>
      %dma_wait3A_495 = arith.constant 0 : i32
      %dma_wait3A_496 = arith.constant 0 : i32
      %dma_wait3A_497 = tpu.memref_slice %arg4[%dma_wait3A_491, %dma_wait3A_495, %dma_wait3A_496] : memref<50x16384x128xf32, #tpu.memory_space<hbm>> -> memref<1x128x128xf32, #tpu.memory_space<hbm>>
      %dma_wait3A_498 = tpu.memref_squeeze %dma_wait3A_497 : memref<1x128x128xf32, #tpu.memory_space<hbm>> -> memref<128x128xf32, #tpu.memory_space<hbm>>
      %dma_wait3A_499 = arith.constant 0 : i32
      %dma_wait3A_500 = arith.constant 0 : i32
      %dma_wait3A_501 = tpu.memref_slice %arg4[%dma_wait3A_491, %dma_wait3A_499, %dma_wait3A_500] : memref<50x16384x128xf32, #tpu.memory_space<hbm>> -> memref<1x128x128xf32, #tpu.memory_space<hbm>>
      %dma_wait3A_502 = tpu.memref_squeeze %dma_wait3A_501 : memref<1x128x128xf32, #tpu.memory_space<hbm>> -> memref<128x128xf32, #tpu.memory_space<hbm>>
      %dma_wait3A_503 = arith.constant 128 : i32
      %dma_wait3A_504 = arith.constant 0 : i32
      %dma_wait3A_505 = tpu.memref_slice %arg7[%dma_wait3A_503, %dma_wait3A_504] : memref<256x128xf32, #tpu.memory_space<vmem>> -> memref<128x128xf32, #tpu.memory_space<vmem>>
      tpu.wait_dma2 semaphore(%arg12 : memref<!tpu.dma_semaphore, #tpu.memory_space<semaphore_mem>>) src(%dma_wait3A_505 : memref<128x128xf32, #tpu.memory_space<vmem>>) dst(%dma_wait3A_502 : memref<128x128xf32, #tpu.memory_space<hbm>>)
      %add3A_506 = arith.constant 2 : i32
      %add3A_507 = arith.addi %mul3A_235, %add3A_506 : i32
      %dma_start3A_508 = arith.constant 0 : i32
      %dma_start3A_509 = arith.constant 0 : i32
      %dma_start3A_510 = arith.constant 0 : i32
      %dma_start3A_511 = tpu.memref_slice %arg7[%dma_start3A_509, %dma_start3A_510] : memref<256x128xf32, #tpu.memory_space<vmem>> -> memref<128x128xf32, #tpu.memory_space<vmem>>
      %dma_start3A_512 = arith.constant 0 : i32
      %dma_start3A_513 = tpu.memref_slice %arg6[%add3A_507, %dma_start3A_508, %dma_start3A_512] : memref<100x2x128xi32, #tpu.memory_space<vmem>> -> memref<1x1x128xi32, #tpu.memory_space<vmem>>
      %dma_start3A_514 = tpu.memref_squeeze %dma_start3A_513 : memref<1x1x128xi32, #tpu.memory_space<vmem>> -> memref<128xi32, #tpu.memory_space<vmem>>
      %dma_start3A_515 = arith.constant 0 : i32
      %dma_start3A_516 = arith.constant 0 : i32
      %dma_start3A_517 = tpu.memref_slice %arg2[%dma_start3A_515, %dma_start3A_516] : memref<100000x128xf32, #tpu.memory_space<hbm>> -> memref<100000x128xf32, #tpu.memory_space<hbm>>
      tpu.enqueue_indirect_dma source(%dma_start3A_517 : memref<100000x128xf32, #tpu.memory_space<hbm>>) target(%dma_start3A_511 : memref<128x128xf32, #tpu.memory_space<vmem>>) offsets(%dma_start3A_514 : memref<128xi32, #tpu.memory_space<vmem>>) semaphore(%arg10 : memref<!tpu.dma_semaphore, #tpu.memory_space<semaphore_mem>>)
      %dma_start3A_518 = arith.constant 1 : i32
      %dma_start3A_519 = arith.constant 128 : i32
      %dma_start3A_520 = arith.constant 0 : i32
      %dma_start3A_521 = tpu.memref_slice %arg7[%dma_start3A_519, %dma_start3A_520] : memref<256x128xf32, #tpu.memory_space<vmem>> -> memref<128x128xf32, #tpu.memory_space<vmem>>
      %dma_start3A_522 = arith.constant 0 : i32
      %dma_start3A_523 = tpu.memref_slice %arg6[%add3A_507, %dma_start3A_518, %dma_start3A_522] : memref<100x2x128xi32, #tpu.memory_space<vmem>> -> memref<1x1x128xi32, #tpu.memory_space<vmem>>
      %dma_start3A_524 = tpu.memref_squeeze %dma_start3A_523 : memref<1x1x128xi32, #tpu.memory_space<vmem>> -> memref<128xi32, #tpu.memory_space<vmem>>
      %dma_start3A_525 = arith.constant 0 : i32
      %dma_start3A_526 = arith.constant 0 : i32
      %dma_start3A_527 = tpu.memref_slice %arg2[%dma_start3A_525, %dma_start3A_526] : memref<100000x128xf32, #tpu.memory_space<hbm>> -> memref<100000x128xf32, #tpu.memory_space<hbm>>
      tpu.enqueue_indirect_dma source(%dma_start3A_527 : memref<100000x128xf32, #tpu.memory_space<hbm>>) target(%dma_start3A_521 : memref<128x128xf32, #tpu.memory_space<vmem>>) offsets(%dma_start3A_524 : memref<128xi32, #tpu.memory_space<vmem>>) semaphore(%arg10 : memref<!tpu.dma_semaphore, #tpu.memory_space<semaphore_mem>>)
      %dma_wait3A_528 = arith.constant 0 : i32
      %dma_wait3A_529 = arith.constant 0 : i32
      %dma_wait3A_530 = arith.constant 0 : i32
      %dma_wait3A_531 = tpu.memref_slice %arg8[%dma_wait3A_529, %dma_wait3A_530] : memref<256x128xf32, #tpu.memory_space<vmem>> -> memref<128x128xf32, #tpu.memory_space<vmem>>
      %dma_wait3A_532 = arith.constant 0 : i32
      %dma_wait3A_533 = arith.constant 0 : i32
      %dma_wait3A_534 = tpu.memref_slice %arg4[%dma_wait3A_528, %dma_wait3A_532, %dma_wait3A_533] : memref<50x16384x128xf32, #tpu.memory_space<hbm>> -> memref<1x128x128xf32, #tpu.memory_space<hbm>>
      %dma_wait3A_535 = tpu.memref_squeeze %dma_wait3A_534 : memref<1x128x128xf32, #tpu.memory_space<hbm>> -> memref<128x128xf32, #tpu.memory_space<hbm>>
      %dma_wait3A_536 = arith.constant 0 : i32
      %dma_wait3A_537 = arith.constant 0 : i32
      %dma_wait3A_538 = tpu.memref_slice %arg4[%dma_wait3A_528, %dma_wait3A_536, %dma_wait3A_537] : memref<50x16384x128xf32, #tpu.memory_space<hbm>> -> memref<1x128x128xf32, #tpu.memory_space<hbm>>
      %dma_wait3A_539 = tpu.memref_squeeze %dma_wait3A_538 : memref<1x128x128xf32, #tpu.memory_space<hbm>> -> memref<128x128xf32, #tpu.memory_space<hbm>>
      %dma_wait3A_540 = arith.constant 0 : i32
      %dma_wait3A_541 = arith.constant 0 : i32
      %dma_wait3A_542 = tpu.memref_slice %arg8[%dma_wait3A_540, %dma_wait3A_541] : memref<256x128xf32, #tpu.memory_space<vmem>> -> memref<128x128xf32, #tpu.memory_space<vmem>>
      tpu.wait_dma2 semaphore(%arg13 : memref<!tpu.dma_semaphore, #tpu.memory_space<semaphore_mem>>) src(%dma_wait3A_542 : memref<128x128xf32, #tpu.memory_space<vmem>>) dst(%dma_wait3A_539 : memref<128x128xf32, #tpu.memory_space<hbm>>)
      %dma_wait3A_543 = arith.constant 0 : i32
      %dma_wait3A_544 = arith.constant 128 : i32
      %dma_wait3A_545 = arith.constant 0 : i32
      %dma_wait3A_546 = tpu.memref_slice %arg8[%dma_wait3A_544, %dma_wait3A_545] : memref<256x128xf32, #tpu.memory_space<vmem>> -> memref<128x128xf32, #tpu.memory_space<vmem>>
      %dma_wait3A_547 = arith.constant 0 : i32
      %dma_wait3A_548 = arith.constant 0 : i32
      %dma_wait3A_549 = tpu.memref_slice %arg4[%dma_wait3A_543, %dma_wait3A_547, %dma_wait3A_548] : memref<50x16384x128xf32, #tpu.memory_space<hbm>> -> memref<1x128x128xf32, #tpu.memory_space<hbm>>
      %dma_wait3A_550 = tpu.memref_squeeze %dma_wait3A_549 : memref<1x128x128xf32, #tpu.memory_space<hbm>> -> memref<128x128xf32, #tpu.memory_space<hbm>>
      %dma_wait3A_551 = arith.constant 0 : i32
      %dma_wait3A_552 = arith.constant 0 : i32
      %dma_wait3A_553 = tpu.memref_slice %arg4[%dma_wait3A_543, %dma_wait3A_551, %dma_wait3A_552] : memref<50x16384x128xf32, #tpu.memory_space<hbm>> -> memref<1x128x128xf32, #tpu.memory_space<hbm>>
      %dma_wait3A_554 = tpu.memref_squeeze %dma_wait3A_553 : memref<1x128x128xf32, #tpu.memory_space<hbm>> -> memref<128x128xf32, #tpu.memory_space<hbm>>
      %dma_wait3A_555 = arith.constant 128 : i32
      %dma_wait3A_556 = arith.constant 0 : i32
      %dma_wait3A_557 = tpu.memref_slice %arg8[%dma_wait3A_555, %dma_wait3A_556] : memref<256x128xf32, #tpu.memory_space<vmem>> -> memref<128x128xf32, #tpu.memory_space<vmem>>
      tpu.wait_dma2 semaphore(%arg13 : memref<!tpu.dma_semaphore, #tpu.memory_space<semaphore_mem>>) src(%dma_wait3A_557 : memref<128x128xf32, #tpu.memory_space<vmem>>) dst(%dma_wait3A_554 : memref<128x128xf32, #tpu.memory_space<hbm>>)
      %add3A_558 = arith.constant 2 : i32
      %add3A_559 = arith.addi %add3A_239, %add3A_558 : i32
      %dma_start3A_560 = arith.constant 0 : i32
      %dma_start3A_561 = arith.constant 0 : i32
      %dma_start3A_562 = arith.constant 0 : i32
      %dma_start3A_563 = tpu.memref_slice %arg8[%dma_start3A_561, %dma_start3A_562] : memref<256x128xf32, #tpu.memory_space<vmem>> -> memref<128x128xf32, #tpu.memory_space<vmem>>
      %dma_start3A_564 = arith.constant 0 : i32
      %dma_start3A_565 = tpu.memref_slice %arg6[%add3A_559, %dma_start3A_560, %dma_start3A_564] : memref<100x2x128xi32, #tpu.memory_space<vmem>> -> memref<1x1x128xi32, #tpu.memory_space<vmem>>
      %dma_start3A_566 = tpu.memref_squeeze %dma_start3A_565 : memref<1x1x128xi32, #tpu.memory_space<vmem>> -> memref<128xi32, #tpu.memory_space<vmem>>
      %dma_start3A_567 = arith.constant 0 : i32
      %dma_start3A_568 = arith.constant 0 : i32
      %dma_start3A_569 = tpu.memref_slice %arg2[%dma_start3A_567, %dma_start3A_568] : memref<100000x128xf32, #tpu.memory_space<hbm>> -> memref<100000x128xf32, #tpu.memory_space<hbm>>
      tpu.enqueue_indirect_dma source(%dma_start3A_569 : memref<100000x128xf32, #tpu.memory_space<hbm>>) target(%dma_start3A_563 : memref<128x128xf32, #tpu.memory_space<vmem>>) offsets(%dma_start3A_566 : memref<128xi32, #tpu.memory_space<vmem>>) semaphore(%arg11 : memref<!tpu.dma_semaphore, #tpu.memory_space<semaphore_mem>>)
      %dma_start3A_570 = arith.constant 1 : i32
      %dma_start3A_571 = arith.constant 128 : i32
      %dma_start3A_572 = arith.constant 0 : i32
      %dma_start3A_573 = tpu.memref_slice %arg8[%dma_start3A_571, %dma_start3A_572] : memref<256x128xf32, #tpu.memory_space<vmem>> -> memref<128x128xf32, #tpu.memory_space<vmem>>
      %dma_start3A_574 = arith.constant 0 : i32
      %dma_start3A_575 = tpu.memref_slice %arg6[%add3A_559, %dma_start3A_570, %dma_start3A_574] : memref<100x2x128xi32, #tpu.memory_space<vmem>> -> memref<1x1x128xi32, #tpu.memory_space<vmem>>
      %dma_start3A_576 = tpu.memref_squeeze %dma_start3A_575 : memref<1x1x128xi32, #tpu.memory_space<vmem>> -> memref<128xi32, #tpu.memory_space<vmem>>
      %dma_start3A_577 = arith.constant 0 : i32
      %dma_start3A_578 = arith.constant 0 : i32
      %dma_start3A_579 = tpu.memref_slice %arg2[%dma_start3A_577, %dma_start3A_578] : memref<100000x128xf32, #tpu.memory_space<hbm>> -> memref<100000x128xf32, #tpu.memory_space<hbm>>
      tpu.enqueue_indirect_dma source(%dma_start3A_579 : memref<100000x128xf32, #tpu.memory_space<hbm>>) target(%dma_start3A_573 : memref<128x128xf32, #tpu.memory_space<vmem>>) offsets(%dma_start3A_576 : memref<128xi32, #tpu.memory_space<vmem>>) semaphore(%arg11 : memref<!tpu.dma_semaphore, #tpu.memory_space<semaphore_mem>>)
    }
    %scan3A_56 = arith.constant 49 : i32
    %dma_wait3A = arith.constant 0 : i32
    %dma_wait3A_57 = arith.constant 0 : i32
    %dma_wait3A_58 = arith.constant 0 : i32
    %dma_wait3A_59 = arith.constant 0 : i32
    %dma_wait3A_60 = tpu.memref_slice %arg7[%dma_wait3A_58, %dma_wait3A_59] : memref<256x128xf32, #tpu.memory_space<vmem>> -> memref<128x128xf32, #tpu.memory_space<vmem>>
    %dma_wait3A_61 = arith.constant 0 : i32
    %dma_wait3A_62 = tpu.memref_slice %arg6[%dma_wait3A, %dma_wait3A_57, %dma_wait3A_61] : memref<100x2x128xi32, #tpu.memory_space<vmem>> -> memref<1x1x128xi32, #tpu.memory_space<vmem>>
    %dma_wait3A_63 = tpu.memref_squeeze %dma_wait3A_62 : memref<1x1x128xi32, #tpu.memory_space<vmem>> -> memref<128xi32, #tpu.memory_space<vmem>>
    %dma_wait3A_64 = arith.constant 0 : i32
    %dma_wait3A_65 = arith.constant 0 : i32
    %dma_wait3A_66 = tpu.memref_slice %arg2[%dma_wait3A_64, %dma_wait3A_65] : memref<100000x128xf32, #tpu.memory_space<hbm>> -> memref<100000x128xf32, #tpu.memory_space<hbm>>
    tpu.wait_indirect_dma semaphore(%arg10 : memref<!tpu.dma_semaphore, #tpu.memory_space<semaphore_mem>>) src(%dma_wait3A_66 : memref<100000x128xf32, #tpu.memory_space<hbm>>) dst(%dma_wait3A_60 : memref<128x128xf32, #tpu.memory_space<vmem>>)
    %dma_wait3A_67 = arith.constant 0 : i32
    %dma_wait3A_68 = arith.constant 0 : i32
    %dma_wait3A_69 = arith.constant 128 : i32
    %dma_wait3A_70 = arith.constant 0 : i32
    %dma_wait3A_71 = tpu.memref_slice %arg7[%dma_wait3A_69, %dma_wait3A_70] : memref<256x128xf32, #tpu.memory_space<vmem>> -> memref<128x128xf32, #tpu.memory_space<vmem>>
    %dma_wait3A_72 = arith.constant 0 : i32
    %dma_wait3A_73 = tpu.memref_slice %arg6[%dma_wait3A_67, %dma_wait3A_68, %dma_wait3A_72] : memref<100x2x128xi32, #tpu.memory_space<vmem>> -> memref<1x1x128xi32, #tpu.memory_space<vmem>>
    %dma_wait3A_74 = tpu.memref_squeeze %dma_wait3A_73 : memref<1x1x128xi32, #tpu.memory_space<vmem>> -> memref<128xi32, #tpu.memory_space<vmem>>
    %dma_wait3A_75 = arith.constant 0 : i32
    %dma_wait3A_76 = arith.constant 0 : i32
    %dma_wait3A_77 = tpu.memref_slice %arg2[%dma_wait3A_75, %dma_wait3A_76] : memref<100000x128xf32, #tpu.memory_space<hbm>> -> memref<100000x128xf32, #tpu.memory_space<hbm>>
    tpu.wait_indirect_dma semaphore(%arg10 : memref<!tpu.dma_semaphore, #tpu.memory_space<semaphore_mem>>) src(%dma_wait3A_77 : memref<100000x128xf32, #tpu.memory_space<hbm>>) dst(%dma_wait3A_71 : memref<128x128xf32, #tpu.memory_space<vmem>>)
    %parallel_loop3A = arith.constant 0 : i32
    %parallel_loop3A_78 = arith.constant 128 : i32
    %parallel_loop3A_79 = arith.constant 1 : i32
    scf.for %parallel_loop3A_233 = %parallel_loop3A to %parallel_loop3A_78 step %parallel_loop3A_79  : i32 {
      %parallel_loop3A_234 = arith.index_cast %parallel_loop3A_233 : i32 to index
      %parallel_loop3A_235 = arith.constant 0 : index
      %parallel_loop3A_236 = tpu.vector_load %arg7[%parallel_loop3A_234, %parallel_loop3A_235] {strides = array<i32>} : memref<256x128xf32, #tpu.memory_space<vmem>>, vector<1x16xf32>,
      %parallel_loop3A_237 = vector.shape_cast %parallel_loop3A_236 : vector<1x16xf32> to vector<16xf32>
      %parallel_loop3A_238 = arith.constant 128 : i32
      %parallel_loop3A_239 = arith.addi %parallel_loop3A_238, %parallel_loop3A_233 : i32
      %parallel_loop3A_240 = arith.index_cast %parallel_loop3A_239 : i32 to index
      %parallel_loop3A_241 = arith.constant 0 : index
      %parallel_loop3A_242 = tpu.vector_load %arg7[%parallel_loop3A_240, %parallel_loop3A_241] {strides = array<i32>} : memref<256x128xf32, #tpu.memory_space<vmem>>, vector<1x16xf32>,
      %parallel_loop3A_243 = vector.shape_cast %parallel_loop3A_242 : vector<1x16xf32> to vector<16xf32>
      %parallel_loop3A_244 = arith.addf %parallel_loop3A_237, %parallel_loop3A_243 : vector<16xf32>
      %parallel_loop3A_245 = arith.index_cast %parallel_loop3A_233 : i32 to index
      %parallel_loop3A_246 = arith.constant 0 : index
      %parallel_loop3A_247 = tpu.vector_load %arg9[%parallel_loop3A_245, %parallel_loop3A_246] {strides = array<i32>} : memref<128x128xf32, #tpu.memory_space<vmem>>, vector<1x16xf32>,
      %parallel_loop3A_248 = vector.shape_cast %parallel_loop3A_247 : vector<1x16xf32> to vector<16xf32>
      %parallel_loop3A_249 = vector.shape_cast %parallel_loop3A_244 : vector<16xf32> to vector<1x16xf32>
      tpu.vector_store %arg9[%parallel_loop3A_245, %parallel_loop3A_246], %parallel_loop3A_249 {add = true, strides = array<i32>} : memref<128x128xf32, #tpu.memory_space<vmem>>, vector<1x16xf32>,
      %parallel_loop3A_250 = arith.index_cast %parallel_loop3A_233 : i32 to index
      %parallel_loop3A_251 = arith.constant 16 : index
      %parallel_loop3A_252 = tpu.vector_load %arg7[%parallel_loop3A_250, %parallel_loop3A_251] {strides = array<i32>} : memref<256x128xf32, #tpu.memory_space<vmem>>, vector<1x16xf32>,
      %parallel_loop3A_253 = vector.shape_cast %parallel_loop3A_252 : vector<1x16xf32> to vector<16xf32>
      %parallel_loop3A_254 = arith.constant 128 : i32
      %parallel_loop3A_255 = arith.addi %parallel_loop3A_254, %parallel_loop3A_233 : i32
      %parallel_loop3A_256 = arith.index_cast %parallel_loop3A_255 : i32 to index
      %parallel_loop3A_257 = arith.constant 16 : index
      %parallel_loop3A_258 = tpu.vector_load %arg7[%parallel_loop3A_256, %parallel_loop3A_257] {strides = array<i32>} : memref<256x128xf32, #tpu.memory_space<vmem>>, vector<1x16xf32>,
      %parallel_loop3A_259 = vector.shape_cast %parallel_loop3A_258 : vector<1x16xf32> to vector<16xf32>
      %parallel_loop3A_260 = arith.addf %parallel_loop3A_253, %parallel_loop3A_259 : vector<16xf32>
      %parallel_loop3A_261 = arith.index_cast %parallel_loop3A_233 : i32 to index
      %parallel_loop3A_262 = arith.constant 16 : index
      %parallel_loop3A_263 = tpu.vector_load %arg9[%parallel_loop3A_261, %parallel_loop3A_262] {strides = array<i32>} : memref<128x128xf32, #tpu.memory_space<vmem>>, vector<1x16xf32>,
      %parallel_loop3A_264 = vector.shape_cast %parallel_loop3A_263 : vector<1x16xf32> to vector<16xf32>
      %parallel_loop3A_265 = vector.shape_cast %parallel_loop3A_260 : vector<16xf32> to vector<1x16xf32>
      tpu.vector_store %arg9[%parallel_loop3A_261, %parallel_loop3A_262], %parallel_loop3A_265 {add = true, strides = array<i32>} : memref<128x128xf32, #tpu.memory_space<vmem>>, vector<1x16xf32>,
      %parallel_loop3A_266 = arith.index_cast %parallel_loop3A_233 : i32 to index
      %parallel_loop3A_267 = arith.constant 32 : index
      %parallel_loop3A_268 = tpu.vector_load %arg7[%parallel_loop3A_266, %parallel_loop3A_267] {strides = array<i32>} : memref<256x128xf32, #tpu.memory_space<vmem>>, vector<1x16xf32>,
      %parallel_loop3A_269 = vector.shape_cast %parallel_loop3A_268 : vector<1x16xf32> to vector<16xf32>
      %parallel_loop3A_270 = arith.constant 128 : i32
      %parallel_loop3A_271 = arith.addi %parallel_loop3A_270, %parallel_loop3A_233 : i32
      %parallel_loop3A_272 = arith.index_cast %parallel_loop3A_271 : i32 to index
      %parallel_loop3A_273 = arith.constant 32 : index
      %parallel_loop3A_274 = tpu.vector_load %arg7[%parallel_loop3A_272, %parallel_loop3A_273] {strides = array<i32>} : memref<256x128xf32, #tpu.memory_space<vmem>>, vector<1x16xf32>,
      %parallel_loop3A_275 = vector.shape_cast %parallel_loop3A_274 : vector<1x16xf32> to vector<16xf32>
      %parallel_loop3A_276 = arith.addf %parallel_loop3A_269, %parallel_loop3A_275 : vector<16xf32>
      %parallel_loop3A_277 = arith.index_cast %parallel_loop3A_233 : i32 to index
      %parallel_loop3A_278 = arith.constant 32 : index
      %parallel_loop3A_279 = tpu.vector_load %arg9[%parallel_loop3A_277, %parallel_loop3A_278] {strides = array<i32>} : memref<128x128xf32, #tpu.memory_space<vmem>>, vector<1x16xf32>,
      %parallel_loop3A_280 = vector.shape_cast %parallel_loop3A_279 : vector<1x16xf32> to vector<16xf32>
      %parallel_loop3A_281 = vector.shape_cast %parallel_loop3A_276 : vector<16xf32> to vector<1x16xf32>
      tpu.vector_store %arg9[%parallel_loop3A_277, %parallel_loop3A_278], %parallel_loop3A_281 {add = true, strides = array<i32>} : memref<128x128xf32, #tpu.memory_space<vmem>>, vector<1x16xf32>,
      %parallel_loop3A_282 = arith.index_cast %parallel_loop3A_233 : i32 to index
      %parallel_loop3A_283 = arith.constant 48 : index
      %parallel_loop3A_284 = tpu.vector_load %arg7[%parallel_loop3A_282, %parallel_loop3A_283] {strides = array<i32>} : memref<256x128xf32, #tpu.memory_space<vmem>>, vector<1x16xf32>,
      %parallel_loop3A_285 = vector.shape_cast %parallel_loop3A_284 : vector<1x16xf32> to vector<16xf32>
      %parallel_loop3A_286 = arith.constant 128 : i32
      %parallel_loop3A_287 = arith.addi %parallel_loop3A_286, %parallel_loop3A_233 : i32
      %parallel_loop3A_288 = arith.index_cast %parallel_loop3A_287 : i32 to index
      %parallel_loop3A_289 = arith.constant 48 : index
      %parallel_loop3A_290 = tpu.vector_load %arg7[%parallel_loop3A_288, %parallel_loop3A_289] {strides = array<i32>} : memref<256x128xf32, #tpu.memory_space<vmem>>, vector<1x16xf32>,
      %parallel_loop3A_291 = vector.shape_cast %parallel_loop3A_290 : vector<1x16xf32> to vector<16xf32>
      %parallel_loop3A_292 = arith.addf %parallel_loop3A_285, %parallel_loop3A_291 : vector<16xf32>
      %parallel_loop3A_293 = arith.index_cast %parallel_loop3A_233 : i32 to index
      %parallel_loop3A_294 = arith.constant 48 : index
      %parallel_loop3A_295 = tpu.vector_load %arg9[%parallel_loop3A_293, %parallel_loop3A_294] {strides = array<i32>} : memref<128x128xf32, #tpu.memory_space<vmem>>, vector<1x16xf32>,
      %parallel_loop3A_296 = vector.shape_cast %parallel_loop3A_295 : vector<1x16xf32> to vector<16xf32>
      %parallel_loop3A_297 = vector.shape_cast %parallel_loop3A_292 : vector<16xf32> to vector<1x16xf32>
      tpu.vector_store %arg9[%parallel_loop3A_293, %parallel_loop3A_294], %parallel_loop3A_297 {add = true, strides = array<i32>} : memref<128x128xf32, #tpu.memory_space<vmem>>, vector<1x16xf32>,
      %parallel_loop3A_298 = arith.index_cast %parallel_loop3A_233 : i32 to index
      %parallel_loop3A_299 = arith.constant 64 : index
      %parallel_loop3A_300 = tpu.vector_load %arg7[%parallel_loop3A_298, %parallel_loop3A_299] {strides = array<i32>} : memref<256x128xf32, #tpu.memory_space<vmem>>, vector<1x16xf32>,
      %parallel_loop3A_301 = vector.shape_cast %parallel_loop3A_300 : vector<1x16xf32> to vector<16xf32>
      %parallel_loop3A_302 = arith.constant 128 : i32
      %parallel_loop3A_303 = arith.addi %parallel_loop3A_302, %parallel_loop3A_233 : i32
      %parallel_loop3A_304 = arith.index_cast %parallel_loop3A_303 : i32 to index
      %parallel_loop3A_305 = arith.constant 64 : index
      %parallel_loop3A_306 = tpu.vector_load %arg7[%parallel_loop3A_304, %parallel_loop3A_305] {strides = array<i32>} : memref<256x128xf32, #tpu.memory_space<vmem>>, vector<1x16xf32>,
      %parallel_loop3A_307 = vector.shape_cast %parallel_loop3A_306 : vector<1x16xf32> to vector<16xf32>
      %parallel_loop3A_308 = arith.addf %parallel_loop3A_301, %parallel_loop3A_307 : vector<16xf32>
      %parallel_loop3A_309 = arith.index_cast %parallel_loop3A_233 : i32 to index
      %parallel_loop3A_310 = arith.constant 64 : index
      %parallel_loop3A_311 = tpu.vector_load %arg9[%parallel_loop3A_309, %parallel_loop3A_310] {strides = array<i32>} : memref<128x128xf32, #tpu.memory_space<vmem>>, vector<1x16xf32>,
      %parallel_loop3A_312 = vector.shape_cast %parallel_loop3A_311 : vector<1x16xf32> to vector<16xf32>
      %parallel_loop3A_313 = vector.shape_cast %parallel_loop3A_308 : vector<16xf32> to vector<1x16xf32>
      tpu.vector_store %arg9[%parallel_loop3A_309, %parallel_loop3A_310], %parallel_loop3A_313 {add = true, strides = array<i32>} : memref<128x128xf32, #tpu.memory_space<vmem>>, vector<1x16xf32>,
      %parallel_loop3A_314 = arith.index_cast %parallel_loop3A_233 : i32 to index
      %parallel_loop3A_315 = arith.constant 80 : index
      %parallel_loop3A_316 = tpu.vector_load %arg7[%parallel_loop3A_314, %parallel_loop3A_315] {strides = array<i32>} : memref<256x128xf32, #tpu.memory_space<vmem>>, vector<1x16xf32>,
      %parallel_loop3A_317 = vector.shape_cast %parallel_loop3A_316 : vector<1x16xf32> to vector<16xf32>
      %parallel_loop3A_318 = arith.constant 128 : i32
      %parallel_loop3A_319 = arith.addi %parallel_loop3A_318, %parallel_loop3A_233 : i32
      %parallel_loop3A_320 = arith.index_cast %parallel_loop3A_319 : i32 to index
      %parallel_loop3A_321 = arith.constant 80 : index
      %parallel_loop3A_322 = tpu.vector_load %arg7[%parallel_loop3A_320, %parallel_loop3A_321] {strides = array<i32>} : memref<256x128xf32, #tpu.memory_space<vmem>>, vector<1x16xf32>,
      %parallel_loop3A_323 = vector.shape_cast %parallel_loop3A_322 : vector<1x16xf32> to vector<16xf32>
      %parallel_loop3A_324 = arith.addf %parallel_loop3A_317, %parallel_loop3A_323 : vector<16xf32>
      %parallel_loop3A_325 = arith.index_cast %parallel_loop3A_233 : i32 to index
      %parallel_loop3A_326 = arith.constant 80 : index
      %parallel_loop3A_327 = tpu.vector_load %arg9[%parallel_loop3A_325, %parallel_loop3A_326] {strides = array<i32>} : memref<128x128xf32, #tpu.memory_space<vmem>>, vector<1x16xf32>,
      %parallel_loop3A_328 = vector.shape_cast %parallel_loop3A_327 : vector<1x16xf32> to vector<16xf32>
      %parallel_loop3A_329 = vector.shape_cast %parallel_loop3A_324 : vector<16xf32> to vector<1x16xf32>
      tpu.vector_store %arg9[%parallel_loop3A_325, %parallel_loop3A_326], %parallel_loop3A_329 {add = true, strides = array<i32>} : memref<128x128xf32, #tpu.memory_space<vmem>>, vector<1x16xf32>,
      %parallel_loop3A_330 = arith.index_cast %parallel_loop3A_233 : i32 to index
      %parallel_loop3A_331 = arith.constant 96 : index
      %parallel_loop3A_332 = tpu.vector_load %arg7[%parallel_loop3A_330, %parallel_loop3A_331] {strides = array<i32>} : memref<256x128xf32, #tpu.memory_space<vmem>>, vector<1x16xf32>,
      %parallel_loop3A_333 = vector.shape_cast %parallel_loop3A_332 : vector<1x16xf32> to vector<16xf32>
      %parallel_loop3A_334 = arith.constant 128 : i32
      %parallel_loop3A_335 = arith.addi %parallel_loop3A_334, %parallel_loop3A_233 : i32
      %parallel_loop3A_336 = arith.index_cast %parallel_loop3A_335 : i32 to index
      %parallel_loop3A_337 = arith.constant 96 : index
      %parallel_loop3A_338 = tpu.vector_load %arg7[%parallel_loop3A_336, %parallel_loop3A_337] {strides = array<i32>} : memref<256x128xf32, #tpu.memory_space<vmem>>, vector<1x16xf32>,
      %parallel_loop3A_339 = vector.shape_cast %parallel_loop3A_338 : vector<1x16xf32> to vector<16xf32>
      %parallel_loop3A_340 = arith.addf %parallel_loop3A_333, %parallel_loop3A_339 : vector<16xf32>
      %parallel_loop3A_341 = arith.index_cast %parallel_loop3A_233 : i32 to index
      %parallel_loop3A_342 = arith.constant 96 : index
      %parallel_loop3A_343 = tpu.vector_load %arg9[%parallel_loop3A_341, %parallel_loop3A_342] {strides = array<i32>} : memref<128x128xf32, #tpu.memory_space<vmem>>, vector<1x16xf32>,
      %parallel_loop3A_344 = vector.shape_cast %parallel_loop3A_343 : vector<1x16xf32> to vector<16xf32>
      %parallel_loop3A_345 = vector.shape_cast %parallel_loop3A_340 : vector<16xf32> to vector<1x16xf32>
      tpu.vector_store %arg9[%parallel_loop3A_341, %parallel_loop3A_342], %parallel_loop3A_345 {add = true, strides = array<i32>} : memref<128x128xf32, #tpu.memory_space<vmem>>, vector<1x16xf32>,
      %parallel_loop3A_346 = arith.index_cast %parallel_loop3A_233 : i32 to index
      %parallel_loop3A_347 = arith.constant 112 : index
      %parallel_loop3A_348 = tpu.vector_load %arg7[%parallel_loop3A_346, %parallel_loop3A_347] {strides = array<i32>} : memref<256x128xf32, #tpu.memory_space<vmem>>, vector<1x16xf32>,
      %parallel_loop3A_349 = vector.shape_cast %parallel_loop3A_348 : vector<1x16xf32> to vector<16xf32>
      %parallel_loop3A_350 = arith.constant 128 : i32
      %parallel_loop3A_351 = arith.addi %parallel_loop3A_350, %parallel_loop3A_233 : i32
      %parallel_loop3A_352 = arith.index_cast %parallel_loop3A_351 : i32 to index
      %parallel_loop3A_353 = arith.constant 112 : index
      %parallel_loop3A_354 = tpu.vector_load %arg7[%parallel_loop3A_352, %parallel_loop3A_353] {strides = array<i32>} : memref<256x128xf32, #tpu.memory_space<vmem>>, vector<1x16xf32>,
      %parallel_loop3A_355 = vector.shape_cast %parallel_loop3A_354 : vector<1x16xf32> to vector<16xf32>
      %parallel_loop3A_356 = arith.addf %parallel_loop3A_349, %parallel_loop3A_355 : vector<16xf32>
      %parallel_loop3A_357 = arith.index_cast %parallel_loop3A_233 : i32 to index
      %parallel_loop3A_358 = arith.constant 112 : index
      %parallel_loop3A_359 = tpu.vector_load %arg9[%parallel_loop3A_357, %parallel_loop3A_358] {strides = array<i32>} : memref<128x128xf32, #tpu.memory_space<vmem>>, vector<1x16xf32>,
      %parallel_loop3A_360 = vector.shape_cast %parallel_loop3A_359 : vector<1x16xf32> to vector<16xf32>
      %parallel_loop3A_361 = vector.shape_cast %parallel_loop3A_356 : vector<16xf32> to vector<1x16xf32>
      tpu.vector_store %arg9[%parallel_loop3A_357, %parallel_loop3A_358], %parallel_loop3A_361 {add = true, strides = array<i32>} : memref<128x128xf32, #tpu.memory_space<vmem>>, vector<1x16xf32>,
    } {sc.loop_unroll_factor = 4 : i64, sc.parallel_access}
    %add3A_80 = arith.constant 384 : i32
    %add3A_81 = arith.addi %mul3A_2, %add3A_80 : i32
    %dma_start3A_82 = arith.constant 46 : i32
    %dma_start3A_83 = arith.constant 0 : i32
    %dma_start3A_84 = arith.constant 0 : i32
    %dma_start3A_85 = tpu.memref_slice %arg7[%dma_start3A_83, %dma_start3A_84] : memref<256x128xf32, #tpu.memory_space<vmem>> -> memref<128x128xf32, #tpu.memory_space<vmem>>
    %dma_start3A_86 = arith.constant 0 : i32
    %dma_start3A_87 = tpu.memref_slice %arg4[%dma_start3A_82, %add3A_81, %dma_start3A_86] : memref<50x16384x128xf32, #tpu.memory_space<hbm>> -> memref<1x128x128xf32, #tpu.memory_space<hbm>>
    %dma_start3A_88 = tpu.memref_squeeze %dma_start3A_87 : memref<1x128x128xf32, #tpu.memory_space<hbm>> -> memref<128x128xf32, #tpu.memory_space<hbm>>
    %dma_start3A_89 = arith.constant 0 : i32
    %dma_start3A_90 = tpu.memref_slice %arg4[%dma_start3A_82, %add3A_81, %dma_start3A_89] : memref<50x16384x128xf32, #tpu.memory_space<hbm>> -> memref<1x128x128xf32, #tpu.memory_space<hbm>>
    %dma_start3A_91 = tpu.memref_squeeze %dma_start3A_90 : memref<1x128x128xf32, #tpu.memory_space<hbm>> -> memref<128x128xf32, #tpu.memory_space<hbm>>
    %dma_start3A_92 = arith.constant 0 : i32
    %dma_start3A_93 = arith.constant 0 : i32
    %dma_start3A_94 = tpu.memref_slice %arg7[%dma_start3A_92, %dma_start3A_93] : memref<256x128xf32, #tpu.memory_space<vmem>> -> memref<128x128xf32, #tpu.memory_space<vmem>>
    tpu.enqueue_dma source(%dma_start3A_94 : memref<128x128xf32, #tpu.memory_space<vmem>>) target(%dma_start3A_91 : memref<128x128xf32, #tpu.memory_space<hbm>>) target_semaphore(%arg12 : memref<!tpu.dma_semaphore, #tpu.memory_space<semaphore_mem>>)
    %add3A_95 = arith.constant 384 : i32
    %add3A_96 = arith.addi %mul3A_2, %add3A_95 : i32
    %dma_start3A_97 = arith.constant 47 : i32
    %dma_start3A_98 = arith.constant 128 : i32
    %dma_start3A_99 = arith.constant 0 : i32
    %dma_start3A_100 = tpu.memref_slice %arg7[%dma_start3A_98, %dma_start3A_99] : memref<256x128xf32, #tpu.memory_space<vmem>> -> memref<128x128xf32, #tpu.memory_space<vmem>>
    %dma_start3A_101 = arith.constant 0 : i32
    %dma_start3A_102 = tpu.memref_slice %arg4[%dma_start3A_97, %add3A_96, %dma_start3A_101] : memref<50x16384x128xf32, #tpu.memory_space<hbm>> -> memref<1x128x128xf32, #tpu.memory_space<hbm>>
    %dma_start3A_103 = tpu.memref_squeeze %dma_start3A_102 : memref<1x128x128xf32, #tpu.memory_space<hbm>> -> memref<128x128xf32, #tpu.memory_space<hbm>>
    %dma_start3A_104 = arith.constant 0 : i32
    %dma_start3A_105 = tpu.memref_slice %arg4[%dma_start3A_97, %add3A_96, %dma_start3A_104] : memref<50x16384x128xf32, #tpu.memory_space<hbm>> -> memref<1x128x128xf32, #tpu.memory_space<hbm>>
    %dma_start3A_106 = tpu.memref_squeeze %dma_start3A_105 : memref<1x128x128xf32, #tpu.memory_space<hbm>> -> memref<128x128xf32, #tpu.memory_space<hbm>>
    %dma_start3A_107 = arith.constant 128 : i32
    %dma_start3A_108 = arith.constant 0 : i32
    %dma_start3A_109 = tpu.memref_slice %arg7[%dma_start3A_107, %dma_start3A_108] : memref<256x128xf32, #tpu.memory_space<vmem>> -> memref<128x128xf32, #tpu.memory_space<vmem>>
    tpu.enqueue_dma source(%dma_start3A_109 : memref<128x128xf32, #tpu.memory_space<vmem>>) target(%dma_start3A_106 : memref<128x128xf32, #tpu.memory_space<hbm>>) target_semaphore(%arg12 : memref<!tpu.dma_semaphore, #tpu.memory_space<semaphore_mem>>)
    %dma_wait3A_110 = arith.constant 0 : i32
    %dma_wait3A_111 = arith.constant 0 : i32
    %dma_wait3A_112 = arith.constant 0 : i32
    %dma_wait3A_113 = arith.constant 0 : i32
    %dma_wait3A_114 = tpu.memref_slice %arg8[%dma_wait3A_112, %dma_wait3A_113] : memref<256x128xf32, #tpu.memory_space<vmem>> -> memref<128x128xf32, #tpu.memory_space<vmem>>
    %dma_wait3A_115 = arith.constant 0 : i32
    %dma_wait3A_116 = tpu.memref_slice %arg6[%dma_wait3A_110, %dma_wait3A_111, %dma_wait3A_115] : memref<100x2x128xi32, #tpu.memory_space<vmem>> -> memref<1x1x128xi32, #tpu.memory_space<vmem>>
    %dma_wait3A_117 = tpu.memref_squeeze %dma_wait3A_116 : memref<1x1x128xi32, #tpu.memory_space<vmem>> -> memref<128xi32, #tpu.memory_space<vmem>>
    %dma_wait3A_118 = arith.constant 0 : i32
    %dma_wait3A_119 = arith.constant 0 : i32
    %dma_wait3A_120 = tpu.memref_slice %arg2[%dma_wait3A_118, %dma_wait3A_119] : memref<100000x128xf32, #tpu.memory_space<hbm>> -> memref<100000x128xf32, #tpu.memory_space<hbm>>
    tpu.wait_indirect_dma semaphore(%arg11 : memref<!tpu.dma_semaphore, #tpu.memory_space<semaphore_mem>>) src(%dma_wait3A_120 : memref<100000x128xf32, #tpu.memory_space<hbm>>) dst(%dma_wait3A_114 : memref<128x128xf32, #tpu.memory_space<vmem>>)
    %dma_wait3A_121 = arith.constant 0 : i32
    %dma_wait3A_122 = arith.constant 0 : i32
    %dma_wait3A_123 = arith.constant 128 : i32
    %dma_wait3A_124 = arith.constant 0 : i32
    %dma_wait3A_125 = tpu.memref_slice %arg8[%dma_wait3A_123, %dma_wait3A_124] : memref<256x128xf32, #tpu.memory_space<vmem>> -> memref<128x128xf32, #tpu.memory_space<vmem>>
    %dma_wait3A_126 = arith.constant 0 : i32
    %dma_wait3A_127 = tpu.memref_slice %arg6[%dma_wait3A_121, %dma_wait3A_122, %dma_wait3A_126] : memref<100x2x128xi32, #tpu.memory_space<vmem>> -> memref<1x1x128xi32, #tpu.memory_space<vmem>>
    %dma_wait3A_128 = tpu.memref_squeeze %dma_wait3A_127 : memref<1x1x128xi32, #tpu.memory_space<vmem>> -> memref<128xi32, #tpu.memory_space<vmem>>
    %dma_wait3A_129 = arith.constant 0 : i32
    %dma_wait3A_130 = arith.constant 0 : i32
    %dma_wait3A_131 = tpu.memref_slice %arg2[%dma_wait3A_129, %dma_wait3A_130] : memref<100000x128xf32, #tpu.memory_space<hbm>> -> memref<100000x128xf32, #tpu.memory_space<hbm>>
    tpu.wait_indirect_dma semaphore(%arg11 : memref<!tpu.dma_semaphore, #tpu.memory_space<semaphore_mem>>) src(%dma_wait3A_131 : memref<100000x128xf32, #tpu.memory_space<hbm>>) dst(%dma_wait3A_125 : memref<128x128xf32, #tpu.memory_space<vmem>>)
    %parallel_loop3A_132 = arith.constant 0 : i32
    %parallel_loop3A_133 = arith.constant 128 : i32
    %parallel_loop3A_134 = arith.constant 1 : i32
    scf.for %parallel_loop3A_233 = %parallel_loop3A_132 to %parallel_loop3A_133 step %parallel_loop3A_134  : i32 {
      %parallel_loop3A_234 = arith.index_cast %parallel_loop3A_233 : i32 to index
      %parallel_loop3A_235 = arith.constant 0 : index
      %parallel_loop3A_236 = tpu.vector_load %arg8[%parallel_loop3A_234, %parallel_loop3A_235] {strides = array<i32>} : memref<256x128xf32, #tpu.memory_space<vmem>>, vector<1x16xf32>,
      %parallel_loop3A_237 = vector.shape_cast %parallel_loop3A_236 : vector<1x16xf32> to vector<16xf32>
      %parallel_loop3A_238 = arith.constant 128 : i32
      %parallel_loop3A_239 = arith.addi %parallel_loop3A_238, %parallel_loop3A_233 : i32
      %parallel_loop3A_240 = arith.index_cast %parallel_loop3A_239 : i32 to index
      %parallel_loop3A_241 = arith.constant 0 : index
      %parallel_loop3A_242 = tpu.vector_load %arg8[%parallel_loop3A_240, %parallel_loop3A_241] {strides = array<i32>} : memref<256x128xf32, #tpu.memory_space<vmem>>, vector<1x16xf32>,
      %parallel_loop3A_243 = vector.shape_cast %parallel_loop3A_242 : vector<1x16xf32> to vector<16xf32>
      %parallel_loop3A_244 = arith.addf %parallel_loop3A_237, %parallel_loop3A_243 : vector<16xf32>
      %parallel_loop3A_245 = arith.index_cast %parallel_loop3A_233 : i32 to index
      %parallel_loop3A_246 = arith.constant 0 : index
      %parallel_loop3A_247 = tpu.vector_load %arg9[%parallel_loop3A_245, %parallel_loop3A_246] {strides = array<i32>} : memref<128x128xf32, #tpu.memory_space<vmem>>, vector<1x16xf32>,
      %parallel_loop3A_248 = vector.shape_cast %parallel_loop3A_247 : vector<1x16xf32> to vector<16xf32>
      %parallel_loop3A_249 = vector.shape_cast %parallel_loop3A_244 : vector<16xf32> to vector<1x16xf32>
      tpu.vector_store %arg9[%parallel_loop3A_245, %parallel_loop3A_246], %parallel_loop3A_249 {add = true, strides = array<i32>} : memref<128x128xf32, #tpu.memory_space<vmem>>, vector<1x16xf32>,
      %parallel_loop3A_250 = arith.index_cast %parallel_loop3A_233 : i32 to index
      %parallel_loop3A_251 = arith.constant 16 : index
      %parallel_loop3A_252 = tpu.vector_load %arg8[%parallel_loop3A_250, %parallel_loop3A_251] {strides = array<i32>} : memref<256x128xf32, #tpu.memory_space<vmem>>, vector<1x16xf32>,
      %parallel_loop3A_253 = vector.shape_cast %parallel_loop3A_252 : vector<1x16xf32> to vector<16xf32>
      %parallel_loop3A_254 = arith.constant 128 : i32
      %parallel_loop3A_255 = arith.addi %parallel_loop3A_254, %parallel_loop3A_233 : i32
      %parallel_loop3A_256 = arith.index_cast %parallel_loop3A_255 : i32 to index
      %parallel_loop3A_257 = arith.constant 16 : index
      %parallel_loop3A_258 = tpu.vector_load %arg8[%parallel_loop3A_256, %parallel_loop3A_257] {strides = array<i32>} : memref<256x128xf32, #tpu.memory_space<vmem>>, vector<1x16xf32>,
      %parallel_loop3A_259 = vector.shape_cast %parallel_loop3A_258 : vector<1x16xf32> to vector<16xf32>
      %parallel_loop3A_260 = arith.addf %parallel_loop3A_253, %parallel_loop3A_259 : vector<16xf32>
      %parallel_loop3A_261 = arith.index_cast %parallel_loop3A_233 : i32 to index
      %parallel_loop3A_262 = arith.constant 16 : index
      %parallel_loop3A_263 = tpu.vector_load %arg9[%parallel_loop3A_261, %parallel_loop3A_262] {strides = array<i32>} : memref<128x128xf32, #tpu.memory_space<vmem>>, vector<1x16xf32>,
      %parallel_loop3A_264 = vector.shape_cast %parallel_loop3A_263 : vector<1x16xf32> to vector<16xf32>
      %parallel_loop3A_265 = vector.shape_cast %parallel_loop3A_260 : vector<16xf32> to vector<1x16xf32>
      tpu.vector_store %arg9[%parallel_loop3A_261, %parallel_loop3A_262], %parallel_loop3A_265 {add = true, strides = array<i32>} : memref<128x128xf32, #tpu.memory_space<vmem>>, vector<1x16xf32>,
      %parallel_loop3A_266 = arith.index_cast %parallel_loop3A_233 : i32 to index
      %parallel_loop3A_267 = arith.constant 32 : index
      %parallel_loop3A_268 = tpu.vector_load %arg8[%parallel_loop3A_266, %parallel_loop3A_267] {strides = array<i32>} : memref<256x128xf32, #tpu.memory_space<vmem>>, vector<1x16xf32>,
      %parallel_loop3A_269 = vector.shape_cast %parallel_loop3A_268 : vector<1x16xf32> to vector<16xf32>
      %parallel_loop3A_270 = arith.constant 128 : i32
      %parallel_loop3A_271 = arith.addi %parallel_loop3A_270, %parallel_loop3A_233 : i32
      %parallel_loop3A_272 = arith.index_cast %parallel_loop3A_271 : i32 to index
      %parallel_loop3A_273 = arith.constant 32 : index
      %parallel_loop3A_274 = tpu.vector_load %arg8[%parallel_loop3A_272, %parallel_loop3A_273] {strides = array<i32>} : memref<256x128xf32, #tpu.memory_space<vmem>>, vector<1x16xf32>,
      %parallel_loop3A_275 = vector.shape_cast %parallel_loop3A_274 : vector<1x16xf32> to vector<16xf32>
      %parallel_loop3A_276 = arith.addf %parallel_loop3A_269, %parallel_loop3A_275 : vector<16xf32>
      %parallel_loop3A_277 = arith.index_cast %parallel_loop3A_233 : i32 to index
      %parallel_loop3A_278 = arith.constant 32 : index
      %parallel_loop3A_279 = tpu.vector_load %arg9[%parallel_loop3A_277, %parallel_loop3A_278] {strides = array<i32>} : memref<128x128xf32, #tpu.memory_space<vmem>>, vector<1x16xf32>,
      %parallel_loop3A_280 = vector.shape_cast %parallel_loop3A_279 : vector<1x16xf32> to vector<16xf32>
      %parallel_loop3A_281 = vector.shape_cast %parallel_loop3A_276 : vector<16xf32> to vector<1x16xf32>
      tpu.vector_store %arg9[%parallel_loop3A_277, %parallel_loop3A_278], %parallel_loop3A_281 {add = true, strides = array<i32>} : memref<128x128xf32, #tpu.memory_space<vmem>>, vector<1x16xf32>,
      %parallel_loop3A_282 = arith.index_cast %parallel_loop3A_233 : i32 to index
      %parallel_loop3A_283 = arith.constant 48 : index
      %parallel_loop3A_284 = tpu.vector_load %arg8[%parallel_loop3A_282, %parallel_loop3A_283] {strides = array<i32>} : memref<256x128xf32, #tpu.memory_space<vmem>>, vector<1x16xf32>,
      %parallel_loop3A_285 = vector.shape_cast %parallel_loop3A_284 : vector<1x16xf32> to vector<16xf32>
      %parallel_loop3A_286 = arith.constant 128 : i32
      %parallel_loop3A_287 = arith.addi %parallel_loop3A_286, %parallel_loop3A_233 : i32
      %parallel_loop3A_288 = arith.index_cast %parallel_loop3A_287 : i32 to index
      %parallel_loop3A_289 = arith.constant 48 : index
      %parallel_loop3A_290 = tpu.vector_load %arg8[%parallel_loop3A_288, %parallel_loop3A_289] {strides = array<i32>} : memref<256x128xf32, #tpu.memory_space<vmem>>, vector<1x16xf32>,
      %parallel_loop3A_291 = vector.shape_cast %parallel_loop3A_290 : vector<1x16xf32> to vector<16xf32>
      %parallel_loop3A_292 = arith.addf %parallel_loop3A_285, %parallel_loop3A_291 : vector<16xf32>
      %parallel_loop3A_293 = arith.index_cast %parallel_loop3A_233 : i32 to index
      %parallel_loop3A_294 = arith.constant 48 : index
      %parallel_loop3A_295 = tpu.vector_load %arg9[%parallel_loop3A_293, %parallel_loop3A_294] {strides = array<i32>} : memref<128x128xf32, #tpu.memory_space<vmem>>, vector<1x16xf32>,
      %parallel_loop3A_296 = vector.shape_cast %parallel_loop3A_295 : vector<1x16xf32> to vector<16xf32>
      %parallel_loop3A_297 = vector.shape_cast %parallel_loop3A_292 : vector<16xf32> to vector<1x16xf32>
      tpu.vector_store %arg9[%parallel_loop3A_293, %parallel_loop3A_294], %parallel_loop3A_297 {add = true, strides = array<i32>} : memref<128x128xf32, #tpu.memory_space<vmem>>, vector<1x16xf32>,
      %parallel_loop3A_298 = arith.index_cast %parallel_loop3A_233 : i32 to index
      %parallel_loop3A_299 = arith.constant 64 : index
      %parallel_loop3A_300 = tpu.vector_load %arg8[%parallel_loop3A_298, %parallel_loop3A_299] {strides = array<i32>} : memref<256x128xf32, #tpu.memory_space<vmem>>, vector<1x16xf32>,
      %parallel_loop3A_301 = vector.shape_cast %parallel_loop3A_300 : vector<1x16xf32> to vector<16xf32>
      %parallel_loop3A_302 = arith.constant 128 : i32
      %parallel_loop3A_303 = arith.addi %parallel_loop3A_302, %parallel_loop3A_233 : i32
      %parallel_loop3A_304 = arith.index_cast %parallel_loop3A_303 : i32 to index
      %parallel_loop3A_305 = arith.constant 64 : index
      %parallel_loop3A_306 = tpu.vector_load %arg8[%parallel_loop3A_304, %parallel_loop3A_305] {strides = array<i32>} : memref<256x128xf32, #tpu.memory_space<vmem>>, vector<1x16xf32>,
      %parallel_loop3A_307 = vector.shape_cast %parallel_loop3A_306 : vector<1x16xf32> to vector<16xf32>
      %parallel_loop3A_308 = arith.addf %parallel_loop3A_301, %parallel_loop3A_307 : vector<16xf32>
      %parallel_loop3A_309 = arith.index_cast %parallel_loop3A_233 : i32 to index
      %parallel_loop3A_310 = arith.constant 64 : index
      %parallel_loop3A_311 = tpu.vector_load %arg9[%parallel_loop3A_309, %parallel_loop3A_310] {strides = array<i32>} : memref<128x128xf32, #tpu.memory_space<vmem>>, vector<1x16xf32>,
      %parallel_loop3A_312 = vector.shape_cast %parallel_loop3A_311 : vector<1x16xf32> to vector<16xf32>
      %parallel_loop3A_313 = vector.shape_cast %parallel_loop3A_308 : vector<16xf32> to vector<1x16xf32>
      tpu.vector_store %arg9[%parallel_loop3A_309, %parallel_loop3A_310], %parallel_loop3A_313 {add = true, strides = array<i32>} : memref<128x128xf32, #tpu.memory_space<vmem>>, vector<1x16xf32>,
      %parallel_loop3A_314 = arith.index_cast %parallel_loop3A_233 : i32 to index
      %parallel_loop3A_315 = arith.constant 80 : index
      %parallel_loop3A_316 = tpu.vector_load %arg8[%parallel_loop3A_314, %parallel_loop3A_315] {strides = array<i32>} : memref<256x128xf32, #tpu.memory_space<vmem>>, vector<1x16xf32>,
      %parallel_loop3A_317 = vector.shape_cast %parallel_loop3A_316 : vector<1x16xf32> to vector<16xf32>
      %parallel_loop3A_318 = arith.constant 128 : i32
      %parallel_loop3A_319 = arith.addi %parallel_loop3A_318, %parallel_loop3A_233 : i32
      %parallel_loop3A_320 = arith.index_cast %parallel_loop3A_319 : i32 to index
      %parallel_loop3A_321 = arith.constant 80 : index
      %parallel_loop3A_322 = tpu.vector_load %arg8[%parallel_loop3A_320, %parallel_loop3A_321] {strides = array<i32>} : memref<256x128xf32, #tpu.memory_space<vmem>>, vector<1x16xf32>,
      %parallel_loop3A_323 = vector.shape_cast %parallel_loop3A_322 : vector<1x16xf32> to vector<16xf32>
      %parallel_loop3A_324 = arith.addf %parallel_loop3A_317, %parallel_loop3A_323 : vector<16xf32>
      %parallel_loop3A_325 = arith.index_cast %parallel_loop3A_233 : i32 to index
      %parallel_loop3A_326 = arith.constant 80 : index
      %parallel_loop3A_327 = tpu.vector_load %arg9[%parallel_loop3A_325, %parallel_loop3A_326] {strides = array<i32>} : memref<128x128xf32, #tpu.memory_space<vmem>>, vector<1x16xf32>,
      %parallel_loop3A_328 = vector.shape_cast %parallel_loop3A_327 : vector<1x16xf32> to vector<16xf32>
      %parallel_loop3A_329 = vector.shape_cast %parallel_loop3A_324 : vector<16xf32> to vector<1x16xf32>
      tpu.vector_store %arg9[%parallel_loop3A_325, %parallel_loop3A_326], %parallel_loop3A_329 {add = true, strides = array<i32>} : memref<128x128xf32, #tpu.memory_space<vmem>>, vector<1x16xf32>,
      %parallel_loop3A_330 = arith.index_cast %parallel_loop3A_233 : i32 to index
      %parallel_loop3A_331 = arith.constant 96 : index
      %parallel_loop3A_332 = tpu.vector_load %arg8[%parallel_loop3A_330, %parallel_loop3A_331] {strides = array<i32>} : memref<256x128xf32, #tpu.memory_space<vmem>>, vector<1x16xf32>,
      %parallel_loop3A_333 = vector.shape_cast %parallel_loop3A_332 : vector<1x16xf32> to vector<16xf32>
      %parallel_loop3A_334 = arith.constant 128 : i32
      %parallel_loop3A_335 = arith.addi %parallel_loop3A_334, %parallel_loop3A_233 : i32
      %parallel_loop3A_336 = arith.index_cast %parallel_loop3A_335 : i32 to index
      %parallel_loop3A_337 = arith.constant 96 : index
      %parallel_loop3A_338 = tpu.vector_load %arg8[%parallel_loop3A_336, %parallel_loop3A_337] {strides = array<i32>} : memref<256x128xf32, #tpu.memory_space<vmem>>, vector<1x16xf32>,
      %parallel_loop3A_339 = vector.shape_cast %parallel_loop3A_338 : vector<1x16xf32> to vector<16xf32>
      %parallel_loop3A_340 = arith.addf %parallel_loop3A_333, %parallel_loop3A_339 : vector<16xf32>
      %parallel_loop3A_341 = arith.index_cast %parallel_loop3A_233 : i32 to index
      %parallel_loop3A_342 = arith.constant 96 : index
      %parallel_loop3A_343 = tpu.vector_load %arg9[%parallel_loop3A_341, %parallel_loop3A_342] {strides = array<i32>} : memref<128x128xf32, #tpu.memory_space<vmem>>, vector<1x16xf32>,
      %parallel_loop3A_344 = vector.shape_cast %parallel_loop3A_343 : vector<1x16xf32> to vector<16xf32>
      %parallel_loop3A_345 = vector.shape_cast %parallel_loop3A_340 : vector<16xf32> to vector<1x16xf32>
      tpu.vector_store %arg9[%parallel_loop3A_341, %parallel_loop3A_342], %parallel_loop3A_345 {add = true, strides = array<i32>} : memref<128x128xf32, #tpu.memory_space<vmem>>, vector<1x16xf32>,
      %parallel_loop3A_346 = arith.index_cast %parallel_loop3A_233 : i32 to index
      %parallel_loop3A_347 = arith.constant 112 : index
      %parallel_loop3A_348 = tpu.vector_load %arg8[%parallel_loop3A_346, %parallel_loop3A_347] {strides = array<i32>} : memref<256x128xf32, #tpu.memory_space<vmem>>, vector<1x16xf32>,
      %parallel_loop3A_349 = vector.shape_cast %parallel_loop3A_348 : vector<1x16xf32> to vector<16xf32>
      %parallel_loop3A_350 = arith.constant 128 : i32
      %parallel_loop3A_351 = arith.addi %parallel_loop3A_350, %parallel_loop3A_233 : i32
      %parallel_loop3A_352 = arith.index_cast %parallel_loop3A_351 : i32 to index
      %parallel_loop3A_353 = arith.constant 112 : index
      %parallel_loop3A_354 = tpu.vector_load %arg8[%parallel_loop3A_352, %parallel_loop3A_353] {strides = array<i32>} : memref<256x128xf32, #tpu.memory_space<vmem>>, vector<1x16xf32>,
      %parallel_loop3A_355 = vector.shape_cast %parallel_loop3A_354 : vector<1x16xf32> to vector<16xf32>
      %parallel_loop3A_356 = arith.addf %parallel_loop3A_349, %parallel_loop3A_355 : vector<16xf32>
      %parallel_loop3A_357 = arith.index_cast %parallel_loop3A_233 : i32 to index
      %parallel_loop3A_358 = arith.constant 112 : index
      %parallel_loop3A_359 = tpu.vector_load %arg9[%parallel_loop3A_357, %parallel_loop3A_358] {strides = array<i32>} : memref<128x128xf32, #tpu.memory_space<vmem>>, vector<1x16xf32>,
      %parallel_loop3A_360 = vector.shape_cast %parallel_loop3A_359 : vector<1x16xf32> to vector<16xf32>
      %parallel_loop3A_361 = vector.shape_cast %parallel_loop3A_356 : vector<16xf32> to vector<1x16xf32>
      tpu.vector_store %arg9[%parallel_loop3A_357, %parallel_loop3A_358], %parallel_loop3A_361 {add = true, strides = array<i32>} : memref<128x128xf32, #tpu.memory_space<vmem>>, vector<1x16xf32>,
    } {sc.loop_unroll_factor = 4 : i64, sc.parallel_access}
    %add3A_135 = arith.constant 384 : i32
    %add3A_136 = arith.addi %mul3A_2, %add3A_135 : i32
    "tpu.region"() ({
      %run_scoped3A = tpu.sem_alloc : memref<!tpu.dma_semaphore, #tpu.memory_space<semaphore_mem>>
      %dma_start3A_233 = arith.constant 0 : i32
      %dma_start3A_234 = tpu.memref_slice %arg5[%add3A_136, %dma_start3A_233] : memref<16384x128xf32, #tpu.memory_space<hbm>> -> memref<128x128xf32, #tpu.memory_space<hbm>>
      %dma_start3A_235 = arith.constant 0 : i32
      %dma_start3A_236 = tpu.memref_slice %arg5[%add3A_136, %dma_start3A_235] : memref<16384x128xf32, #tpu.memory_space<hbm>> -> memref<128x128xf32, #tpu.memory_space<hbm>>
      tpu.enqueue_dma source(%arg9 : memref<128x128xf32, #tpu.memory_space<vmem>>) target(%dma_start3A_236 : memref<128x128xf32, #tpu.memory_space<hbm>>) target_semaphore(%run_scoped3A : memref<!tpu.dma_semaphore, #tpu.memory_space<semaphore_mem>>)
      %dma_wait3A_237 = arith.constant 0 : i32
      %dma_wait3A_238 = tpu.memref_slice %arg5[%add3A_136, %dma_wait3A_237] : memref<16384x128xf32, #tpu.memory_space<hbm>> -> memref<128x128xf32, #tpu.memory_space<hbm>>
      %dma_wait3A_239 = arith.constant 0 : i32
      %dma_wait3A_240 = tpu.memref_slice %arg5[%add3A_136, %dma_wait3A_239] : memref<16384x128xf32, #tpu.memory_space<hbm>> -> memref<128x128xf32, #tpu.memory_space<hbm>>
      tpu.wait_dma2 semaphore(%run_scoped3A : memref<!tpu.dma_semaphore, #tpu.memory_space<semaphore_mem>>) src(%arg9 : memref<128x128xf32, #tpu.memory_space<vmem>>) dst(%dma_wait3A_240 : memref<128x128xf32, #tpu.memory_space<hbm>>)
      tpu.yield
    }) : () -> ()
    %scan3A_137 = arith.constant 0 : i32
    %scan3A_138 = arith.constant 0 : i32
    %scan3A_139 = arith.constant 128 : i32
    %scan3A_140 = arith.addi %scan3A_138, %scan3A_139 : i32
    %scan3A_141 = arith.constant 1 : i32
    scf.for %scan3A_233 = %scan3A_138 to %scan3A_140 step %scan3A_141  : i32 {
      %broadcast_in_dim3A = arith.constant 0.000000e+00 : f32
      %broadcast_in_dim3A_234 = vector.broadcast %broadcast_in_dim3A : f32 to vector<16xf32>
      %swap3A = arith.index_cast %scan3A_233 : i32 to index
      %swap3A_235 = arith.constant 0 : index
      %swap3A_236 = tpu.vector_load %arg9[%swap3A, %swap3A_235] {strides = array<i32>} : memref<128x128xf32, #tpu.memory_space<vmem>>, vector<1x16xf32>,
      %swap3A_237 = vector.shape_cast %swap3A_236 : vector<1x16xf32> to vector<16xf32>
      %swap3A_238 = vector.shape_cast %broadcast_in_dim3A_234 : vector<16xf32> to vector<1x16xf32>
      tpu.vector_store %arg9[%swap3A, %swap3A_235], %swap3A_238 {strides = array<i32>} : memref<128x128xf32, #tpu.memory_space<vmem>>, vector<1x16xf32>,
      %broadcast_in_dim3A_239 = arith.constant 0.000000e+00 : f32
      %broadcast_in_dim3A_240 = vector.broadcast %broadcast_in_dim3A_239 : f32 to vector<16xf32>
      %swap3A_241 = arith.index_cast %scan3A_233 : i32 to index
      %swap3A_242 = arith.constant 16 : index
      %swap3A_243 = tpu.vector_load %arg9[%swap3A_241, %swap3A_242] {strides = array<i32>} : memref<128x128xf32, #tpu.memory_space<vmem>>, vector<1x16xf32>,
      %swap3A_244 = vector.shape_cast %swap3A_243 : vector<1x16xf32> to vector<16xf32>
      %swap3A_245 = vector.shape_cast %broadcast_in_dim3A_240 : vector<16xf32> to vector<1x16xf32>
      tpu.vector_store %arg9[%swap3A_241, %swap3A_242], %swap3A_245 {strides = array<i32>} : memref<128x128xf32, #tpu.memory_space<vmem>>, vector<1x16xf32>,
      %broadcast_in_dim3A_246 = arith.constant 0.000000e+00 : f32
      %broadcast_in_dim3A_247 = vector.broadcast %broadcast_in_dim3A_246 : f32 to vector<16xf32>
      %swap3A_248 = arith.index_cast %scan3A_233 : i32 to index
      %swap3A_249 = arith.constant 32 : index
      %swap3A_250 = tpu.vector_load %arg9[%swap3A_248, %swap3A_249] {strides = array<i32>} : memref<128x128xf32, #tpu.memory_space<vmem>>, vector<1x16xf32>,
      %swap3A_251 = vector.shape_cast %swap3A_250 : vector<1x16xf32> to vector<16xf32>
      %swap3A_252 = vector.shape_cast %broadcast_in_dim3A_247 : vector<16xf32> to vector<1x16xf32>
      tpu.vector_store %arg9[%swap3A_248, %swap3A_249], %swap3A_252 {strides = array<i32>} : memref<128x128xf32, #tpu.memory_space<vmem>>, vector<1x16xf32>,
      %broadcast_in_dim3A_253 = arith.constant 0.000000e+00 : f32
      %broadcast_in_dim3A_254 = vector.broadcast %broadcast_in_dim3A_253 : f32 to vector<16xf32>
      %swap3A_255 = arith.index_cast %scan3A_233 : i32 to index
      %swap3A_256 = arith.constant 48 : index
      %swap3A_257 = tpu.vector_load %arg9[%swap3A_255, %swap3A_256] {strides = array<i32>} : memref<128x128xf32, #tpu.memory_space<vmem>>, vector<1x16xf32>,
      %swap3A_258 = vector.shape_cast %swap3A_257 : vector<1x16xf32> to vector<16xf32>
      %swap3A_259 = vector.shape_cast %broadcast_in_dim3A_254 : vector<16xf32> to vector<1x16xf32>
      tpu.vector_store %arg9[%swap3A_255, %swap3A_256], %swap3A_259 {strides = array<i32>} : memref<128x128xf32, #tpu.memory_space<vmem>>, vector<1x16xf32>,
      %broadcast_in_dim3A_260 = arith.constant 0.000000e+00 : f32
      %broadcast_in_dim3A_261 = vector.broadcast %broadcast_in_dim3A_260 : f32 to vector<16xf32>
      %swap3A_262 = arith.index_cast %scan3A_233 : i32 to index
      %swap3A_263 = arith.constant 64 : index
      %swap3A_264 = tpu.vector_load %arg9[%swap3A_262, %swap3A_263] {strides = array<i32>} : memref<128x128xf32, #tpu.memory_space<vmem>>, vector<1x16xf32>,
      %swap3A_265 = vector.shape_cast %swap3A_264 : vector<1x16xf32> to vector<16xf32>
      %swap3A_266 = vector.shape_cast %broadcast_in_dim3A_261 : vector<16xf32> to vector<1x16xf32>
      tpu.vector_store %arg9[%swap3A_262, %swap3A_263], %swap3A_266 {strides = array<i32>} : memref<128x128xf32, #tpu.memory_space<vmem>>, vector<1x16xf32>,
      %broadcast_in_dim3A_267 = arith.constant 0.000000e+00 : f32
      %broadcast_in_dim3A_268 = vector.broadcast %broadcast_in_dim3A_267 : f32 to vector<16xf32>
      %swap3A_269 = arith.index_cast %scan3A_233 : i32 to index
      %swap3A_270 = arith.constant 80 : index
      %swap3A_271 = tpu.vector_load %arg9[%swap3A_269, %swap3A_270] {strides = array<i32>} : memref<128x128xf32, #tpu.memory_space<vmem>>, vector<1x16xf32>,
      %swap3A_272 = vector.shape_cast %swap3A_271 : vector<1x16xf32> to vector<16xf32>
      %swap3A_273 = vector.shape_cast %broadcast_in_dim3A_268 : vector<16xf32> to vector<1x16xf32>
      tpu.vector_store %arg9[%swap3A_269, %swap3A_270], %swap3A_273 {strides = array<i32>} : memref<128x128xf32, #tpu.memory_space<vmem>>, vector<1x16xf32>,
      %broadcast_in_dim3A_274 = arith.constant 0.000000e+00 : f32
      %broadcast_in_dim3A_275 = vector.broadcast %broadcast_in_dim3A_274 : f32 to vector<16xf32>
      %swap3A_276 = arith.index_cast %scan3A_233 : i32 to index
      %swap3A_277 = arith.constant 96 : index
      %swap3A_278 = tpu.vector_load %arg9[%swap3A_276, %swap3A_277] {strides = array<i32>} : memref<128x128xf32, #tpu.memory_space<vmem>>, vector<1x16xf32>,
      %swap3A_279 = vector.shape_cast %swap3A_278 : vector<1x16xf32> to vector<16xf32>
      %swap3A_280 = vector.shape_cast %broadcast_in_dim3A_275 : vector<16xf32> to vector<1x16xf32>
      tpu.vector_store %arg9[%swap3A_276, %swap3A_277], %swap3A_280 {strides = array<i32>} : memref<128x128xf32, #tpu.memory_space<vmem>>, vector<1x16xf32>,
      %broadcast_in_dim3A_281 = arith.constant 0.000000e+00 : f32
      %broadcast_in_dim3A_282 = vector.broadcast %broadcast_in_dim3A_281 : f32 to vector<16xf32>
      %swap3A_283 = arith.index_cast %scan3A_233 : i32 to index
      %swap3A_284 = arith.constant 112 : index
      %swap3A_285 = tpu.vector_load %arg9[%swap3A_283, %swap3A_284] {strides = array<i32>} : memref<128x128xf32, #tpu.memory_space<vmem>>, vector<1x16xf32>,
      %swap3A_286 = vector.shape_cast %swap3A_285 : vector<1x16xf32> to vector<16xf32>
      %swap3A_287 = vector.shape_cast %broadcast_in_dim3A_282 : vector<16xf32> to vector<1x16xf32>
      tpu.vector_store %arg9[%swap3A_283, %swap3A_284], %swap3A_287 {strides = array<i32>} : memref<128x128xf32, #tpu.memory_space<vmem>>, vector<1x16xf32>,
    }
    %scan3A_142 = arith.constant 128 : i32
    %add3A_143 = arith.constant 384 : i32
    %add3A_144 = arith.addi %mul3A_2, %add3A_143 : i32
    %dma_start3A_145 = arith.constant 48 : i32
    %dma_start3A_146 = arith.constant 0 : i32
    %dma_start3A_147 = arith.constant 0 : i32
    %dma_start3A_148 = tpu.memref_slice %arg8[%dma_start3A_146, %dma_start3A_147] : memref<256x128xf32, #tpu.memory_space<vmem>> -> memref<128x128xf32, #tpu.memory_space<vmem>>
    %dma_start3A_149 = arith.constant 0 : i32
    %dma_start3A_150 = tpu.memref_slice %arg4[%dma_start3A_145, %add3A_144, %dma_start3A_149] : memref<50x16384x128xf32, #tpu.memory_space<hbm>> -> memref<1x128x128xf32, #tpu.memory_space<hbm>>
    %dma_start3A_151 = tpu.memref_squeeze %dma_start3A_150 : memref<1x128x128xf32, #tpu.memory_space<hbm>> -> memref<128x128xf32, #tpu.memory_space<hbm>>
    %dma_start3A_152 = arith.constant 0 : i32
    %dma_start3A_153 = tpu.memref_slice %arg4[%dma_start3A_145, %add3A_144, %dma_start3A_152] : memref<50x16384x128xf32, #tpu.memory_space<hbm>> -> memref<1x128x128xf32, #tpu.memory_space<hbm>>
    %dma_start3A_154 = tpu.memref_squeeze %dma_start3A_153 : memref<1x128x128xf32, #tpu.memory_space<hbm>> -> memref<128x128xf32, #tpu.memory_space<hbm>>
    %dma_start3A_155 = arith.constant 0 : i32
    %dma_start3A_156 = arith.constant 0 : i32
    %dma_start3A_157 = tpu.memref_slice %arg8[%dma_start3A_155, %dma_start3A_156] : memref<256x128xf32, #tpu.memory_space<vmem>> -> memref<128x128xf32, #tpu.memory_space<vmem>>
    tpu.enqueue_dma source(%dma_start3A_157 : memref<128x128xf32, #tpu.memory_space<vmem>>) target(%dma_start3A_154 : memref<128x128xf32, #tpu.memory_space<hbm>>) target_semaphore(%arg13 : memref<!tpu.dma_semaphore, #tpu.memory_space<semaphore_mem>>)
    %add3A_158 = arith.constant 384 : i32
    %add3A_159 = arith.addi %mul3A_2, %add3A_158 : i32
    %dma_start3A_160 = arith.constant 49 : i32
    %dma_start3A_161 = arith.constant 128 : i32
    %dma_start3A_162 = arith.constant 0 : i32
    %dma_start3A_163 = tpu.memref_slice %arg8[%dma_start3A_161, %dma_start3A_162] : memref<256x128xf32, #tpu.memory_space<vmem>> -> memref<128x128xf32, #tpu.memory_space<vmem>>
    %dma_start3A_164 = arith.constant 0 : i32
    %dma_start3A_165 = tpu.memref_slice %arg4[%dma_start3A_160, %add3A_159, %dma_start3A_164] : memref<50x16384x128xf32, #tpu.memory_space<hbm>> -> memref<1x128x128xf32, #tpu.memory_space<hbm>>
    %dma_start3A_166 = tpu.memref_squeeze %dma_start3A_165 : memref<1x128x128xf32, #tpu.memory_space<hbm>> -> memref<128x128xf32, #tpu.memory_space<hbm>>
    %dma_start3A_167 = arith.constant 0 : i32
    %dma_start3A_168 = tpu.memref_slice %arg4[%dma_start3A_160, %add3A_159, %dma_start3A_167] : memref<50x16384x128xf32, #tpu.memory_space<hbm>> -> memref<1x128x128xf32, #tpu.memory_space<hbm>>
    %dma_start3A_169 = tpu.memref_squeeze %dma_start3A_168 : memref<1x128x128xf32, #tpu.memory_space<hbm>> -> memref<128x128xf32, #tpu.memory_space<hbm>>
    %dma_start3A_170 = arith.constant 128 : i32
    %dma_start3A_171 = arith.constant 0 : i32
    %dma_start3A_172 = tpu.memref_slice %arg8[%dma_start3A_170, %dma_start3A_171] : memref<256x128xf32, #tpu.memory_space<vmem>> -> memref<128x128xf32, #tpu.memory_space<vmem>>
    tpu.enqueue_dma source(%dma_start3A_172 : memref<128x128xf32, #tpu.memory_space<vmem>>) target(%dma_start3A_169 : memref<128x128xf32, #tpu.memory_space<hbm>>) target_semaphore(%arg13 : memref<!tpu.dma_semaphore, #tpu.memory_space<semaphore_mem>>)
    %dma_wait3A_173 = arith.constant 0 : i32
    %dma_wait3A_174 = arith.constant 0 : i32
    %dma_wait3A_175 = arith.constant 0 : i32
    %dma_wait3A_176 = tpu.memref_slice %arg7[%dma_wait3A_174, %dma_wait3A_175] : memref<256x128xf32, #tpu.memory_space<vmem>> -> memref<128x128xf32, #tpu.memory_space<vmem>>
    %dma_wait3A_177 = arith.constant 0 : i32
    %dma_wait3A_178 = arith.constant 0 : i32
    %dma_wait3A_179 = tpu.memref_slice %arg4[%dma_wait3A_173, %dma_wait3A_177, %dma_wait3A_178] : memref<50x16384x128xf32, #tpu.memory_space<hbm>> -> memref<1x128x128xf32, #tpu.memory_space<hbm>>
    %dma_wait3A_180 = tpu.memref_squeeze %dma_wait3A_179 : memref<1x128x128xf32, #tpu.memory_space<hbm>> -> memref<128x128xf32, #tpu.memory_space<hbm>>
    %dma_wait3A_181 = arith.constant 0 : i32
    %dma_wait3A_182 = arith.constant 0 : i32
    %dma_wait3A_183 = tpu.memref_slice %arg4[%dma_wait3A_173, %dma_wait3A_181, %dma_wait3A_182] : memref<50x16384x128xf32, #tpu.memory_space<hbm>> -> memref<1x128x128xf32, #tpu.memory_space<hbm>>
    %dma_wait3A_184 = tpu.memref_squeeze %dma_wait3A_183 : memref<1x128x128xf32, #tpu.memory_space<hbm>> -> memref<128x128xf32, #tpu.memory_space<hbm>>
    %dma_wait3A_185 = arith.constant 0 : i32
    %dma_wait3A_186 = arith.constant 0 : i32
    %dma_wait3A_187 = tpu.memref_slice %arg7[%dma_wait3A_185, %dma_wait3A_186] : memref<256x128xf32, #tpu.memory_space<vmem>> -> memref<128x128xf32, #tpu.memory_space<vmem>>
    tpu.wait_dma2 semaphore(%arg12 : memref<!tpu.dma_semaphore, #tpu.memory_space<semaphore_mem>>) src(%dma_wait3A_187 : memref<128x128xf32, #tpu.memory_space<vmem>>) dst(%dma_wait3A_184 : memref<128x128xf32, #tpu.memory_space<hbm>>)
    %dma_wait3A_188 = arith.constant 0 : i32
    %dma_wait3A_189 = arith.constant 128 : i32
    %dma_wait3A_190 = arith.constant 0 : i32
    %dma_wait3A_191 = tpu.memref_slice %arg7[%dma_wait3A_189, %dma_wait3A_190] : memref<256x128xf32, #tpu.memory_space<vmem>> -> memref<128x128xf32, #tpu.memory_space<vmem>>
    %dma_wait3A_192 = arith.constant 0 : i32
    %dma_wait3A_193 = arith.constant 0 : i32
    %dma_wait3A_194 = tpu.memref_slice %arg4[%dma_wait3A_188, %dma_wait3A_192, %dma_wait3A_193] : memref<50x16384x128xf32, #tpu.memory_space<hbm>> -> memref<1x128x128xf32, #tpu.memory_space<hbm>>
    %dma_wait3A_195 = tpu.memref_squeeze %dma_wait3A_194 : memref<1x128x128xf32, #tpu.memory_space<hbm>> -> memref<128x128xf32, #tpu.memory_space<hbm>>
    %dma_wait3A_196 = arith.constant 0 : i32
    %dma_wait3A_197 = arith.constant 0 : i32
    %dma_wait3A_198 = tpu.memref_slice %arg4[%dma_wait3A_188, %dma_wait3A_196, %dma_wait3A_197] : memref<50x16384x128xf32, #tpu.memory_space<hbm>> -> memref<1x128x128xf32, #tpu.memory_space<hbm>>
    %dma_wait3A_199 = tpu.memref_squeeze %dma_wait3A_198 : memref<1x128x128xf32, #tpu.memory_space<hbm>> -> memref<128x128xf32, #tpu.memory_space<hbm>>
    %dma_wait3A_200 = arith.constant 128 : i32
    %dma_wait3A_201 = arith.constant 0 : i32
    %dma_wait3A_202 = tpu.memref_slice %arg7[%dma_wait3A_200, %dma_wait3A_201] : memref<256x128xf32, #tpu.memory_space<vmem>> -> memref<128x128xf32, #tpu.memory_space<vmem>>
    tpu.wait_dma2 semaphore(%arg12 : memref<!tpu.dma_semaphore, #tpu.memory_space<semaphore_mem>>) src(%dma_wait3A_202 : memref<128x128xf32, #tpu.memory_space<vmem>>) dst(%dma_wait3A_199 : memref<128x128xf32, #tpu.memory_space<hbm>>)
    %dma_wait3A_203 = arith.constant 0 : i32
    %dma_wait3A_204 = arith.constant 0 : i32
    %dma_wait3A_205 = arith.constant 0 : i32
    %dma_wait3A_206 = tpu.memref_slice %arg8[%dma_wait3A_204, %dma_wait3A_205] : memref<256x128xf32, #tpu.memory_space<vmem>> -> memref<128x128xf32, #tpu.memory_space<vmem>>
    %dma_wait3A_207 = arith.constant 0 : i32
    %dma_wait3A_208 = arith.constant 0 : i32
    %dma_wait3A_209 = tpu.memref_slice %arg4[%dma_wait3A_203, %dma_wait3A_207, %dma_wait3A_208] : memref<50x16384x128xf32, #tpu.memory_space<hbm>> -> memref<1x128x128xf32, #tpu.memory_space<hbm>>
    %dma_wait3A_210 = tpu.memref_squeeze %dma_wait3A_209 : memref<1x128x128xf32, #tpu.memory_space<hbm>> -> memref<128x128xf32, #tpu.memory_space<hbm>>
    %dma_wait3A_211 = arith.constant 0 : i32
    %dma_wait3A_212 = arith.constant 0 : i32
    %dma_wait3A_213 = tpu.memref_slice %arg4[%dma_wait3A_203, %dma_wait3A_211, %dma_wait3A_212] : memref<50x16384x128xf32, #tpu.memory_space<hbm>> -> memref<1x128x128xf32, #tpu.memory_space<hbm>>
    %dma_wait3A_214 = tpu.memref_squeeze %dma_wait3A_213 : memref<1x128x128xf32, #tpu.memory_space<hbm>> -> memref<128x128xf32, #tpu.memory_space<hbm>>
    %dma_wait3A_215 = arith.constant 0 : i32
    %dma_wait3A_216 = arith.constant 0 : i32
    %dma_wait3A_217 = tpu.memref_slice %arg8[%dma_wait3A_215, %dma_wait3A_216] : memref<256x128xf32, #tpu.memory_space<vmem>> -> memref<128x128xf32, #tpu.memory_space<vmem>>
    tpu.wait_dma2 semaphore(%arg13 : memref<!tpu.dma_semaphore, #tpu.memory_space<semaphore_mem>>) src(%dma_wait3A_217 : memref<128x128xf32, #tpu.memory_space<vmem>>) dst(%dma_wait3A_214 : memref<128x128xf32, #tpu.memory_space<hbm>>)
    %dma_wait3A_218 = arith.constant 0 : i32
    %dma_wait3A_219 = arith.constant 128 : i32
    %dma_wait3A_220 = arith.constant 0 : i32
    %dma_wait3A_221 = tpu.memref_slice %arg8[%dma_wait3A_219, %dma_wait3A_220] : memref<256x128xf32, #tpu.memory_space<vmem>> -> memref<128x128xf32, #tpu.memory_space<vmem>>
    %dma_wait3A_222 = arith.constant 0 : i32
    %dma_wait3A_223 = arith.constant 0 : i32
    %dma_wait3A_224 = tpu.memref_slice %arg4[%dma_wait3A_218, %dma_wait3A_222, %dma_wait3A_223] : memref<50x16384x128xf32, #tpu.memory_space<hbm>> -> memref<1x128x128xf32, #tpu.memory_space<hbm>>
    %dma_wait3A_225 = tpu.memref_squeeze %dma_wait3A_224 : memref<1x128x128xf32, #tpu.memory_space<hbm>> -> memref<128x128xf32, #tpu.memory_space<hbm>>
    %dma_wait3A_226 = arith.constant 0 : i32
    %dma_wait3A_227 = arith.constant 0 : i32
    %dma_wait3A_228 = tpu.memref_slice %arg4[%dma_wait3A_218, %dma_wait3A_226, %dma_wait3A_227] : memref<50x16384x128xf32, #tpu.memory_space<hbm>> -> memref<1x128x128xf32, #tpu.memory_space<hbm>>
    %dma_wait3A_229 = tpu.memref_squeeze %dma_wait3A_228 : memref<1x128x128xf32, #tpu.memory_space<hbm>> -> memref<128x128xf32, #tpu.memory_space<hbm>>
    %dma_wait3A_230 = arith.constant 128 : i32
    %dma_wait3A_231 = arith.constant 0 : i32
    %dma_wait3A_232 = tpu.memref_slice %arg8[%dma_wait3A_230, %dma_wait3A_231] : memref<256x128xf32, #tpu.memory_space<vmem>> -> memref<128x128xf32, #tpu.memory_space<vmem>>
    tpu.wait_dma2 semaphore(%arg13 : memref<!tpu.dma_semaphore, #tpu.memory_space<semaphore_mem>>) src(%dma_wait3A_232 : memref<128x128xf32, #tpu.memory_space<vmem>>) dst(%dma_wait3A_229 : memref<128x128xf32, #tpu.memory_space<hbm>>)
    return
  }
}

module attributes {stable_mosaic.version = 14 : i64} {
  func.func @_tc_body(%arg0: i32, %arg1: memref<2048x128xf32, #tpu.memory_space<vmem>>, %arg2: memref<128x1024xf32, #tpu.memory_space<vmem>>, %arg3: memref<1x1024xf32, #tpu.memory_space<vmem>>, %arg4: memref<1024x1024xf32, #tpu.memory_space<vmem>>, %arg5: memref<1x1024xf32, #tpu.memory_space<vmem>>, %arg6: memref<1024x128xf32, #tpu.memory_space<vmem>>, %arg7: memref<1x128xf32, #tpu.memory_space<vmem>>, %arg8: memref<128x1024xf32, #tpu.memory_space<vmem>>, %arg9: memref<1x1024xf32, #tpu.memory_space<vmem>>, %arg10: memref<1024x1024xf32, #tpu.memory_space<vmem>>, %arg11: memref<1x1024xf32, #tpu.memory_space<vmem>>, %arg12: memref<1024x128xf32, #tpu.memory_space<vmem>>, %arg13: memref<1x128xf32, #tpu.memory_space<vmem>>, %arg14: memref<1x2048x1xi32, #tpu.memory_space<vmem>>, %arg15: memref<1x2048x1xi32, #tpu.memory_space<vmem>>, %arg16: memref<1x1xf32, #tpu.memory_space<vmem>>, %arg17: memref<1x1xf32, #tpu.memory_space<vmem>>, %arg18: memref<1x1xf32, #tpu.memory_space<vmem>>) attributes {dimension_semantics = [#tpu.dimension_semantics<arbitrary>], iteration_bounds = array<i64: 8>, scalar_prefetch = 0 : i64, scratch_operands = 0 : i64, tpu.core_type = #tpu.core_type<tc>, window_params = [{transform_indices = @transform_0, window_bounds = array<i64: 2048, 128>}, {pipeline_mode = #tpu.pipeline_mode<synchronous>, transform_indices = @transform_1, window_bounds = array<i64: 128, 1024>}, {pipeline_mode = #tpu.pipeline_mode<synchronous>, transform_indices = @transform_2, window_bounds = array<i64: 1, 1024>}, {pipeline_mode = #tpu.pipeline_mode<synchronous>, transform_indices = @transform_3, window_bounds = array<i64: 1024, 1024>}, {pipeline_mode = #tpu.pipeline_mode<synchronous>, transform_indices = @transform_4, window_bounds = array<i64: 1, 1024>}, {pipeline_mode = #tpu.pipeline_mode<synchronous>, transform_indices = @transform_5, window_bounds = array<i64: 1024, 128>}, {pipeline_mode = #tpu.pipeline_mode<synchronous>, transform_indices = @transform_6, window_bounds = array<i64: 1, 128>}, {pipeline_mode = #tpu.pipeline_mode<synchronous>, transform_indices = @transform_7, window_bounds = array<i64: 128, 1024>}, {pipeline_mode = #tpu.pipeline_mode<synchronous>, transform_indices = @transform_8, window_bounds = array<i64: 1, 1024>}, {pipeline_mode = #tpu.pipeline_mode<synchronous>, transform_indices = @transform_9, window_bounds = array<i64: 1024, 1024>}, {pipeline_mode = #tpu.pipeline_mode<synchronous>, transform_indices = @transform_10, window_bounds = array<i64: 1, 1024>}, {pipeline_mode = #tpu.pipeline_mode<synchronous>, transform_indices = @transform_11, window_bounds = array<i64: 1024, 128>}, {pipeline_mode = #tpu.pipeline_mode<synchronous>, transform_indices = @transform_12, window_bounds = array<i64: 1, 128>}, {transform_indices = @transform_13, window_bounds = array<i64: 1, 2048, 1>}, {transform_indices = @transform_14, window_bounds = array<i64: 1, 2048, 1>}, {pipeline_mode = #tpu.pipeline_mode<synchronous>, transform_indices = @transform_15, window_bounds = array<i64: 1, 1>}, {pipeline_mode = #tpu.pipeline_mode<synchronous>, transform_indices = @transform_16, window_bounds = array<i64: 1, 1>}, {pipeline_mode = #tpu.pipeline_mode<synchronous>, transform_indices = @transform_17, window_bounds = array<i64: 1, 1>}]} {
    %eq3A = arith.constant 0 : i32
    %eq3A_0 = arith.cmpi eq, %arg0, %eq3A : i32
    %convert_element_type3A = arith.extui %eq3A_0 : i1 to i32
    %cond3A = arith.constant 0 : i32
    %cond3A_1 = arith.cmpi ne, %convert_element_type3A, %cond3A : i32
    scf.if %cond3A_1 {
      %broadcast_in_dim3A_169 = arith.constant 0.000000e+00 : f32
      %broadcast_in_dim3A_170 = vector.broadcast %broadcast_in_dim3A_169 : f32 to vector<1x1xf32>
      %swap3A_171 = arith.constant 0 : index
      %swap3A_172 = arith.constant 0 : index
      %swap3A_173 = vector.load %arg16[%swap3A_171, %swap3A_172] : memref<1x1xf32, #tpu.memory_space<vmem>>, vector<1x1xf32>
      tpu.vector_store %arg16[%swap3A_171, %swap3A_172], %broadcast_in_dim3A_170 {strides = array<i32>} : memref<1x1xf32, #tpu.memory_space<vmem>>, vector<1x1xf32>,
      %broadcast_in_dim3A_174 = arith.constant 0.000000e+00 : f32
      %broadcast_in_dim3A_175 = vector.broadcast %broadcast_in_dim3A_174 : f32 to vector<1x1xf32>
      %swap3A_176 = arith.constant 0 : index
      %swap3A_177 = arith.constant 0 : index
      %swap3A_178 = vector.load %arg17[%swap3A_176, %swap3A_177] : memref<1x1xf32, #tpu.memory_space<vmem>>, vector<1x1xf32>
      tpu.vector_store %arg17[%swap3A_176, %swap3A_177], %broadcast_in_dim3A_175 {strides = array<i32>} : memref<1x1xf32, #tpu.memory_space<vmem>>, vector<1x1xf32>,
      %broadcast_in_dim3A_179 = arith.constant 0.000000e+00 : f32
      %broadcast_in_dim3A_180 = vector.broadcast %broadcast_in_dim3A_179 : f32 to vector<1x1xf32>
      %swap3A_181 = arith.constant 0 : index
      %swap3A_182 = arith.constant 0 : index
      %swap3A_183 = vector.load %arg18[%swap3A_181, %swap3A_182] : memref<1x1xf32, #tpu.memory_space<vmem>>, vector<1x1xf32>
      tpu.vector_store %arg18[%swap3A_181, %swap3A_182], %broadcast_in_dim3A_180 {strides = array<i32>} : memref<1x1xf32, #tpu.memory_space<vmem>>, vector<1x1xf32>,
    } else {
    }
    %get3A = arith.constant 0 : index
    %get3A_2 = arith.constant 0 : index
    %get3A_3 = vector.load %arg1[%get3A, %get3A_2] : memref<2048x128xf32, #tpu.memory_space<vmem>>, vector<2048x128xf32>
    %mul3A = arith.constant 2.000000e-02 : f32
    %mul3A_4 = vector.broadcast %mul3A : f32 to vector<2048x128xf32>
    %mul3A_5 = arith.mulf %get3A_3, %mul3A_4 : vector<2048x128xf32>
    %get3A_6 = arith.constant 0 : index
    %get3A_7 = arith.constant 0 : index
    %get3A_8 = vector.load %arg2[%get3A_6, %get3A_7] : memref<128x1024xf32, #tpu.memory_space<vmem>>, vector<128x1024xf32>
    %dot_general3A = arith.constant dense<0.000000e+00> : vector<2048x1024xf32>
    %dot_general3A_9 = tpu.matmul %mul3A_5, %get3A_8, %dot_general3A {dimension_numbers = #tpu.dot_dimension_numbers<[1], [0], [0], [1], [0, 0, 1, 1], [], []>, transpose_lhs_hint = false} : vector<2048x128xf32>, vector<128x1024xf32>, vector<2048x1024xf32> -> vector<2048x1024xf32>
    %get3A_10 = arith.constant 0 : index
    %get3A_11 = arith.constant 0 : index
    %get3A_12 = vector.load %arg3[%get3A_10, %get3A_11] : memref<1x1024xf32, #tpu.memory_space<vmem>>, vector<1x1024xf32>
    %add3A = vector.broadcast %get3A_12 : vector<1x1024xf32> to vector<2048x1024xf32>
    %add3A_13 = arith.addf %dot_general3A_9, %add3A : vector<2048x1024xf32>
    %max3A = arith.constant 0.000000e+00 : f32
    %max3A_14 = vector.broadcast %max3A : f32 to vector<2048x1024xf32>
    %max3A_15 = arith.maximumf %add3A_13, %max3A_14 : vector<2048x1024xf32>
    %get3A_16 = arith.constant 0 : index
    %get3A_17 = arith.constant 0 : index
    %get3A_18 = vector.load %arg4[%get3A_16, %get3A_17] : memref<1024x1024xf32, #tpu.memory_space<vmem>>, vector<1024x1024xf32>
    %dot_general3A_19 = arith.constant dense<0.000000e+00> : vector<2048x1024xf32>
    %dot_general3A_20 = tpu.matmul %max3A_15, %get3A_18, %dot_general3A_19 {dimension_numbers = #tpu.dot_dimension_numbers<[1], [0], [0], [1], [0, 0, 1, 1], [], []>, transpose_lhs_hint = false} : vector<2048x1024xf32>, vector<1024x1024xf32>, vector<2048x1024xf32> -> vector<2048x1024xf32>
    %get3A_21 = arith.constant 0 : index
    %get3A_22 = arith.constant 0 : index
    %get3A_23 = vector.load %arg5[%get3A_21, %get3A_22] : memref<1x1024xf32, #tpu.memory_space<vmem>>, vector<1x1024xf32>
    %add3A_24 = vector.broadcast %get3A_23 : vector<1x1024xf32> to vector<2048x1024xf32>
    %add3A_25 = arith.addf %dot_general3A_20, %add3A_24 : vector<2048x1024xf32>
    %max3A_26 = arith.constant 0.000000e+00 : f32
    %max3A_27 = vector.broadcast %max3A_26 : f32 to vector<2048x1024xf32>
    %max3A_28 = arith.maximumf %add3A_25, %max3A_27 : vector<2048x1024xf32>
    %get3A_29 = arith.constant 0 : index
    %get3A_30 = arith.constant 0 : index
    %get3A_31 = vector.load %arg6[%get3A_29, %get3A_30] : memref<1024x128xf32, #tpu.memory_space<vmem>>, vector<1024x128xf32>
    %dot_general3A_32 = arith.constant dense<0.000000e+00> : vector<2048x128xf32>
    %dot_general3A_33 = tpu.matmul %max3A_28, %get3A_31, %dot_general3A_32 {dimension_numbers = #tpu.dot_dimension_numbers<[1], [0], [0], [1], [0, 0, 1, 1], [], []>, transpose_lhs_hint = false} : vector<2048x1024xf32>, vector<1024x128xf32>, vector<2048x128xf32> -> vector<2048x128xf32>
    %get3A_34 = arith.constant 0 : index
    %get3A_35 = arith.constant 0 : index
    %get3A_36 = vector.load %arg7[%get3A_34, %get3A_35] : memref<1x128xf32, #tpu.memory_space<vmem>>, vector<1x128xf32>
    %add3A_37 = vector.broadcast %get3A_36 : vector<1x128xf32> to vector<2048x128xf32>
    %add3A_38 = arith.addf %dot_general3A_33, %add3A_37 : vector<2048x128xf32>
    %get3A_39 = arith.constant 0 : index
    %get3A_40 = arith.constant 0 : index
    %get3A_41 = vector.load %arg8[%get3A_39, %get3A_40] : memref<128x1024xf32, #tpu.memory_space<vmem>>, vector<128x1024xf32>
    %dot_general3A_42 = arith.constant dense<0.000000e+00> : vector<2048x1024xf32>
    %dot_general3A_43 = tpu.matmul %mul3A_5, %get3A_41, %dot_general3A_42 {dimension_numbers = #tpu.dot_dimension_numbers<[1], [0], [0], [1], [0, 0, 1, 1], [], []>, transpose_lhs_hint = false} : vector<2048x128xf32>, vector<128x1024xf32>, vector<2048x1024xf32> -> vector<2048x1024xf32>
    %get3A_44 = arith.constant 0 : index
    %get3A_45 = arith.constant 0 : index
    %get3A_46 = vector.load %arg9[%get3A_44, %get3A_45] : memref<1x1024xf32, #tpu.memory_space<vmem>>, vector<1x1024xf32>
    %add3A_47 = vector.broadcast %get3A_46 : vector<1x1024xf32> to vector<2048x1024xf32>
    %add3A_48 = arith.addf %dot_general3A_43, %add3A_47 : vector<2048x1024xf32>
    %max3A_49 = arith.constant 0.000000e+00 : f32
    %max3A_50 = vector.broadcast %max3A_49 : f32 to vector<2048x1024xf32>
    %max3A_51 = arith.maximumf %add3A_48, %max3A_50 : vector<2048x1024xf32>
    %get3A_52 = arith.constant 0 : index
    %get3A_53 = arith.constant 0 : index
    %get3A_54 = vector.load %arg10[%get3A_52, %get3A_53] : memref<1024x1024xf32, #tpu.memory_space<vmem>>, vector<1024x1024xf32>
    %dot_general3A_55 = arith.constant dense<0.000000e+00> : vector<2048x1024xf32>
    %dot_general3A_56 = tpu.matmul %max3A_51, %get3A_54, %dot_general3A_55 {dimension_numbers = #tpu.dot_dimension_numbers<[1], [0], [0], [1], [0, 0, 1, 1], [], []>, transpose_lhs_hint = false} : vector<2048x1024xf32>, vector<1024x1024xf32>, vector<2048x1024xf32> -> vector<2048x1024xf32>
    %get3A_57 = arith.constant 0 : index
    %get3A_58 = arith.constant 0 : index
    %get3A_59 = vector.load %arg11[%get3A_57, %get3A_58] : memref<1x1024xf32, #tpu.memory_space<vmem>>, vector<1x1024xf32>
    %add3A_60 = vector.broadcast %get3A_59 : vector<1x1024xf32> to vector<2048x1024xf32>
    %add3A_61 = arith.addf %dot_general3A_56, %add3A_60 : vector<2048x1024xf32>
    %max3A_62 = arith.constant 0.000000e+00 : f32
    %max3A_63 = vector.broadcast %max3A_62 : f32 to vector<2048x1024xf32>
    %max3A_64 = arith.maximumf %add3A_61, %max3A_63 : vector<2048x1024xf32>
    %get3A_65 = arith.constant 0 : index
    %get3A_66 = arith.constant 0 : index
    %get3A_67 = vector.load %arg12[%get3A_65, %get3A_66] : memref<1024x128xf32, #tpu.memory_space<vmem>>, vector<1024x128xf32>
    %dot_general3A_68 = arith.constant dense<0.000000e+00> : vector<2048x128xf32>
    %dot_general3A_69 = tpu.matmul %max3A_64, %get3A_67, %dot_general3A_68 {dimension_numbers = #tpu.dot_dimension_numbers<[1], [0], [0], [1], [0, 0, 1, 1], [], []>, transpose_lhs_hint = false} : vector<2048x1024xf32>, vector<1024x128xf32>, vector<2048x128xf32> -> vector<2048x128xf32>
    %get3A_70 = arith.constant 0 : index
    %get3A_71 = arith.constant 0 : index
    %get3A_72 = vector.load %arg13[%get3A_70, %get3A_71] : memref<1x128xf32, #tpu.memory_space<vmem>>, vector<1x128xf32>
    %add3A_73 = vector.broadcast %get3A_72 : vector<1x128xf32> to vector<2048x128xf32>
    %add3A_74 = arith.addf %dot_general3A_69, %add3A_73 : vector<2048x128xf32>
    %iota3A = tpu.iota {dimensions = array<i32: 1>} : vector<2048x128xi32>
    %reduce_max3A = arith.constant dense<0xFF800000> : vector<2048xf32>
    %reduce_max3A_75 = vector.multi_reduction <maximumf>, %add3A_38, %reduce_max3A [1] : vector<2048x128xf32> to vector<2048xf32>
    %broadcast_in_dim3A = vector.shape_cast %reduce_max3A_75 : vector<2048xf32> to vector<2048x1xf32>
    %sub3A = vector.broadcast %broadcast_in_dim3A : vector<2048x1xf32> to vector<2048x128xf32>
    %sub3A_76 = arith.subf %add3A_38, %sub3A : vector<2048x128xf32>
    %exp3A = math.exp %sub3A_76 : vector<2048x128xf32>
    %reduce_sum3A = arith.constant dense<0.000000e+00> : vector<2048xf32>
    %reduce_sum3A_77 = vector.multi_reduction <add>, %exp3A, %reduce_sum3A [1] : vector<2048x128xf32> to vector<2048xf32>
    %broadcast_in_dim3A_78 = vector.shape_cast %reduce_sum3A_77 : vector<2048xf32> to vector<2048x1xf32>
    %log3A = math.log %broadcast_in_dim3A_78 : vector<2048x1xf32>
    %add3A_79 = arith.addf %log3A, %broadcast_in_dim3A : vector<2048x1xf32>
    %reduce_max3A_80 = arith.constant dense<0xFF800000> : vector<2048xf32>
    %reduce_max3A_81 = vector.multi_reduction <maximumf>, %add3A_74, %reduce_max3A_80 [1] : vector<2048x128xf32> to vector<2048xf32>
    %broadcast_in_dim3A_82 = vector.shape_cast %reduce_max3A_81 : vector<2048xf32> to vector<2048x1xf32>
    %sub3A_83 = vector.broadcast %broadcast_in_dim3A_82 : vector<2048x1xf32> to vector<2048x128xf32>
    %sub3A_84 = arith.subf %add3A_74, %sub3A_83 : vector<2048x128xf32>
    %exp3A_85 = math.exp %sub3A_84 : vector<2048x128xf32>
    %reduce_sum3A_86 = arith.constant dense<0.000000e+00> : vector<2048xf32>
    %reduce_sum3A_87 = vector.multi_reduction <add>, %exp3A_85, %reduce_sum3A_86 [1] : vector<2048x128xf32> to vector<2048xf32>
    %broadcast_in_dim3A_88 = vector.shape_cast %reduce_sum3A_87 : vector<2048xf32> to vector<2048x1xf32>
    %log3A_89 = math.log %broadcast_in_dim3A_88 : vector<2048x1xf32>
    %add3A_90 = arith.addf %log3A_89, %broadcast_in_dim3A_82 : vector<2048x1xf32>
    %get3A_91 = arith.constant 0 : index
    %get3A_92 = arith.constant 0 : index
    %get3A_93 = arith.constant 0 : index
    %get3A_94 = vector.load %arg14[%get3A_91, %get3A_92, %get3A_93] : memref<1x2048x1xi32, #tpu.memory_space<vmem>>, vector<1x2048x1xi32>
    %get3A_95 = vector.shape_cast %get3A_94 : vector<1x2048x1xi32> to vector<2048x1xi32>
    %eq3A_96 = vector.broadcast %get3A_95 : vector<2048x1xi32> to vector<2048x128xi32>
    %eq3A_97 = arith.cmpi eq, %iota3A, %eq3A_96 : vector<2048x128xi32>
    %jit3A = arith.constant 0.000000e+00 : f32
    %broadcast_in_dim3A_98 = vector.broadcast %jit3A : f32 to vector<2048x128xf32>
    %select_n3A = arith.select %eq3A_97, %add3A_38, %broadcast_in_dim3A_98 : vector<2048x128xi1>, vector<2048x128xf32>
    %reduce_sum3A_99 = arith.constant dense<0.000000e+00> : vector<2048xf32>
    %reduce_sum3A_100 = vector.multi_reduction <add>, %select_n3A, %reduce_sum3A_99 [1] : vector<2048x128xf32> to vector<2048xf32>
    %broadcast_in_dim3A_101 = vector.shape_cast %reduce_sum3A_100 : vector<2048xf32> to vector<2048x1xf32>
    %get3A_102 = arith.constant 0 : index
    %get3A_103 = arith.constant 0 : index
    %get3A_104 = arith.constant 0 : index
    %get3A_105 = vector.load %arg15[%get3A_102, %get3A_103, %get3A_104] : memref<1x2048x1xi32, #tpu.memory_space<vmem>>, vector<1x2048x1xi32>
    %get3A_106 = vector.shape_cast %get3A_105 : vector<1x2048x1xi32> to vector<2048x1xi32>
    %eq3A_107 = vector.broadcast %get3A_106 : vector<2048x1xi32> to vector<2048x128xi32>
    %eq3A_108 = arith.cmpi eq, %iota3A, %eq3A_107 : vector<2048x128xi32>
    %jit3A_109 = arith.constant 0.000000e+00 : f32
    %broadcast_in_dim3A_110 = vector.broadcast %jit3A_109 : f32 to vector<2048x128xf32>
    %select_n3A_111 = arith.select %eq3A_108, %add3A_74, %broadcast_in_dim3A_110 : vector<2048x128xi1>, vector<2048x128xf32>
    %reduce_sum3A_112 = arith.constant dense<0.000000e+00> : vector<2048xf32>
    %reduce_sum3A_113 = vector.multi_reduction <add>, %select_n3A_111, %reduce_sum3A_112 [1] : vector<2048x128xf32> to vector<2048xf32>
    %broadcast_in_dim3A_114 = vector.shape_cast %reduce_sum3A_113 : vector<2048xf32> to vector<2048x1xf32>
    %lt3A = arith.constant 2 : i32
    %lt3A_115 = vector.broadcast %lt3A : i32 to vector<2048x128xi32>
    %lt3A_116 = arith.cmpi slt, %iota3A, %lt3A_115 : vector<2048x128xi32>
    %jit3A_117 = arith.constant 0.000000e+00 : f32
    %broadcast_in_dim3A_118 = vector.broadcast %jit3A_117 : f32 to vector<2048x128xf32>
    %select_n3A_119 = arith.select %lt3A_116, %add3A_74, %broadcast_in_dim3A_118 : vector<2048x128xi1>, vector<2048x128xf32>
    %reduce_sum3A_120 = arith.constant dense<0.000000e+00> : vector<2048xf32>
    %reduce_sum3A_121 = vector.multi_reduction <add>, %select_n3A_119, %reduce_sum3A_120 [1] : vector<2048x128xf32> to vector<2048xf32>
    %broadcast_in_dim3A_122 = vector.shape_cast %reduce_sum3A_121 : vector<2048xf32> to vector<2048x1xf32>
    %get3A_123 = arith.constant 0 : index
    %get3A_124 = arith.constant 0 : index
    %get3A_125 = vector.load %arg16[%get3A_123, %get3A_124] : memref<1x1xf32, #tpu.memory_space<vmem>>, vector<1x1xf32>
    %sub3A_126 = arith.subf %add3A_79, %broadcast_in_dim3A_101 : vector<2048x1xf32>
    %reduce_sum3A_127 = vector.shape_cast %sub3A_126 : vector<2048x1xf32> to vector<1x2048x1xf32>
    %reduce_sum3A_128 = arith.constant dense<0.000000e+00> : vector<1xf32>
    %reduce_sum3A_129 = vector.multi_reduction <add>, %reduce_sum3A_127, %reduce_sum3A_128 [1, 2] : vector<1x2048x1xf32> to vector<1xf32>
    %reduce_sum3A_130 = vector.shape_cast %reduce_sum3A_129 : vector<1xf32> to vector<1x1x1xf32>
    %reduce_sum3A_131 = vector.extract %reduce_sum3A_130[0, 0, 0] : f32 from vector<1x1x1xf32>
    %reshape3A = vector.broadcast %reduce_sum3A_131 : f32 to vector<1x1xf32>
    %add3A_132 = arith.addf %get3A_125, %reshape3A : vector<1x1xf32>
    %swap3A = arith.constant 0 : index
    %swap3A_133 = arith.constant 0 : index
    %swap3A_134 = vector.load %arg16[%swap3A, %swap3A_133] : memref<1x1xf32, #tpu.memory_space<vmem>>, vector<1x1xf32>
    tpu.vector_store %arg16[%swap3A, %swap3A_133], %add3A_132 {strides = array<i32>} : memref<1x1xf32, #tpu.memory_space<vmem>>, vector<1x1xf32>,
    %get3A_135 = arith.constant 0 : index
    %get3A_136 = arith.constant 0 : index
    %get3A_137 = vector.load %arg17[%get3A_135, %get3A_136] : memref<1x1xf32, #tpu.memory_space<vmem>>, vector<1x1xf32>
    %sub3A_138 = arith.subf %add3A_90, %broadcast_in_dim3A_114 : vector<2048x1xf32>
    %reduce_sum3A_139 = vector.shape_cast %sub3A_138 : vector<2048x1xf32> to vector<1x2048x1xf32>
    %reduce_sum3A_140 = arith.constant dense<0.000000e+00> : vector<1xf32>
    %reduce_sum3A_141 = vector.multi_reduction <add>, %reduce_sum3A_139, %reduce_sum3A_140 [1, 2] : vector<1x2048x1xf32> to vector<1xf32>
    %reduce_sum3A_142 = vector.shape_cast %reduce_sum3A_141 : vector<1xf32> to vector<1x1x1xf32>
    %reduce_sum3A_143 = vector.extract %reduce_sum3A_142[0, 0, 0] : f32 from vector<1x1x1xf32>
    %reshape3A_144 = vector.broadcast %reduce_sum3A_143 : f32 to vector<1x1xf32>
    %add3A_145 = arith.addf %get3A_137, %reshape3A_144 : vector<1x1xf32>
    %swap3A_146 = arith.constant 0 : index
    %swap3A_147 = arith.constant 0 : index
    %swap3A_148 = vector.load %arg17[%swap3A_146, %swap3A_147] : memref<1x1xf32, #tpu.memory_space<vmem>>, vector<1x1xf32>
    tpu.vector_store %arg17[%swap3A_146, %swap3A_147], %add3A_145 {strides = array<i32>} : memref<1x1xf32, #tpu.memory_space<vmem>>, vector<1x1xf32>,
    %get3A_149 = arith.constant 0 : index
    %get3A_150 = arith.constant 0 : index
    %get3A_151 = vector.load %arg18[%get3A_149, %get3A_150] : memref<1x1xf32, #tpu.memory_space<vmem>>, vector<1x1xf32>
    %mul3A_152 = arith.constant 5.000000e-01 : f32
    %mul3A_153 = vector.broadcast %mul3A_152 : f32 to vector<2048x1xf32>
    %mul3A_154 = arith.mulf %mul3A_153, %broadcast_in_dim3A_122 : vector<2048x1xf32>
    %sub3A_155 = arith.subf %add3A_90, %mul3A_154 : vector<2048x1xf32>
    %sub3A_156 = arith.constant 0.693147182 : f32
    %sub3A_157 = vector.broadcast %sub3A_156 : f32 to vector<2048x1xf32>
    %sub3A_158 = arith.subf %sub3A_155, %sub3A_157 : vector<2048x1xf32>
    %reduce_sum3A_159 = vector.shape_cast %sub3A_158 : vector<2048x1xf32> to vector<1x2048x1xf32>
    %reduce_sum3A_160 = arith.constant dense<0.000000e+00> : vector<1xf32>
    %reduce_sum3A_161 = vector.multi_reduction <add>, %reduce_sum3A_159, %reduce_sum3A_160 [1, 2] : vector<1x2048x1xf32> to vector<1xf32>
    %reduce_sum3A_162 = vector.shape_cast %reduce_sum3A_161 : vector<1xf32> to vector<1x1x1xf32>
    %reduce_sum3A_163 = vector.extract %reduce_sum3A_162[0, 0, 0] : f32 from vector<1x1x1xf32>
    %reshape3A_164 = vector.broadcast %reduce_sum3A_163 : f32 to vector<1x1xf32>
    %add3A_165 = arith.addf %get3A_151, %reshape3A_164 : vector<1x1xf32>
    %swap3A_166 = arith.constant 0 : index
    %swap3A_167 = arith.constant 0 : index
    %swap3A_168 = vector.load %arg18[%swap3A_166, %swap3A_167] : memref<1x1xf32, #tpu.memory_space<vmem>>, vector<1x1xf32>
    tpu.vector_store %arg18[%swap3A_166, %swap3A_167], %add3A_165 {strides = array<i32>} : memref<1x1xf32, #tpu.memory_space<vmem>>, vector<1x1xf32>,
    return
  }
  func.func @transform_0(%arg0: i32) -> (i32, i32) {
    %c0_i32 = arith.constant 0 : i32
    %c0_i32_0 = arith.constant 0 : i32
    return %arg0, %c0_i32 : i32, i32
  }
  func.func @transform_1(%arg0: i32) -> (i32, i32) {
    %c0_i32 = arith.constant 0 : i32
    %c0_i32_0 = arith.constant 0 : i32
    %c0_i32_1 = arith.constant 0 : i32
    return %c0_i32, %c0_i32_0 : i32, i32
  }
  func.func @transform_2(%arg0: i32) -> (i32, i32) {
    %c0_i32 = arith.constant 0 : i32
    %c0_i32_0 = arith.constant 0 : i32
    %c0_i32_1 = arith.constant 0 : i32
    return %c0_i32, %c0_i32_0 : i32, i32
  }
  func.func @transform_3(%arg0: i32) -> (i32, i32) {
    %c0_i32 = arith.constant 0 : i32
    %c0_i32_0 = arith.constant 0 : i32
    %c0_i32_1 = arith.constant 0 : i32
    return %c0_i32, %c0_i32_0 : i32, i32
  }
  func.func @transform_4(%arg0: i32) -> (i32, i32) {
    %c0_i32 = arith.constant 0 : i32
    %c0_i32_0 = arith.constant 0 : i32
    %c0_i32_1 = arith.constant 0 : i32
    return %c0_i32, %c0_i32_0 : i32, i32
  }
  func.func @transform_5(%arg0: i32) -> (i32, i32) {
    %c0_i32 = arith.constant 0 : i32
    %c0_i32_0 = arith.constant 0 : i32
    %c0_i32_1 = arith.constant 0 : i32
    return %c0_i32, %c0_i32_0 : i32, i32
  }
  func.func @transform_6(%arg0: i32) -> (i32, i32) {
    %c0_i32 = arith.constant 0 : i32
    %c0_i32_0 = arith.constant 0 : i32
    %c0_i32_1 = arith.constant 0 : i32
    return %c0_i32, %c0_i32_0 : i32, i32
  }
  func.func @transform_7(%arg0: i32) -> (i32, i32) {
    %c0_i32 = arith.constant 0 : i32
    %c0_i32_0 = arith.constant 0 : i32
    %c0_i32_1 = arith.constant 0 : i32
    return %c0_i32, %c0_i32_0 : i32, i32
  }
  func.func @transform_8(%arg0: i32) -> (i32, i32) {
    %c0_i32 = arith.constant 0 : i32
    %c0_i32_0 = arith.constant 0 : i32
    %c0_i32_1 = arith.constant 0 : i32
    return %c0_i32, %c0_i32_0 : i32, i32
  }
  func.func @transform_9(%arg0: i32) -> (i32, i32) {
    %c0_i32 = arith.constant 0 : i32
    %c0_i32_0 = arith.constant 0 : i32
    %c0_i32_1 = arith.constant 0 : i32
    return %c0_i32, %c0_i32_0 : i32, i32
  }
  func.func @transform_10(%arg0: i32) -> (i32, i32) {
    %c0_i32 = arith.constant 0 : i32
    %c0_i32_0 = arith.constant 0 : i32
    %c0_i32_1 = arith.constant 0 : i32
    return %c0_i32, %c0_i32_0 : i32, i32
  }
  func.func @transform_11(%arg0: i32) -> (i32, i32) {
    %c0_i32 = arith.constant 0 : i32
    %c0_i32_0 = arith.constant 0 : i32
    %c0_i32_1 = arith.constant 0 : i32
    return %c0_i32, %c0_i32_0 : i32, i32
  }
  func.func @transform_12(%arg0: i32) -> (i32, i32) {
    %c0_i32 = arith.constant 0 : i32
    %c0_i32_0 = arith.constant 0 : i32
    %c0_i32_1 = arith.constant 0 : i32
    return %c0_i32, %c0_i32_0 : i32, i32
  }
  func.func @transform_13(%arg0: i32) -> (i32, i32, i32) {
    %c0_i32 = arith.constant 0 : i32
    %c0_i32_0 = arith.constant 0 : i32
    %c0_i32_1 = arith.constant 0 : i32
    return %arg0, %c0_i32, %c0_i32_0 : i32, i32, i32
  }
  func.func @transform_14(%arg0: i32) -> (i32, i32, i32) {
    %c0_i32 = arith.constant 0 : i32
    %c0_i32_0 = arith.constant 0 : i32
    %c0_i32_1 = arith.constant 0 : i32
    return %arg0, %c0_i32, %c0_i32_0 : i32, i32, i32
  }
  func.func @transform_15(%arg0: i32) -> (i32, i32) {
    %c0_i32 = arith.constant 0 : i32
    %c0_i32_0 = arith.constant 0 : i32
    %c0_i32_1 = arith.constant 0 : i32
    return %c0_i32, %c0_i32_0 : i32, i32
  }
  func.func @transform_16(%arg0: i32) -> (i32, i32) {
    %c0_i32 = arith.constant 0 : i32
    %c0_i32_0 = arith.constant 0 : i32
    %c0_i32_1 = arith.constant 0 : i32
    return %c0_i32, %c0_i32_0 : i32, i32
  }
  func.func @transform_17(%arg0: i32) -> (i32, i32) {
    %c0_i32 = arith.constant 0 : i32
    %c0_i32_0 = arith.constant 0 : i32
    %c0_i32_1 = arith.constant 0 : i32
    return %c0_i32, %c0_i32_0 : i32, i32
  }
}

</mosaic_0001>

<sc_bundles>
// kernel: kernel.4.cloned.1.call-start
scs
__scs_entry_jumppad:
0x0: {  	(pc) =	sbr.rel $0x88, $3  }
0x1: {  	(tag) =	ssettag $0x0;
	lr =	simm.s32 $0x1  }
0x2: {  	[smem:$0x3F91] =	sst lr;
	_ =	strace $0xD0000000  }
0x3: {  	_ = 	snop  }
0x4: {  	_ = 	snop  }
0x5: {  	_ = 	snop  }
0x6: {  	_ = 	snop  }
0x7: {  	_ = 	snop  }
__scs_overlays_trampoline_lowered:
0x8: {  	[smem:$0x3FA0] =	sst s0  }
0x9: {  	[smem:$0x3FA1] =	sst s1  }
0xa: {  	[smem:$0x3FA2] =	sst s2  }
0xb: {  	[smem:$0x3FA3] =	sst s3  }
0xc: {  	[smem:$0x3FA4] =	sst s4  }
0xd: {  	[smem:$0x3FA5] =	sst s5  }
0xe: {  	[smem:$0x3FA6] =	sst s6  }
0xf: {  	[smem:$0x3FA7] =	sst s7  }
0x10: {  	[smem:$0x3FA8] =	sst s8  }
0x11: {  	[smem:$0x3FA9] =	sst s9;
	s0 =	simm.s32 @!p0 $0x0  }
0x12: {  	s1 =	sld [smem:$0x3F8F];
	s0 =	simm.s32 @p0 $0x1  }
0x13: {  	[smem:$0x3FAA] =	sst s0;
	s0 =	simm.s32 @!p1 $0x0  }
0x14: {  	s2 =	sld [smem:$0x3F8E];
	s0 =	simm.s32 @p1 $0x1  }
0x15: {  	[smem:$0x3FAB] =	sst s0;
	s0 =	simm.s32 @!p2 $0x0  }
0x16: {  	s3 =	sld [smem:$0x3FDB];
	s0 =	simm.s32 @p2 $0x1  }
0x17: {  	s4 =	simm.s32 $0x1BF5;
	[smem:$0x3FAD] =	sst s0  }
0x18: {  	s0 =	sld [smem:$0x3F90];
	_ =	swait.ge [sflag:s4], $0x0  }
0x19: {  	s7 =	sld [smem:$0x3F91]  }
0x1a: {  	s8 =	sadd.s32 $0xFFFFE003, lr  }
0x1b: {  	s9 =	sadd.s32 $0xFFFFFEF7, lr;
	s5 =	simm.s32 $0xFFFFFFFF;
	p2 =	slt.u32 s8, $0xFFFFF086  }
0x1c: {  	p1 =	slt.u32 s9, $0xF7A;
	s5 =	simm.s32 @!p2 $0x0  }
0x1d: {  	s5 =	simm.s32 @p1 $0x1;
	p0 =	seq.s32 s7, s2  }
0x1e: {  	s7 =	smul.u32 @!p0 $0xF7A, s2;
	p2 =	seq.s32 @!p0 s5, $0x0  }
0x1f: {  	s9 =	smul.u32 $0xF7A, s1;
	s8 =	simm.s32 @!p0 $0x1BF5;
	p2 =	por !p2, p0  }
0x20: {  	[sflag:s8] =	ssyncset.s32 @!p0 $0xFFFFF086;
	s6 =	sadd.s32 @!p0 s3, s7;
	s7 =	simm.s32 @!p0 $0x108  }
0x21: {  	s3 =	sadd.s32 s3, s9;
	s6 =	sadd.s32 @!p0 $0x88, s6;
	s7 =	simm.s32 @p2 $0x1082  }
0x22: {  	[simem:s7], [sflag:s8] =	dma.local @!p0 [hbm:s6], $0xF7A  }
0x23: {  	s9 =	sor.u32 $0xD0000000, s2;
	s6 =	simm.s32 $0x108;
	_ =	swait.ge @!p0 [sflag:s8], $0x0  }
0x24: {  	s3 =	sadd.s32 $0x88, s3;
	s6 =	simm.s32 @!p1 $0x1082;
	[sflag:s4] =	ssyncset.s32 $0xFFFFF086  }
0x25: {  	[simem:s6], [sflag:s4] =	dma.local [hbm:s3], $0xF7A  }
0x26: {  	[smem:$0x3F91] =	sst s1;
	(tag) =	ssettag s2;
	_ =	strace s9  }
0x27: {  	s1 =	sld [smem:$0x3FA1]  }
0x28: {  	s2 =	sld [smem:$0x3FA2]  }
0x29: {  	s4 =	sld [smem:$0x3FA4]  }
0x2a: {  	p0 =	seq.s32 s5, $0x0;
	s5 =	sld [smem:$0x3FA5]  }
0x2b: {  	s6 =	sld [smem:$0x3FA6]  }
0x2c: {  	s7 =	sld [smem:$0x3FA7]  }
0x2d: {  	s3 =	simm.s32 $0x108;
	s8 =	sld [smem:$0x3FA8]  }
0x2e: {  	s3 =	simm.s32 @!p0 $0x1082;
	s9 =	sld [smem:$0x3FA9]  }
0x2f: {  	lr =	sadd.s32 s0, s3;
	s0 =	sld [smem:$0x3FA0]  }
0x30: {  	s3 =	sld [smem:$0x3FA3]  }
0x31: {  	[smem:$0x3FAC] =	sst s10  }
0x32: {  	s10 =	sld [smem:$0x3FAA];
	_ =	sdelay $0x3  }
0x33: {  	p0 =	seq.s32 s10, $0x1;
	s10 =	sld [smem:$0x3FAC];
	_ =	sdelay $0x3  }
0x34: {  	[smem:$0x3FAC] =	sst s10  }
0x35: {  	s10 =	sld [smem:$0x3FAB];
	_ =	sdelay $0x3  }
0x36: {  	p1 =	seq.s32 s10, $0x1;
	s10 =	sld [smem:$0x3FAC];
	_ =	sdelay $0x3  }
0x37: {  	[smem:$0x3FAC] =	sst s10  }
0x38: {  	s10 =	sld [smem:$0x3FAD]  }
0x39: {  	_ = 	snop;
	(pc) =	sbr.ind lr, $3  }
0x3a: {  	_ = 	snop  }
0x3b: {  	_ = 	snop  }
0x3c: {  	p2 =	seq.s32 s10, $0x1;
	s10 =	sld [smem:$0x3FAC]  }
0x3d: {  	_ =	shalt  }
0x3e: {  	_ =	shalt  }
0x3f: {  	_ =	shalt  }
0x40: {  	_ =	shalt  }
0x41: {  	_ =	shalt  }
0x42: {  	_ =	shalt  }
0x43: {  	_ =	shalt  }
0x44: {  	_ =	shalt  }
0x45: {  	_ =	shalt  }
0x46: {  	_ =	shalt  }
0x47: {  	_ =	shalt  }
0x48: {  	_ =	shalt  }
0x49: {  	_ =	shalt  }
0x4a: {  	_ =	shalt  }
0x4b: {  	_ =	shalt  }
0x4c: {  	_ =	shalt  }
0x4d: {  	_ =	shalt  }
0x4e: {  	_ =	shalt  }
0x4f: {  	_ =	shalt  }
0x50: {  	_ =	shalt  }
0x51: {  	_ =	shalt  }
0x52: {  	_ =	shalt  }
0x53: {  	_ =	shalt  }
0x54: {  	_ =	shalt  }
0x55: {  	_ =	shalt  }
0x56: {  	_ =	shalt  }
0x57: {  	_ =	shalt  }
0x58: {  	_ =	shalt  }
0x59: {  	_ =	shalt  }
0x5a: {  	_ =	shalt  }
0x5b: {  	_ =	shalt  }
0x5c: {  	_ =	shalt  }
0x5d: {  	_ =	shalt  }
0x5e: {  	_ =	shalt  }
0x5f: {  	_ =	shalt  }
0x60: {  	_ =	shalt  }
0x61: {  	_ =	shalt  }
0x62: {  	_ =	shalt  }
0x63: {  	_ =	shalt  }
0x64: {  	_ =	shalt  }
0x65: {  	_ =	shalt  }
0x66: {  	_ =	shalt  }
0x67: {  	_ =	shalt  }
0x68: {  	_ =	shalt  }
0x69: {  	_ =	shalt  }
0x6a: {  	_ =	shalt  }
0x6b: {  	_ =	shalt  }
0x6c: {  	_ =	shalt  }
0x6d: {  	_ =	shalt  }
0x6e: {  	_ =	shalt  }
0x6f: {  	_ =	shalt  }
0x70: {  	_ =	shalt  }
0x71: {  	_ =	shalt  }
0x72: {  	_ =	shalt  }
0x73: {  	_ =	shalt  }
0x74: {  	_ =	shalt  }
0x75: {  	_ =	shalt  }
0x76: {  	_ =	shalt  }
0x77: {  	_ =	shalt  }
0x78: {  	_ =	shalt  }
0x79: {  	_ =	shalt  }
0x7a: {  	_ =	shalt  }
0x7b: {  	_ =	shalt  }
0x7c: {  	_ =	shalt  }
0x7d: {  	_ =	shalt  }
0x7e: {  	_ =	shalt  }
0x7f: {  	_ =	shalt  }
0x80: {  	_ =	shalt  }
0x81: {  	_ =	shalt  }
0x82: {  	_ =	shalt  }
0x83: {  	_ =	shalt  }
0x84: {  	_ =	shalt  }
0x85: {  	_ =	shalt  }
0x86: {  	_ =	shalt  }
0x87: {  	_ =	shalt  }
.Lfunc_end0:
.L_simem_size_0:
called_computation_lowered:
.L_overlay_start_0:
0x88: {  	s2 =	sld [smem:$0x3FD9]  }
0x89: {  	s3 =	sld [smem:$0x3FFE];
	_ =	sdelay $0x1  }
0x8a: {  	s1 =	srdreg.scid  }
0x8b: {  	s0 =	sand.u32 $0x1, s1  }
0x8c: {  	s14 =	sshll.u32 s0, $0xA;
	s2 =	sadd.s32 s3, s2  }
0x8d: {  	s2 =	sadd.s32 s2, s14  }
0x8e: {  	[smem:$0x3FB8] =	sst s2  }
0x8f: {  	_ = 	snop  }
0x90: {  	s2 =	sld [smem:$0x3FD0];
	_ =	sdelay $0x2  }
0x91: {  	s4 =	simm.s32 $0xA;
	s5 =	simm.s32 $0x10;
	s15 =	sld [smem:$0x3FC9]  }
0x92: {  	[smem:s5], [sflag:s4] =	dma.local [hbm:s2], $0x1  }
0x93: {  	_ =	swait.eq [sflag:s4], $0x1  }
0x94: {  	[sflag:s4] =	ssyncset.done $0x0  }
0x95: {  	[sflag:s4] =	ssyncadd.s32 $0xFFFFFFFF  }
0x96: {  	s16 =	sld [smem:$0x13];
	(tm) =	ssettm $0x1  }
0x97: {  	s17 =	sld [smem:$0x3FFB];
	_ =	sdelay $0x3  }
0x98: {  	_ =	strace s17  }
0x99: {  	s4 =	sld [smem:$0x3FFC];
	_ =	sdelay $0x3  }
0x9a: {  	_ =	strace s4  }
0x9b: {  	s4 =	sld [smem:$0x3FFD];
	_ =	sdelay $0x3  }
0x9c: {  	_ =	strace s4  }
0x9d: {  	_ =	strace $0x8FFFFFFF  }
0x9e: {  	s18 =	sld [smem:$0x3FDB];
	_ =	sdelay $0x1  }
0x9f: {  	s19 =	simm.s32 $_scs_section_size  }
0xa0: {  	s6 =	simm.s32 $_size__tile_overlayer_lowered;
	s7 =	simm.s32 $_tile_overlayer_lowered  }
0xa1: {  	s22 =	simm.s32 $0x1BFF;
	s21 =	sshll.u32 s7, $0x1;
	s4 =	sadd.s32 s19, s18  }
0xa2: {  	s8 =	simm.s32 $0x0;
	s20 =	sshll.u32 s6, $0x1;
	s6 =	sadd.s32 s21, s4  }
0xa3: {  	[timem:s8], [sflag:s22] =	dma.local [hbm:s6], s20  }
0xa4: {  	_ =	swait.ge [sflag:s22], s20  }
0xa5: {  	s5 =	ssub.s32 $0x0, s20;
	[sflag:s22] =	ssyncset.done $0x0  }
0xa6: {  	[sflag:s22] =	ssyncadd.s32 s5;
	_ =	sdelay $0x1  }
0xa7: {  	s23 =	simm.s32 $0x1B8B  }
0xa8: {  	_ =	swait.ge [sflag:s23], $0x1  }
0xa9: {  	[sflag:s23] =	ssyncset.done $0x0  }
0xaa: {  	s25 =	simm.s32 $0x1B8E;
	s24 =	sld [smem:$0x3FFE];
	[sflag:s23] =	ssyncadd.s32 $0xFFFFFFFF  }
0xab: {  	s26 =	simm.s32 $execute0_lowered;
	[smem:$0x3FD2] =	sst s25  }
0xac: {  	s6 =	sshll.u32 s26, $0x1;
	_ =	strace $0x80000046;
	[dreg:$0x1] =	wrdreg $0xFFFFFFFF  }
0xad: {  	s28 =	simm.s32 $_size_execute0_lowered;
	s4 =	sadd.s32 s4, s6;
	[dreg:$0x0] =	wrdreg $0x0  }
0xae: {  	s6 =	sshll.u32 s28, $0x1;
	[dreg:$0x2] =	wrdreg s4  }
0xaf: {  	[dreg:$0x3] =	wrdreg s6  }
0xb0: {  	[dreg:$0x4] =	wrdreg $0xC0  }
0xb1: {  	_ =	task [dreg:s8], $0x5FFFF  }
0xb2: {  	[dreg:$0x1] =	wrdreg $0xFFFFFFFF  }
0xb3: {  	[dreg:$0x0] =	wrdreg $0x60  }
0xb4: {  	[dreg:$0x2] =	wrdreg s15  }
0xb5: {  	[dreg:$0x3] =	wrdreg s24  }
0xb6: {  	[dreg:$0x4] =	wrdreg s16  }
0xb7: {  	[dreg:$0x5] =	wrdreg $0x9  }
0xb8: {  	_ =	task.clear_ibuf [dreg:s8], $0x6FFFF;
	_ =	strace $0x90000046  }
0xb9: {  	s29 =	simm.s32 $0x9;
	_ =	strace $0x80000048  }
0xba: {  	_ =	swait.ge [sflag:s29], $0x1  }
0xbb: {  	[sflag:s29] =	ssyncadd.s32 $0xFFFFFFFF  }
0xbc: {  	_ =	strace $0x90000048  }
0xbd: {  	_ =	sfence  }
0xbe: {  	s30 =	sld [smem:$0x0];
	_ =	sdelay $0x2  }
0xbf: {  	s31 =	sshll.u32 s1, $0xD;
	s1 =	sshrl.u32 s1, $0x2  }
0xc0: {  	s3 =	sand.u32 $0x4000, s31;
	s1 =	sadd.s32 s1, s30  }
0xc1: {  	s0 =	sor.u32 s3, s0;
	s1 =	sshll.u32 s1, $0x11  }
0xc2: {  	s0 =	sor.u32 s1, s0  }
0xc3: {  	s0 =	sadd.s32 $0x8F2B, s0  }
0xc4: {  	[sflag:s0] =	ssyncadd.remote.s32 $0x1  }
0xc5: {  	_ =	sfence.sel $0xFFFF  }
0xc6: {  	[dreg:$0x0] =	wrdreg $0xFFFFFFFF;
	(pc) =	sbr.abs _section_cstart, $3  }
0xc7: {  	[dreg:$0x1] =	wrdreg $0xFFFFFFFF  }
0xc8: {  	_ =	task.clear_ibuf [dreg:s8], $0x2FFFF;
	_ =	strace $0x9FFFFFFF  }
0xc9: {  	(tm) =	ssettm $0x7FFFFFFF  }
tec
execute0_lowered:
.L_overlay_start_1:
0x0: {  	(tag) =	ssettag $0x1  }
0x1: {  	s0 =	rddreg [dreg:$0x0]  }
0x2: {  	s1 =	srdreg.scid;
	s2 =	rddreg [dreg:$0x1]  }
0x3: {  	s3 =	rddreg [dreg:$0x2];
	s6 =	stileid.u32;
	s4 =	simm.s32 $0x0  }
0x4: {  	s14 =	simm.s32 $0x5;
	s15 =	simm.s32 $0x80;
	s16 =	simm.s32 $0x6400  }
0x5: {  	s17 =	simm.s32 $0xA400;
	s18 =	simm.s32 $0x100;
	s19 =	simm.s32 $0xE400  }
0x6: {  	s20 =	simm.s32 $0x180;
	s21 =	simm.s32 $0x12400;
	s22 =	simm.s32 $0x1  }
0x7: {  	s23 =	simm.s32 $0x16400;
	s24 =	simm.s32 $0x2;
	s1 =	sand.u32 $0x1, s1  }
0x8: {  	s25 =	simm.s32 $0x3;
	s26 =	simm.s32 $0x4;
	s5 =	sshll.u32 s1, $0x4  }
0x9: {  	s28 =	simm.s32 $0x0;
	s1 =	ssub.s32 $0x2, s1;
	s10 =	sor.u32 s6, s5  }
0xa: {  	[smem:$0x7FF] =	sst s4;
	s7 =	sshrl.u32 s1, $0x1;
	s5 =	smul.u32 $0xC80, s10  }
0xb: {  	_ =	strace $0x80000047;
	s6 =	sshll.u32 s10, $0xD;
	s1 =	ssub.s32 s1, s7  }
0xc: {  	s10 =	sshll.u32 s10, $0x10;
	s12 =	sadd.s32 s6, s3;
	s5 =	sadd.s32 s5, s2  }
0xd: {  	s2 =	sadd.s32 s6, s2;
	s6 =	sadd.s32 $0xB81800, s12;
	s8 =	sadd.s32 $0xBC1800, s12  }
0xe: {  	s13 =	smax.u32 s1, $0x1;
	s11 =	sadd.s32 $0xC01800, s12;
	s12 =	sadd.s32 $0xC41800, s12  }
0xf: {  	v0 =	vimm.f32 $0.0e+00;
	s5 =	sadd.s32 $0x2A00, s5;
	s7 =	sadd.s32 $0x1BA00, s2;
	s9 =	sadd.s32 $0x1D200, s2  }
.LBB2_1:
0x10: {  	[tilespmem:s4], [sflag:$0x5] =	stream.linear.gather [hbm4b:s5+s4], $0x6400, $0x38;
	[tilespmem:$0x1A400] =	vst v63  }
0x11: {  	_ =	swait.ge [sflag:s14], $0x6400  }
0x12: {  	[sflag:s14] =	ssyncset.done $0x0  }
0x13: {  	s1 =	simm.s32 $0x0;
	s2 =	simm.s32 $0x200;
	[sflag:s14] =	ssyncadd.s32 $0xFFFF9C00  }
.LBB2_2:
0x14: {  	p0 =	sne.s32 s2, $0xFE00;
	[tilespmem:s1+$0x16470] =	vst v0  }
0x15: {  	[tilespmem:s1+$0x16400] =	vst v0  }
0x16: {  	[tilespmem:s1+$0x16410] =	vst v0  }
.Ltmp0:
0x17: {  	[tilespmem:s1+$0x16420] =	vst v0;
	(pc) =	sbr.rel @p0 .LBB2_2-.Ltmp0, $4  }
0x18: {  	[tilespmem:s1+$0x16430] =	vst v0  }
0x19: {  	[tilespmem:s1+$0x16440] =	vst v0  }
0x1a: {  	[tilespmem:s1+$0x16450] =	vst v0  }
0x1b: {  	[tilespmem:s1+$0x16460] =	vst v0;
	s1 =	sshra.s32 s2, $0x2;
	s2 =	sadd.s32 $0x200, s2  }
0x1c: {  	[tilespmem:s1+$0x16470] =	vst v0  }
0x1d: {  	[tilespmem:s1+$0x16400] =	vst v0  }
0x1e: {  	[tilespmem:s1+$0x16410] =	vst v0  }
0x1f: {  	[tilespmem:s1+$0x16420] =	vst v0  }
0x20: {  	[tilespmem:s1+$0x16430] =	vst v0  }
0x21: {  	[tilespmem:s1+$0x16440] =	vst v0  }
0x22: {  	[tilespmem:s1+$0x16450] =	vst v0  }
0x23: {  	[tilespmem:s1+$0x16460] =	vst v0;
	s29 =	simm.s32 $0x0  }
0x24: {  	[tilespmem:s16], [sflag:$0x1] =	stream.indirect.gather [hbm4b:s0+s15], $0x80, s29, s15, $0xb8;
	[tilespmem:$0x1A400] =	vst v63  }
0x25: {  	_ = 	snop  }
0x26: {  	[tilespmem:s17], [sflag:$0x1] =	stream.indirect.gather [hbm4b:s0+s15], $0x80, s15, s15, $0xb8;
	[tilespmem:$0x1A400] =	vst v63  }
.Ltmp1:
0x27: {  	_ = 	snop;
	(pc) =	sbr.rel .LBB2_4-.Ltmp1, $4  }
0x28: {  	_ = 	snop  }
0x29: {  	[tilespmem:s19], [sflag:$0x2] =	stream.indirect.gather [hbm4b:s0+s15], $0x80, s18, s15, $0xb8;
	[tilespmem:$0x1A400] =	vst v63  }
0x2a: {  	_ = 	snop  }
0x2b: {  	[tilespmem:s21], [sflag:$0x2] =	stream.indirect.gather [hbm4b:s0+s15], $0x80, s20, s15, $0xb8;
	[tilespmem:$0x1A400] =	vst v63  }
.LBB2_16:
0x2c: {  	s1 =	sshll.u32 s1, $0xE  }
0x2d: {  	s2 =	sshll.u32 s2, $0x16;
	s1 =	sadd.s32 s10, s1  }
0x2e: {  	s30 =	sor.u32 s2, s1;
	s1 =	sadd.s32 s2, s1  }
0x2f: {  	s30 =	sshrl.u32 s30, $0x3;
	s1 =	sadd.s32 $0x200000, s1  }
0x30: {  	s30 =	sadd.s32 s3, s30;
	s1 =	sshrl.u32 s1, $0x3  }
0x31: {  	[hbm4b:s30+s4] =	stream.linear.scatter [tilespmem:s19], [sflag:$0x4], $0x4000, $0x38;
	[tilespmem:$0x1A400] =	vst v63  }
0x32: {  	s1 =	sadd.s32 s3, s1  }
0x33: {  	[hbm4b:s1+s4] =	stream.linear.scatter [tilespmem:s21], [sflag:$0x4], $0x4000, $0x38;
	[tilespmem:$0x1A400] =	vst v63  }
0x34: {  	_ =	swait.ge [sflag:s25], $0x4000  }
0x35: {  	[sflag:s25] =	ssyncset.done $0x0  }
0x36: {  	[sflag:s25] =	ssyncadd.s32 $0xFFFFC000  }
0x37: {  	s30 =	sshll.u32 s29, $0x9;
	_ =	swait.ge [sflag:s25], $0x4000  }
0x38: {  	s1 =	sand.u32 $0x3FFFFE00, s30;
	[sflag:s25] =	ssyncset.done $0x0  }
0x39: {  	s31 =	sadd.s32 $0x200, s1;
	[sflag:s25] =	ssyncadd.s32 $0xFFFFC000  }
0x3a: {  	[tilespmem:s16], [sflag:$0x1] =	stream.indirect.gather [hbm4b:s0+s15], $0x80, s31, s15, $0xb8;
	[tilespmem:$0x1A400] =	vst v63  }
0x3b: {  	s30 =	sadd.s32 $0x280, s1  }
0x3c: {  	[tilespmem:s17], [sflag:$0x1] =	stream.indirect.gather [hbm4b:s0+s15], $0x80, s30, s15, $0xb8;
	[tilespmem:$0x1A400] =	vst v63  }
0x3d: {  	_ =	swait.ge [sflag:s26], $0x4000  }
0x3e: {  	[sflag:s26] =	ssyncset.done $0x0  }
0x3f: {  	s29 =	sadd.s32 $0x1, s29;
	[sflag:s26] =	ssyncadd.s32 $0xFFFFC000  }
0x40: {  	p0 =	sne.s32 s29, $0x31;
	_ =	swait.ge [sflag:s26], $0x4000  }
.Ltmp2:
0x41: {  	[sflag:s26] =	ssyncset.done $0x0;
	(pc) =	sbr.rel @!p0 .LBB2_17-.Ltmp2, $4  }
0x42: {  	s31 =	sadd.s32 $0x300, s1;
	[sflag:s26] =	ssyncadd.s32 $0xFFFFC000  }
0x43: {  	[tilespmem:s19], [sflag:$0x2] =	stream.indirect.gather [hbm4b:s0+s15], $0x80, s31, s15, $0xb8;
	[tilespmem:$0x1A400] =	vst v63  }
0x44: {  	s1 =	sadd.s32 $0x380, s1  }
0x45: {  	[tilespmem:s21], [sflag:$0x2] =	stream.indirect.gather [hbm4b:s0+s15], $0x80, s1, s15, $0xb8;
	[tilespmem:$0x1A400] =	vst v63  }
.LBB2_4:
0x46: {  	_ =	swait.ge [sflag:s22], $0x4000  }
0x47: {  	[sflag:s22] =	ssyncset.done $0x0  }
0x48: {  	[sflag:s22] =	ssyncadd.s32 $0xFFFFC000  }
0x49: {  	_ =	swait.ge [sflag:s22], $0x4000  }
0x4a: {  	[sflag:s22] =	ssyncset.done $0x0  }
0x4b: {  	s30 =	simm.s32 $0x0;
	[sflag:s22] =	ssyncadd.s32 $0xFFFFC000  }
0x4c: {  	v1 =	vld [tilespmem:s30+$0x65F0]  }
0x4d: {  	v2 =	vld [tilespmem:s30+$0xA5F0]  }
0x4e: {  	v3 =	vld [tilespmem:s30+$0x6400]  }
0x4f: {  	v4 =	vld [tilespmem:s30+$0xA400]  }
0x50: {  	v5 =	vld [tilespmem:s30+$0x6410]  }
0x51: {  	v6 =	vld [tilespmem:s30+$0xA410]  }
0x52: {  	v7 =	vld [tilespmem:s30+$0x6420]  }
0x53: {  	v8 =	vld [tilespmem:s30+$0xA430]  }
0x54: {  	v9 =	vld [tilespmem:s30+$0x6440]  }
0x55: {  	v10 =	vld [tilespmem:s30+$0xA440]  }
0x56: {  	v11 =	vld [tilespmem:s30+$0x6450]  }
0x57: {  	v12 =	vld [tilespmem:s30+$0xA450]  }
0x58: {  	v13 =	vld [tilespmem:s30+$0x6460]  }
0x59: {  	v14 =	vld [tilespmem:s30+$0xA460]  }
0x5a: {  	v15 =	vld [tilespmem:s30+$0x6470]  }
0x5b: {  	v16 =	vld [tilespmem:s30+$0xA470]  }
0x5c: {  	v17 =	vld [tilespmem:s30+$0x6480]  }
0x5d: {  	v18 =	vld [tilespmem:s30+$0xA480]  }
0x5e: {  	v19 =	vld [tilespmem:s30+$0x6490]  }
0x5f: {  	v20 =	vld [tilespmem:s30+$0xA490]  }
0x60: {  	v21 =	vld [tilespmem:s30+$0x64A0]  }
0x61: {  	v22 =	vld [tilespmem:s30+$0xA4A0]  }
0x62: {  	v23 =	vld [tilespmem:s30+$0x64B0]  }
0x63: {  	v24 =	vld [tilespmem:s30+$0xA4B0]  }
0x64: {  	v25 =	vld [tilespmem:s30+$0x64C0]  }
0x65: {  	v26 =	vld [tilespmem:s30+$0xA4C0]  }
0x66: {  	v27 =	vld [tilespmem:s30+$0x64D0]  }
0x67: {  	v28 =	vld [tilespmem:s30+$0xA4D0]  }
0x68: {  	v29 =	vld [tilespmem:s30+$0x64E0]  }
0x69: {  	v30 =	vld [tilespmem:s30+$0xA4E0]  }
0x6a: {  	v31 =	vld [tilespmem:s30+$0x64F0]  }
0x6b: {  	v32 =	vld [tilespmem:s30+$0xA4F0]  }
0x6c: {  	v33 =	vld [tilespmem:s30+$0x6500]  }
0x6d: {  	v34 =	vld [tilespmem:s30+$0xA500]  }
0x6e: {  	v35 =	vld [tilespmem:s30+$0x6510]  }
0x6f: {  	v36 =	vld [tilespmem:s30+$0xA510]  }
0x70: {  	v37 =	vld [tilespmem:s30+$0x6520]  }
0x71: {  	v38 =	vld [tilespmem:s30+$0xA520]  }
0x72: {  	v39 =	vld [tilespmem:s30+$0x6530]  }
0x73: {  	v40 =	vld [tilespmem:s30+$0xA530]  }
0x74: {  	v41 =	vld [tilespmem:s30+$0x6540]  }
0x75: {  	v42 =	vld [tilespmem:s30+$0xA540]  }
0x76: {  	v43 =	vld [tilespmem:s30+$0x6550]  }
0x77: {  	v44 =	vld [tilespmem:s30+$0xA550]  }
0x78: {  	v45 =	vld [tilespmem:s30+$0x6560]  }
0x79: {  	v46 =	vld [tilespmem:s30+$0x6570]  }
0x7a: {  	v47 =	vld [tilespmem:s30+$0x65C0]  }
0x7b: {  	v49 =	vld [tilespmem:s30+$0xA5C0]  }
0x7c: {  	v51 =	vld [tilespmem:s30+$0x65D0]  }
0x7d: {  	v52 =	vld [tilespmem:s30+$0xA5D0]  }
0x7e: {  	v54 =	vld [tilespmem:s30+$0x65E0]  }
0x7f: {  	v56 =	vld [tilespmem:s30+$0xA5E0]  }
0x80: {  	v1 =	vadd.f32 v2, v1;
	v2 =	vld [tilespmem:s30+$0xA420]  }
0x81: {  	v3 =	vadd.f32 v4, v3;
	v4 =	vld [tilespmem:s30+$0xA560]  }
0x82: {  	v5 =	vadd.f32 v6, v5;
	v6 =	vld [tilespmem:s30+$0xA590]  }
0x83: {  	v10 =	vadd.f32 v10, v9;
	v9 =	vld [tilespmem:s30+$0x65B0]  }
0x84: {  	[tilespmem:s30+$0x165F0] =	vst.add.f32.msk $0xffff, v1  }
0x85: {  	v1 =	vld [tilespmem:s30+$0x6430]  }
0x86: {  	[tilespmem:s30+$0x16400] =	vst.add.f32.msk $0xffff, v3  }
0x87: {  	v3 =	vld [tilespmem:s30+$0xA570]  }
0x88: {  	[tilespmem:s30+$0x16410] =	vst.add.f32.msk $0xffff, v5  }
0x89: {  	v12 =	vadd.f32 v12, v11;
	v5 =	vld [tilespmem:s30+$0x6580]  }
0x8a: {  	v14 =	vadd.f32 v14, v13;
	[tilespmem:s30+$0x16440] =	vst.add.f32.msk $0xffff, v10  }
0x8b: {  	v16 =	vadd.f32 v16, v15;
	[tilespmem:s30+$0x16450] =	vst.add.f32.msk $0xffff, v12  }
0x8c: {  	v18 =	vadd.f32 v18, v17;
	[tilespmem:s30+$0x16460] =	vst.add.f32.msk $0xffff, v14  }
0x8d: {  	[tilespmem:s30+$0x16470] =	vst.add.f32.msk $0xffff, v16  }
0x8e: {  	v20 =	vadd.f32 v20, v19;
	[tilespmem:s30+$0x16480] =	vst.add.f32.msk $0xffff, v18  }
0x8f: {  	v22 =	vadd.f32 v22, v21;
	v10 =	vld [tilespmem:s30+$0xA5B0]  }
0x90: {  	v48 =	vadd.f32 v24, v23;
	[tilespmem:s30+$0x16490] =	vst.add.f32.msk $0xffff, v20  }
0x91: {  	v50 =	vadd.f32 v26, v25;
	[tilespmem:s30+$0x164A0] =	vst.add.f32.msk $0xffff, v22  }
0x92: {  	v53 =	vadd.f32 v28, v27;
	[tilespmem:s30+$0x164B0] =	vst.add.f32.msk $0xffff, v48  }
0x93: {  	v55 =	vadd.f32 v30, v29;
	[tilespmem:s30+$0x164C0] =	vst.add.f32.msk $0xffff, v50  }
0x94: {  	v57 =	vadd.f32 v32, v31;
	[tilespmem:s30+$0x164D0] =	vst.add.f32.msk $0xffff, v53  }
0x95: {  	v58 =	vadd.f32 v34, v33;
	[tilespmem:s30+$0x164E0] =	vst.add.f32.msk $0xffff, v55  }
0x96: {  	v59 =	vadd.f32 v36, v35;
	[tilespmem:s30+$0x164F0] =	vst.add.f32.msk $0xffff, v57  }
0x97: {  	v60 =	vadd.f32 v38, v37;
	[tilespmem:s30+$0x16500] =	vst.add.f32.msk $0xffff, v58  }
0x98: {  	v61 =	vadd.f32 v40, v39;
	[tilespmem:s30+$0x16510] =	vst.add.f32.msk $0xffff, v59  }
0x99: {  	[tilespmem:s30+$0x16520] =	vst.add.f32.msk $0xffff, v60  }
0x9a: {  	[tilespmem:s30+$0x16530] =	vst.add.f32.msk $0xffff, v61;
	v2 =	vadd.f32 v2, v7  }
0x9b: {  	v7 =	vld [tilespmem:s30+$0x65A0]  }
0x9c: {  	[tilespmem:s30+$0x16420] =	vst.add.f32.msk $0xffff, v2  }
0x9d: {  	v1 =	vadd.f32 v8, v1;
	v2 =	vld [tilespmem:s30+$0xA580]  }
0x9e: {  	v8 =	vld [tilespmem:s30+$0xA5A0]  }
0x9f: {  	v62 =	vadd.f32 v42, v41;
	[tilespmem:s30+$0x16430] =	vst.add.f32.msk $0xffff, v1  }
0xa0: {  	v63 =	vadd.f32 v44, v43;
	v1 =	vld [tilespmem:s30+$0x6590]  }
0xa1: {  	[tilespmem:s30+$0x16540] =	vst.add.f32.msk $0xffff, v62;
	v4 =	vadd.f32 v4, v45  }
0xa2: {  	[tilespmem:s30+$0x16550] =	vst.add.f32.msk $0xffff, v63;
	v3 =	vadd.f32 v3, v46  }
0xa3: {  	[tilespmem:s30+$0x16560] =	vst.add.f32.msk $0xffff, v4;
	v2 =	vadd.f32 v2, v5  }
0xa4: {  	[tilespmem:s30+$0x16570] =	vst.add.f32.msk $0xffff, v3;
	v3 =	vadd.f32 v8, v7  }
0xa5: {  	v1 =	vadd.f32 v6, v1;
	[tilespmem:s30+$0x16580] =	vst.add.f32.msk $0xffff, v2  }
0xa6: {  	v2 =	vadd.f32 v10, v9;
	[tilespmem:s30+$0x165A0] =	vst.add.f32.msk $0xffff, v3  }
0xa7: {  	[tilespmem:s30+$0x16590] =	vst.add.f32.msk $0xffff, v1;
	v1 =	vadd.f32 v49, v47  }
0xa8: {  	v3 =	vadd.f32 v52, v51;
	[tilespmem:s30+$0x165B0] =	vst.add.f32.msk $0xffff, v2  }
0xa9: {  	[tilespmem:s30+$0x165C0] =	vst.add.f32.msk $0xffff, v1;
	v1 =	vadd.f32 v56, v54  }
0xaa: {  	s31 =	simm.s32 $0x0;
	s1 =	simm.s32 $0x800;
	[tilespmem:s30+$0x165D0] =	vst.add.f32.msk $0xffff, v3  }
.LBB2_5:
0xab: {  	[tilespmem:s30+$0x165E0] =	vst.add.f32.msk $0xffff, v1;
	s30 =	sshra.s32 s1, $0x2  }
0xac: {  	s31 =	sadd.s32 $0x4, s31;
	v1 =	vld [tilespmem:s30+$0x65F0]  }
0xad: {  	p0 =	slt.u32 s31, $0x7C;
	v2 =	vld [tilespmem:s30+$0xA5F0]  }
0xae: {  	v3 =	vld [tilespmem:s30+$0x6400]  }
0xaf: {  	v4 =	vld [tilespmem:s30+$0xA400]  }
0xb0: {  	v5 =	vld [tilespmem:s30+$0x6410]  }
0xb1: {  	v6 =	vld [tilespmem:s30+$0xA410]  }
0xb2: {  	v7 =	vld [tilespmem:s30+$0x6420];
	v2 =	vadd.f32 v2, v1  }
0xb3: {  	v8 =	vld [tilespmem:s30+$0xA420]  }
0xb4: {  	v1 =	vadd.f32 v4, v3;
	[tilespmem:s30+$0x165F0] =	vst.add.f32.msk $0xffff, v2  }
0xb5: {  	v4 =	vld [tilespmem:s30+$0x6430]  }
0xb6: {  	v2 =	vadd.f32 v6, v5;
	v5 =	vld [tilespmem:s30+$0xA430]  }
0xb7: {  	v6 =	vld [tilespmem:s30+$0x6440]  }
0xb8: {  	v3 =	vadd.f32 v8, v7;
	v7 =	vld [tilespmem:s30+$0xA440]  }
0xb9: {  	v8 =	vld [tilespmem:s30+$0x6450]  }
0xba: {  	v9 =	vld [tilespmem:s30+$0xA450]  }
0xbb: {  	v4 =	vadd.f32 v5, v4;
	v10 =	vld [tilespmem:s30+$0x6460]  }
0xbc: {  	v11 =	vld [tilespmem:s30+$0xA460]  }
0xbd: {  	v5 =	vadd.f32 v7, v6;
	v6 =	vld [tilespmem:s30+$0x6470]  }
0xbe: {  	v7 =	vld [tilespmem:s30+$0xA470]  }
0xbf: {  	v8 =	vadd.f32 v9, v8;
	v9 =	vld [tilespmem:s30+$0x6480]  }
0xc0: {  	v12 =	vld [tilespmem:s30+$0xA480]  }
0xc1: {  	v10 =	vadd.f32 v11, v10;
	v11 =	vld [tilespmem:s30+$0x6490]  }
0xc2: {  	v13 =	vld [tilespmem:s30+$0xA490]  }
0xc3: {  	v6 =	vadd.f32 v7, v6;
	v7 =	vld [tilespmem:s30+$0x64A0]  }
0xc4: {  	v14 =	vld [tilespmem:s30+$0xA4A0]  }
0xc5: {  	v9 =	vadd.f32 v12, v9;
	v12 =	vld [tilespmem:s30+$0x64B0]  }
0xc6: {  	v15 =	vld [tilespmem:s30+$0xA4B0]  }
0xc7: {  	v11 =	vadd.f32 v13, v11;
	v13 =	vld [tilespmem:s30+$0x64C0]  }
0xc8: {  	v16 =	vld [tilespmem:s30+$0xA4C0]  }
0xc9: {  	v7 =	vadd.f32 v14, v7;
	v14 =	vld [tilespmem:s30+$0x64D0]  }
0xca: {  	v17 =	vld [tilespmem:s30+$0xA4D0]  }
0xcb: {  	v12 =	vadd.f32 v15, v12;
	v15 =	vld [tilespmem:s30+$0x64E0]  }
0xcc: {  	v18 =	vld [tilespmem:s30+$0xA4E0]  }
0xcd: {  	v13 =	vadd.f32 v16, v13;
	v16 =	vld [tilespmem:s30+$0x64F0]  }
0xce: {  	v19 =	vld [tilespmem:s30+$0xA4F0]  }
0xcf: {  	v14 =	vadd.f32 v17, v14;
	v17 =	vld [tilespmem:s30+$0x6500]  }
0xd0: {  	v20 =	vld [tilespmem:s30+$0xA500]  }
0xd1: {  	v15 =	vadd.f32 v18, v15;
	v18 =	vld [tilespmem:s30+$0x6510]  }
0xd2: {  	v21 =	vld [tilespmem:s30+$0xA510]  }
0xd3: {  	v16 =	vadd.f32 v19, v16;
	v19 =	vld [tilespmem:s30+$0x6520]  }
0xd4: {  	v22 =	vld [tilespmem:s30+$0xA520]  }
0xd5: {  	v17 =	vadd.f32 v20, v17;
	v20 =	vld [tilespmem:s30+$0x6530]  }
0xd6: {  	v23 =	vld [tilespmem:s30+$0xA530]  }
0xd7: {  	v18 =	vadd.f32 v21, v18;
	v21 =	vld [tilespmem:s30+$0x6540]  }
0xd8: {  	v24 =	vld [tilespmem:s30+$0xA540]  }
0xd9: {  	v19 =	vadd.f32 v22, v19;
	v22 =	vld [tilespmem:s30+$0x6550]  }
0xda: {  	v25 =	vld [tilespmem:s30+$0xA550]  }
0xdb: {  	v20 =	vadd.f32 v23, v20;
	v23 =	vld [tilespmem:s30+$0x6560]  }
0xdc: {  	v26 =	vld [tilespmem:s30+$0xA560]  }
0xdd: {  	v21 =	vadd.f32 v24, v21;
	v24 =	vld [tilespmem:s30+$0x6570]  }
0xde: {  	v27 =	vld [tilespmem:s30+$0xA570]  }
0xdf: {  	v22 =	vadd.f32 v25, v22;
	v25 =	vld [tilespmem:s30+$0x6580]  }
0xe0: {  	v28 =	vld [tilespmem:s30+$0xA580]  }
0xe1: {  	v23 =	vadd.f32 v26, v23;
	v26 =	vld [tilespmem:s30+$0x6590]  }
0xe2: {  	v29 =	vld [tilespmem:s30+$0xA590]  }
0xe3: {  	v24 =	vadd.f32 v27, v24;
	v27 =	vld [tilespmem:s30+$0x65A0]  }
0xe4: {  	v30 =	vld [tilespmem:s30+$0xA5A0]  }
0xe5: {  	v25 =	vadd.f32 v28, v25;
	v28 =	vld [tilespmem:s30+$0x65B0]  }
0xe6: {  	v31 =	vld [tilespmem:s30+$0xA5B0]  }
0xe7: {  	v26 =	vadd.f32 v29, v26;
	v29 =	vld [tilespmem:s30+$0x65C0]  }
0xe8: {  	v32 =	vld [tilespmem:s30+$0xA5C0]  }
0xe9: {  	v27 =	vadd.f32 v30, v27;
	v30 =	vld [tilespmem:s30+$0x65D0]  }
0xea: {  	v33 =	vld [tilespmem:s30+$0xA5D0]  }
0xeb: {  	v28 =	vadd.f32 v31, v28;
	v31 =	vld [tilespmem:s30+$0x65E0]  }
0xec: {  	v34 =	vld [tilespmem:s30+$0xA5E0]  }
0xed: {  	[tilespmem:s30+$0x16400] =	vst.add.f32.msk $0xffff, v1;
	v29 =	vadd.f32 v32, v29  }
0xee: {  	[tilespmem:s30+$0x16410] =	vst.add.f32.msk $0xffff, v2  }
0xef: {  	[tilespmem:s30+$0x16420] =	vst.add.f32.msk $0xffff, v3;
	v2 =	vadd.f32 v33, v30  }
0xf0: {  	[tilespmem:s30+$0x16430] =	vst.add.f32.msk $0xffff, v4  }
0xf1: {  	[tilespmem:s30+$0x16440] =	vst.add.f32.msk $0xffff, v5;
	v1 =	vadd.f32 v34, v31  }
0xf2: {  	[tilespmem:s30+$0x16450] =	vst.add.f32.msk $0xffff, v8  }
0xf3: {  	[tilespmem:s30+$0x16460] =	vst.add.f32.msk $0xffff, v10  }
0xf4: {  	[tilespmem:s30+$0x16470] =	vst.add.f32.msk $0xffff, v6  }
0xf5: {  	[tilespmem:s30+$0x16480] =	vst.add.f32.msk $0xffff, v9  }
0xf6: {  	[tilespmem:s30+$0x16490] =	vst.add.f32.msk $0xffff, v11  }
0xf7: {  	[tilespmem:s30+$0x164A0] =	vst.add.f32.msk $0xffff, v7  }
0xf8: {  	[tilespmem:s30+$0x164B0] =	vst.add.f32.msk $0xffff, v12  }
0xf9: {  	[tilespmem:s30+$0x164C0] =	vst.add.f32.msk $0xffff, v13  }
0xfa: {  	[tilespmem:s30+$0x164D0] =	vst.add.f32.msk $0xffff, v14  }
0xfb: {  	[tilespmem:s30+$0x164E0] =	vst.add.f32.msk $0xffff, v15  }
0xfc: {  	[tilespmem:s30+$0x164F0] =	vst.add.f32.msk $0xffff, v16  }
0xfd: {  	[tilespmem:s30+$0x16500] =	vst.add.f32.msk $0xffff, v17  }
0xfe: {  	[tilespmem:s30+$0x16510] =	vst.add.f32.msk $0xffff, v18  }
0xff: {  	[tilespmem:s30+$0x16520] =	vst.add.f32.msk $0xffff, v19  }
0x100: {  	[tilespmem:s30+$0x16530] =	vst.add.f32.msk $0xffff, v20  }
0x101: {  	[tilespmem:s30+$0x16540] =	vst.add.f32.msk $0xffff, v21  }
0x102: {  	[tilespmem:s30+$0x16550] =	vst.add.f32.msk $0xffff, v22  }
0x103: {  	[tilespmem:s30+$0x16560] =	vst.add.f32.msk $0xffff, v23  }
0x104: {  	[tilespmem:s30+$0x16570] =	vst.add.f32.msk $0xffff, v24  }
0x105: {  	[tilespmem:s30+$0x16580] =	vst.add.f32.msk $0xffff, v25  }
.Ltmp3:
0x106: {  	[tilespmem:s30+$0x16590] =	vst.add.f32.msk $0xffff, v26;
	(pc) =	sbr.rel @p0 .LBB2_5-.Ltmp3, $4  }
0x107: {  	[tilespmem:s30+$0x165A0] =	vst.add.f32.msk $0xffff, v27  }
0x108: {  	[tilespmem:s30+$0x165B0] =	vst.add.f32.msk $0xffff, v28  }
0x109: {  	[tilespmem:s30+$0x165C0] =	vst.add.f32.msk $0xffff, v29  }
0x10a: {  	s1 =	sadd.s32 $0x800, s1;
	[tilespmem:s30+$0x165D0] =	vst.add.f32.msk $0xffff, v2  }
0x10b: {  	s2 =	sshll.u32 s29, $0x1  }
0x10c: {  	s1 =	smulhi.u32 $0x51EB851F, s2;
	_ =	sdelay $0x1  }
0x10d: {  	s1 =	sshrl.u32 s1, $0x3  }
0x10e: {  	s31 =	smul.u32 $0x19, s1;
	_ =	sdelay $0x1  }
0x10f: {  	s2 =	ssub.s32 s2, s31  }
0x110: {  	p0 =	sne.s32 s2, $0x18  }
.Ltmp4:
0x111: {  	_ = 	snop;
	(pc) =	sbr.rel @p0 .LBB2_10-.Ltmp4, $2  }
0x112: {  	_ =	sdelay $0x2  }
0x113: {  	[tilespmem:s30+$0x165E0] =	vst.add.f32.msk $0xffff, v1  }
0x114: {  	s30 =	sshll.u32 s1, $0xB  }
0x115: {  	s31 =	simm.s32 $0x0;
	s30 =	sadd.s32 s30, s7  }
0x116: {  	[hbm4b:s30+s31] =	stream.linear.scatter [tilespmem:s23], [sflag:$0x5], $0x4000, $0x38;
	[tilespmem:$0x1A400] =	vst v63  }
0x117: {  	_ =	swait.ge [sflag:s14], $0x4000  }
0x118: {  	[sflag:s14] =	ssyncset.done $0x0  }
0x119: {  	s30 =	simm.s32 $0x0;
	s31 =	simm.s32 $0x200;
	[sflag:s14] =	ssyncadd.s32 $0xFFFFC000  }
.LBB2_8:
0x11a: {  	p0 =	sne.s32 s31, $0xFE00;
	[tilespmem:s30+$0x16470] =	vst v0  }
0x11b: {  	[tilespmem:s30+$0x16400] =	vst v0  }
0x11c: {  	[tilespmem:s30+$0x16410] =	vst v0  }
.Ltmp5:
0x11d: {  	[tilespmem:s30+$0x16420] =	vst v0;
	(pc) =	sbr.rel @p0 .LBB2_8-.Ltmp5, $4  }
0x11e: {  	[tilespmem:s30+$0x16430] =	vst v0  }
0x11f: {  	[tilespmem:s30+$0x16440] =	vst v0  }
0x120: {  	[tilespmem:s30+$0x16450] =	vst v0  }
0x121: {  	[tilespmem:s30+$0x16460] =	vst v0;
	s30 =	sshra.s32 s31, $0x2;
	s31 =	sadd.s32 $0x200, s31  }
0x122: {  	[tilespmem:s30+$0x16470] =	vst v0  }
0x123: {  	[tilespmem:s30+$0x16400] =	vst v0  }
0x124: {  	[tilespmem:s30+$0x16410] =	vst v0  }
0x125: {  	[tilespmem:s30+$0x16420] =	vst v0  }
0x126: {  	[tilespmem:s30+$0x16430] =	vst v0  }
0x127: {  	[tilespmem:s30+$0x16440] =	vst v0  }
0x128: {  	[tilespmem:s30+$0x16450] =	vst v0  }
0x129: {  	[tilespmem:s30+$0x16460] =	vst v0  }
.LBB2_10:
0x12a: {  	s1 =	sshll.u32 s1, $0xE  }
0x12b: {  	s2 =	sshll.u32 s2, $0x16;
	s1 =	sadd.s32 s10, s1  }
0x12c: {  	s30 =	sor.u32 s2, s1;
	s1 =	sadd.s32 s2, s1  }
0x12d: {  	s30 =	sshrl.u32 s30, $0x3;
	s1 =	sadd.s32 $0x200000, s1  }
0x12e: {  	s31 =	simm.s32 $0x0;
	s30 =	sadd.s32 s3, s30;
	s1 =	sshrl.u32 s1, $0x3  }
0x12f: {  	[hbm4b:s30+s31] =	stream.linear.scatter [tilespmem:s16], [sflag:$0x3], $0x4000, $0x38;
	[tilespmem:$0x1A400] =	vst v63  }
0x130: {  	s1 =	sadd.s32 s3, s1  }
0x131: {  	[hbm4b:s1+s31] =	stream.linear.scatter [tilespmem:s17], [sflag:$0x3], $0x4000, $0x38;
	[tilespmem:$0x1A400] =	vst v63  }
0x132: {  	_ =	swait.ge [sflag:s24], $0x4000  }
0x133: {  	[sflag:s24] =	ssyncset.done $0x0  }
0x134: {  	[sflag:s24] =	ssyncadd.s32 $0xFFFFC000  }
0x135: {  	_ =	swait.ge [sflag:s24], $0x4000  }
0x136: {  	[sflag:s24] =	ssyncset.done $0x0  }
0x137: {  	s30 =	simm.s32 $0x0;
	[sflag:s24] =	ssyncadd.s32 $0xFFFFC000  }
0x138: {  	v1 =	vld [tilespmem:s30+$0xE5F0]  }
0x139: {  	v2 =	vld [tilespmem:s30+$0x125F0]  }
0x13a: {  	v3 =	vld [tilespmem:s30+$0xE400]  }
0x13b: {  	v4 =	vld [tilespmem:s30+$0x12400]  }
0x13c: {  	v5 =	vld [tilespmem:s30+$0xE410]  }
0x13d: {  	v6 =	vld [tilespmem:s30+$0x12410]  }
0x13e: {  	v7 =	vld [tilespmem:s30+$0xE420]  }
0x13f: {  	v8 =	vld [tilespmem:s30+$0x12430]  }
0x140: {  	v9 =	vld [tilespmem:s30+$0xE440]  }
0x141: {  	v10 =	vld [tilespmem:s30+$0x12440]  }
0x142: {  	v11 =	vld [tilespmem:s30+$0xE450]  }
0x143: {  	v12 =	vld [tilespmem:s30+$0x12450]  }
0x144: {  	v13 =	vld [tilespmem:s30+$0xE460]  }
0x145: {  	v14 =	vld [tilespmem:s30+$0x12460]  }
0x146: {  	v15 =	vld [tilespmem:s30+$0xE470]  }
0x147: {  	v16 =	vld [tilespmem:s30+$0x12470]  }
0x148: {  	v17 =	vld [tilespmem:s30+$0xE480]  }
0x149: {  	v18 =	vld [tilespmem:s30+$0x12480]  }
0x14a: {  	v19 =	vld [tilespmem:s30+$0xE490]  }
0x14b: {  	v20 =	vld [tilespmem:s30+$0x12490]  }
0x14c: {  	v21 =	vld [tilespmem:s30+$0xE4A0]  }
0x14d: {  	v22 =	vld [tilespmem:s30+$0x124A0]  }
0x14e: {  	v23 =	vld [tilespmem:s30+$0xE4B0]  }
0x14f: {  	v24 =	vld [tilespmem:s30+$0x124B0]  }
0x150: {  	v25 =	vld [tilespmem:s30+$0xE4C0]  }
0x151: {  	v26 =	vld [tilespmem:s30+$0x124C0]  }
0x152: {  	v27 =	vld [tilespmem:s30+$0xE4D0]  }
0x153: {  	v28 =	vld [tilespmem:s30+$0x124D0]  }
0x154: {  	v29 =	vld [tilespmem:s30+$0xE4E0]  }
0x155: {  	v30 =	vld [tilespmem:s30+$0x124E0]  }
0x156: {  	v31 =	vld [tilespmem:s30+$0xE4F0]  }
0x157: {  	v32 =	vld [tilespmem:s30+$0x124F0]  }
0x158: {  	v33 =	vld [tilespmem:s30+$0xE500]  }
0x159: {  	v34 =	vld [tilespmem:s30+$0x12500]  }
0x15a: {  	v35 =	vld [tilespmem:s30+$0xE510]  }
0x15b: {  	v36 =	vld [tilespmem:s30+$0x12510]  }
0x15c: {  	v37 =	vld [tilespmem:s30+$0xE520]  }
0x15d: {  	v38 =	vld [tilespmem:s30+$0x12520]  }
0x15e: {  	v39 =	vld [tilespmem:s30+$0xE530]  }
0x15f: {  	v40 =	vld [tilespmem:s30+$0x12530]  }
0x160: {  	v41 =	vld [tilespmem:s30+$0xE540]  }
0x161: {  	v42 =	vld [tilespmem:s30+$0x12540]  }
0x162: {  	v43 =	vld [tilespmem:s30+$0xE550]  }
0x163: {  	v44 =	vld [tilespmem:s30+$0x12550]  }
0x164: {  	v45 =	vld [tilespmem:s30+$0xE560]  }
0x165: {  	v46 =	vld [tilespmem:s30+$0xE570]  }
0x166: {  	v47 =	vld [tilespmem:s30+$0xE5C0]  }
0x167: {  	v49 =	vld [tilespmem:s30+$0x125C0]  }
0x168: {  	v51 =	vld [tilespmem:s30+$0xE5D0]  }
0x169: {  	v52 =	vld [tilespmem:s30+$0x125D0]  }
0x16a: {  	v54 =	vld [tilespmem:s30+$0xE5E0]  }
0x16b: {  	v56 =	vld [tilespmem:s30+$0x125E0]  }
0x16c: {  	v1 =	vadd.f32 v2, v1;
	v2 =	vld [tilespmem:s30+$0x12420]  }
0x16d: {  	v3 =	vadd.f32 v4, v3;
	v4 =	vld [tilespmem:s30+$0x12560]  }
0x16e: {  	v5 =	vadd.f32 v6, v5;
	v6 =	vld [tilespmem:s30+$0x12590]  }
0x16f: {  	v10 =	vadd.f32 v10, v9;
	v9 =	vld [tilespmem:s30+$0xE5B0]  }
0x170: {  	[tilespmem:s30+$0x165F0] =	vst.add.f32.msk $0xffff, v1  }
0x171: {  	v1 =	vld [tilespmem:s30+$0xE430]  }
0x172: {  	[tilespmem:s30+$0x16400] =	vst.add.f32.msk $0xffff, v3  }
0x173: {  	v3 =	vld [tilespmem:s30+$0x12570]  }
0x174: {  	[tilespmem:s30+$0x16410] =	vst.add.f32.msk $0xffff, v5  }
0x175: {  	v12 =	vadd.f32 v12, v11;
	v5 =	vld [tilespmem:s30+$0xE580]  }
0x176: {  	v14 =	vadd.f32 v14, v13;
	[tilespmem:s30+$0x16440] =	vst.add.f32.msk $0xffff, v10  }
0x177: {  	v16 =	vadd.f32 v16, v15;
	[tilespmem:s30+$0x16450] =	vst.add.f32.msk $0xffff, v12  }
0x178: {  	v18 =	vadd.f32 v18, v17;
	[tilespmem:s30+$0x16460] =	vst.add.f32.msk $0xffff, v14  }
0x179: {  	[tilespmem:s30+$0x16470] =	vst.add.f32.msk $0xffff, v16  }
0x17a: {  	v20 =	vadd.f32 v20, v19;
	[tilespmem:s30+$0x16480] =	vst.add.f32.msk $0xffff, v18  }
0x17b: {  	v22 =	vadd.f32 v22, v21;
	v10 =	vld [tilespmem:s30+$0x125B0]  }
0x17c: {  	v48 =	vadd.f32 v24, v23;
	[tilespmem:s30+$0x16490] =	vst.add.f32.msk $0xffff, v20  }
0x17d: {  	v50 =	vadd.f32 v26, v25;
	[tilespmem:s30+$0x164A0] =	vst.add.f32.msk $0xffff, v22  }
0x17e: {  	v53 =	vadd.f32 v28, v27;
	[tilespmem:s30+$0x164B0] =	vst.add.f32.msk $0xffff, v48  }
0x17f: {  	v55 =	vadd.f32 v30, v29;
	[tilespmem:s30+$0x164C0] =	vst.add.f32.msk $0xffff, v50  }
0x180: {  	v57 =	vadd.f32 v32, v31;
	[tilespmem:s30+$0x164D0] =	vst.add.f32.msk $0xffff, v53  }
0x181: {  	v58 =	vadd.f32 v34, v33;
	[tilespmem:s30+$0x164E0] =	vst.add.f32.msk $0xffff, v55  }
0x182: {  	v59 =	vadd.f32 v36, v35;
	[tilespmem:s30+$0x164F0] =	vst.add.f32.msk $0xffff, v57  }
0x183: {  	v60 =	vadd.f32 v38, v37;
	[tilespmem:s30+$0x16500] =	vst.add.f32.msk $0xffff, v58  }
0x184: {  	v61 =	vadd.f32 v40, v39;
	[tilespmem:s30+$0x16510] =	vst.add.f32.msk $0xffff, v59  }
0x185: {  	[tilespmem:s30+$0x16520] =	vst.add.f32.msk $0xffff, v60  }
0x186: {  	[tilespmem:s30+$0x16530] =	vst.add.f32.msk $0xffff, v61;
	v2 =	vadd.f32 v2, v7  }
0x187: {  	v7 =	vld [tilespmem:s30+$0xE5A0]  }
0x188: {  	[tilespmem:s30+$0x16420] =	vst.add.f32.msk $0xffff, v2  }
0x189: {  	v1 =	vadd.f32 v8, v1;
	v2 =	vld [tilespmem:s30+$0x12580]  }
0x18a: {  	v8 =	vld [tilespmem:s30+$0x125A0]  }
0x18b: {  	v62 =	vadd.f32 v42, v41;
	[tilespmem:s30+$0x16430] =	vst.add.f32.msk $0xffff, v1  }
0x18c: {  	v63 =	vadd.f32 v44, v43;
	v1 =	vld [tilespmem:s30+$0xE590]  }
0x18d: {  	[tilespmem:s30+$0x16540] =	vst.add.f32.msk $0xffff, v62;
	v4 =	vadd.f32 v4, v45  }
0x18e: {  	[tilespmem:s30+$0x16550] =	vst.add.f32.msk $0xffff, v63;
	v3 =	vadd.f32 v3, v46  }
0x18f: {  	[tilespmem:s30+$0x16560] =	vst.add.f32.msk $0xffff, v4;
	v2 =	vadd.f32 v2, v5  }
0x190: {  	[tilespmem:s30+$0x16570] =	vst.add.f32.msk $0xffff, v3;
	v3 =	vadd.f32 v8, v7  }
0x191: {  	v1 =	vadd.f32 v6, v1;
	[tilespmem:s30+$0x16580] =	vst.add.f32.msk $0xffff, v2  }
0x192: {  	v2 =	vadd.f32 v10, v9;
	[tilespmem:s30+$0x165A0] =	vst.add.f32.msk $0xffff, v3  }
0x193: {  	[tilespmem:s30+$0x16590] =	vst.add.f32.msk $0xffff, v1;
	v1 =	vadd.f32 v49, v47  }
0x194: {  	v3 =	vadd.f32 v52, v51;
	[tilespmem:s30+$0x165B0] =	vst.add.f32.msk $0xffff, v2  }
0x195: {  	[tilespmem:s30+$0x165C0] =	vst.add.f32.msk $0xffff, v1;
	v1 =	vadd.f32 v56, v54  }
0x196: {  	s2 =	simm.s32 $0x800;
	s31 =	sshllo.u32 s29, $0x1;
	s1 =	simm.s32 $0x0;
	[tilespmem:s30+$0x165D0] =	vst.add.f32.msk $0xffff, v3  }
.LBB2_11:
0x197: {  	[tilespmem:s30+$0x165E0] =	vst.add.f32.msk $0xffff, v1;
	s30 =	sshra.s32 s2, $0x2  }
0x198: {  	s1 =	sadd.s32 $0x4, s1;
	v1 =	vld [tilespmem:s30+$0xE5F0]  }
0x199: {  	p0 =	slt.u32 s1, $0x7C;
	v2 =	vld [tilespmem:s30+$0x125F0]  }
0x19a: {  	v3 =	vld [tilespmem:s30+$0xE400]  }
0x19b: {  	v4 =	vld [tilespmem:s30+$0x12400]  }
0x19c: {  	v5 =	vld [tilespmem:s30+$0xE410]  }
0x19d: {  	v6 =	vld [tilespmem:s30+$0x12410]  }
0x19e: {  	v7 =	vld [tilespmem:s30+$0xE420];
	v2 =	vadd.f32 v2, v1  }
0x19f: {  	v8 =	vld [tilespmem:s30+$0x12420]  }
0x1a0: {  	v1 =	vadd.f32 v4, v3;
	[tilespmem:s30+$0x165F0] =	vst.add.f32.msk $0xffff, v2  }
0x1a1: {  	v4 =	vld [tilespmem:s30+$0xE430]  }
0x1a2: {  	v2 =	vadd.f32 v6, v5;
	v5 =	vld [tilespmem:s30+$0x12430]  }
0x1a3: {  	v6 =	vld [tilespmem:s30+$0xE440]  }
0x1a4: {  	v3 =	vadd.f32 v8, v7;
	v7 =	vld [tilespmem:s30+$0x12440]  }
0x1a5: {  	v8 =	vld [tilespmem:s30+$0xE450]  }
0x1a6: {  	v9 =	vld [tilespmem:s30+$0x12450]  }
0x1a7: {  	v4 =	vadd.f32 v5, v4;
	v10 =	vld [tilespmem:s30+$0xE460]  }
0x1a8: {  	v11 =	vld [tilespmem:s30+$0x12460]  }
0x1a9: {  	v5 =	vadd.f32 v7, v6;
	v6 =	vld [tilespmem:s30+$0xE470]  }
0x1aa: {  	v7 =	vld [tilespmem:s30+$0x12470]  }
0x1ab: {  	v8 =	vadd.f32 v9, v8;
	v9 =	vld [tilespmem:s30+$0xE480]  }
0x1ac: {  	v12 =	vld [tilespmem:s30+$0x12480]  }
0x1ad: {  	v10 =	vadd.f32 v11, v10;
	v11 =	vld [tilespmem:s30+$0xE490]  }
0x1ae: {  	v13 =	vld [tilespmem:s30+$0x12490]  }
0x1af: {  	v6 =	vadd.f32 v7, v6;
	v7 =	vld [tilespmem:s30+$0xE4A0]  }
0x1b0: {  	v14 =	vld [tilespmem:s30+$0x124A0]  }
0x1b1: {  	v9 =	vadd.f32 v12, v9;
	v12 =	vld [tilespmem:s30+$0xE4B0]  }
0x1b2: {  	v15 =	vld [tilespmem:s30+$0x124B0]  }
0x1b3: {  	v11 =	vadd.f32 v13, v11;
	v13 =	vld [tilespmem:s30+$0xE4C0]  }
0x1b4: {  	v16 =	vld [tilespmem:s30+$0x124C0]  }
0x1b5: {  	v7 =	vadd.f32 v14, v7;
	v14 =	vld [tilespmem:s30+$0xE4D0]  }
0x1b6: {  	v17 =	vld [tilespmem:s30+$0x124D0]  }
0x1b7: {  	v12 =	vadd.f32 v15, v12;
	v15 =	vld [tilespmem:s30+$0xE4E0]  }
0x1b8: {  	v18 =	vld [tilespmem:s30+$0x124E0]  }
0x1b9: {  	v13 =	vadd.f32 v16, v13;
	v16 =	vld [tilespmem:s30+$0xE4F0]  }
0x1ba: {  	v19 =	vld [tilespmem:s30+$0x124F0]  }
0x1bb: {  	v14 =	vadd.f32 v17, v14;
	v17 =	vld [tilespmem:s30+$0xE500]  }
0x1bc: {  	v20 =	vld [tilespmem:s30+$0x12500]  }
0x1bd: {  	v15 =	vadd.f32 v18, v15;
	v18 =	vld [tilespmem:s30+$0xE510]  }
0x1be: {  	v21 =	vld [tilespmem:s30+$0x12510]  }
0x1bf: {  	v16 =	vadd.f32 v19, v16;
	v19 =	vld [tilespmem:s30+$0xE520]  }
0x1c0: {  	v22 =	vld [tilespmem:s30+$0x12520]  }
0x1c1: {  	v17 =	vadd.f32 v20, v17;
	v20 =	vld [tilespmem:s30+$0xE530]  }
0x1c2: {  	v23 =	vld [tilespmem:s30+$0x12530]  }
0x1c3: {  	v18 =	vadd.f32 v21, v18;
	v21 =	vld [tilespmem:s30+$0xE540]  }
0x1c4: {  	v24 =	vld [tilespmem:s30+$0x12540]  }
0x1c5: {  	v19 =	vadd.f32 v22, v19;
	v22 =	vld [tilespmem:s30+$0xE550]  }
0x1c6: {  	v25 =	vld [tilespmem:s30+$0x12550]  }
0x1c7: {  	v20 =	vadd.f32 v23, v20;
	v23 =	vld [tilespmem:s30+$0xE560]  }
0x1c8: {  	v26 =	vld [tilespmem:s30+$0x12560]  }
0x1c9: {  	v21 =	vadd.f32 v24, v21;
	v24 =	vld [tilespmem:s30+$0xE570]  }
0x1ca: {  	v27 =	vld [tilespmem:s30+$0x12570]  }
0x1cb: {  	v22 =	vadd.f32 v25, v22;
	v25 =	vld [tilespmem:s30+$0xE580]  }
0x1cc: {  	v28 =	vld [tilespmem:s30+$0x12580]  }
0x1cd: {  	v23 =	vadd.f32 v26, v23;
	v26 =	vld [tilespmem:s30+$0xE590]  }
0x1ce: {  	v29 =	vld [tilespmem:s30+$0x12590]  }
0x1cf: {  	v24 =	vadd.f32 v27, v24;
	v27 =	vld [tilespmem:s30+$0xE5A0]  }
0x1d0: {  	v30 =	vld [tilespmem:s30+$0x125A0]  }
0x1d1: {  	v25 =	vadd.f32 v28, v25;
	v28 =	vld [tilespmem:s30+$0xE5B0]  }
0x1d2: {  	v31 =	vld [tilespmem:s30+$0x125B0]  }
0x1d3: {  	v26 =	vadd.f32 v29, v26;
	v29 =	vld [tilespmem:s30+$0xE5C0]  }
0x1d4: {  	v32 =	vld [tilespmem:s30+$0x125C0]  }
0x1d5: {  	v27 =	vadd.f32 v30, v27;
	v30 =	vld [tilespmem:s30+$0xE5D0]  }
0x1d6: {  	v33 =	vld [tilespmem:s30+$0x125D0]  }
0x1d7: {  	v28 =	vadd.f32 v31, v28;
	v31 =	vld [tilespmem:s30+$0xE5E0]  }
0x1d8: {  	v34 =	vld [tilespmem:s30+$0x125E0]  }
0x1d9: {  	[tilespmem:s30+$0x16400] =	vst.add.f32.msk $0xffff, v1;
	v29 =	vadd.f32 v32, v29  }
0x1da: {  	[tilespmem:s30+$0x16410] =	vst.add.f32.msk $0xffff, v2  }
0x1db: {  	[tilespmem:s30+$0x16420] =	vst.add.f32.msk $0xffff, v3;
	v2 =	vadd.f32 v33, v30  }
0x1dc: {  	[tilespmem:s30+$0x16430] =	vst.add.f32.msk $0xffff, v4  }
0x1dd: {  	[tilespmem:s30+$0x16440] =	vst.add.f32.msk $0xffff, v5;
	v1 =	vadd.f32 v34, v31  }
0x1de: {  	[tilespmem:s30+$0x16450] =	vst.add.f32.msk $0xffff, v8  }
0x1df: {  	[tilespmem:s30+$0x16460] =	vst.add.f32.msk $0xffff, v10  }
0x1e0: {  	[tilespmem:s30+$0x16470] =	vst.add.f32.msk $0xffff, v6  }
0x1e1: {  	[tilespmem:s30+$0x16480] =	vst.add.f32.msk $0xffff, v9  }
0x1e2: {  	[tilespmem:s30+$0x16490] =	vst.add.f32.msk $0xffff, v11  }
0x1e3: {  	[tilespmem:s30+$0x164A0] =	vst.add.f32.msk $0xffff, v7  }
0x1e4: {  	[tilespmem:s30+$0x164B0] =	vst.add.f32.msk $0xffff, v12  }
0x1e5: {  	[tilespmem:s30+$0x164C0] =	vst.add.f32.msk $0xffff, v13  }
0x1e6: {  	[tilespmem:s30+$0x164D0] =	vst.add.f32.msk $0xffff, v14  }
0x1e7: {  	[tilespmem:s30+$0x164E0] =	vst.add.f32.msk $0xffff, v15  }
0x1e8: {  	[tilespmem:s30+$0x164F0] =	vst.add.f32.msk $0xffff, v16  }
0x1e9: {  	[tilespmem:s30+$0x16500] =	vst.add.f32.msk $0xffff, v17  }
0x1ea: {  	[tilespmem:s30+$0x16510] =	vst.add.f32.msk $0xffff, v18  }
0x1eb: {  	[tilespmem:s30+$0x16520] =	vst.add.f32.msk $0xffff, v19  }
0x1ec: {  	[tilespmem:s30+$0x16530] =	vst.add.f32.msk $0xffff, v20  }
0x1ed: {  	[tilespmem:s30+$0x16540] =	vst.add.f32.msk $0xffff, v21  }
0x1ee: {  	[tilespmem:s30+$0x16550] =	vst.add.f32.msk $0xffff, v22  }
0x1ef: {  	[tilespmem:s30+$0x16560] =	vst.add.f32.msk $0xffff, v23  }
0x1f0: {  	[tilespmem:s30+$0x16570] =	vst.add.f32.msk $0xffff, v24  }
0x1f1: {  	[tilespmem:s30+$0x16580] =	vst.add.f32.msk $0xffff, v25  }
.Ltmp6:
0x1f2: {  	[tilespmem:s30+$0x16590] =	vst.add.f32.msk $0xffff, v26;
	(pc) =	sbr.rel @p0 .LBB2_11-.Ltmp6, $4  }
0x1f3: {  	[tilespmem:s30+$0x165A0] =	vst.add.f32.msk $0xffff, v27  }
0x1f4: {  	[tilespmem:s30+$0x165B0] =	vst.add.f32.msk $0xffff, v28  }
0x1f5: {  	[tilespmem:s30+$0x165C0] =	vst.add.f32.msk $0xffff, v29  }
0x1f6: {  	s2 =	sadd.s32 $0x800, s2;
	[tilespmem:s30+$0x165D0] =	vst.add.f32.msk $0xffff, v2  }
0x1f7: {  	s1 =	smulhi.u32 $0x51EB851F, s31;
	_ =	sdelay $0x1  }
0x1f8: {  	s1 =	sshrl.u32 s1, $0x3  }
0x1f9: {  	s2 =	smul.u32 $0x19, s1;
	_ =	sdelay $0x1  }
0x1fa: {  	s2 =	ssub.s32 s31, s2  }
0x1fb: {  	p0 =	sne.s32 s2, $0x18  }
.Ltmp7:
0x1fc: {  	_ = 	snop;
	(pc) =	sbr.rel @p0 .LBB2_16-.Ltmp7, $2  }
0x1fd: {  	_ =	sdelay $0x2  }
0x1fe: {  	[tilespmem:s30+$0x165E0] =	vst.add.f32.msk $0xffff, v1  }
0x1ff: {  	s30 =	sshll.u32 s1, $0xB  }
0x200: {  	s31 =	simm.s32 $0x0;
	s30 =	sadd.s32 s30, s7  }
0x201: {  	[hbm4b:s30+s31] =	stream.linear.scatter [tilespmem:s23], [sflag:$0x5], $0x4000, $0x38;
	[tilespmem:$0x1A400] =	vst v63  }
0x202: {  	_ =	swait.ge [sflag:s14], $0x4000  }
0x203: {  	[sflag:s14] =	ssyncset.done $0x0  }
0x204: {  	s30 =	simm.s32 $0x0;
	s31 =	simm.s32 $0x200;
	[sflag:s14] =	ssyncadd.s32 $0xFFFFC000  }
.LBB2_14:
0x205: {  	p0 =	sne.s32 s31, $0xFE00;
	[tilespmem:s30+$0x16470] =	vst v0  }
0x206: {  	[tilespmem:s30+$0x16400] =	vst v0  }
0x207: {  	[tilespmem:s30+$0x16410] =	vst v0  }
.Ltmp8:
0x208: {  	[tilespmem:s30+$0x16420] =	vst v0;
	(pc) =	sbr.rel @p0 .LBB2_14-.Ltmp8, $4  }
0x209: {  	[tilespmem:s30+$0x16430] =	vst v0  }
0x20a: {  	[tilespmem:s30+$0x16440] =	vst v0  }
0x20b: {  	[tilespmem:s30+$0x16450] =	vst v0  }
0x20c: {  	[tilespmem:s30+$0x16460] =	vst v0;
	s30 =	sshra.s32 s31, $0x2;
	s31 =	sadd.s32 $0x200, s31  }
0x20d: {  	[tilespmem:s30+$0x16470] =	vst v0  }
0x20e: {  	[tilespmem:s30+$0x16400] =	vst v0  }
0x20f: {  	[tilespmem:s30+$0x16410] =	vst v0  }
.Ltmp9:
0x210: {  	[tilespmem:s30+$0x16420] =	vst v0;
	(pc) =	sbr.rel .LBB2_16-.Ltmp9, $4  }
0x211: {  	[tilespmem:s30+$0x16430] =	vst v0  }
0x212: {  	[tilespmem:s30+$0x16440] =	vst v0  }
0x213: {  	[tilespmem:s30+$0x16450] =	vst v0  }
0x214: {  	[tilespmem:s30+$0x16460] =	vst v0  }
.LBB2_17:
0x215: {  	_ =	swait.ge [sflag:s22], $0x4000  }
0x216: {  	[sflag:s22] =	ssyncset.done $0x0  }
0x217: {  	[sflag:s22] =	ssyncadd.s32 $0xFFFFC000  }
0x218: {  	_ =	swait.ge [sflag:s22], $0x4000  }
0x219: {  	[sflag:s22] =	ssyncset.done $0x0  }
0x21a: {  	s29 =	simm.s32 $0x0;
	[sflag:s22] =	ssyncadd.s32 $0xFFFFC000  }
0x21b: {  	v1 =	vld [tilespmem:s29+$0x65F0]  }
0x21c: {  	v2 =	vld [tilespmem:s29+$0xA5F0]  }
0x21d: {  	v3 =	vld [tilespmem:s29+$0x6400]  }
0x21e: {  	v4 =	vld [tilespmem:s29+$0xA400]  }
0x21f: {  	v5 =	vld [tilespmem:s29+$0x6410]  }
0x220: {  	v6 =	vld [tilespmem:s29+$0xA410]  }
0x221: {  	v7 =	vld [tilespmem:s29+$0x6420]  }
0x222: {  	v8 =	vld [tilespmem:s29+$0xA430]  }
0x223: {  	v9 =	vld [tilespmem:s29+$0x6440]  }
0x224: {  	v10 =	vld [tilespmem:s29+$0xA440]  }
0x225: {  	v11 =	vld [tilespmem:s29+$0x6450]  }
0x226: {  	v12 =	vld [tilespmem:s29+$0xA450]  }
0x227: {  	v13 =	vld [tilespmem:s29+$0x6460]  }
0x228: {  	v14 =	vld [tilespmem:s29+$0xA460]  }
0x229: {  	v15 =	vld [tilespmem:s29+$0x6470]  }
0x22a: {  	v16 =	vld [tilespmem:s29+$0xA470]  }
0x22b: {  	v17 =	vld [tilespmem:s29+$0x6480]  }
0x22c: {  	v18 =	vld [tilespmem:s29+$0xA480]  }
0x22d: {  	v19 =	vld [tilespmem:s29+$0x6490]  }
0x22e: {  	v20 =	vld [tilespmem:s29+$0xA490]  }
0x22f: {  	v21 =	vld [tilespmem:s29+$0x64A0]  }
0x230: {  	v22 =	vld [tilespmem:s29+$0xA4A0]  }
0x231: {  	v23 =	vld [tilespmem:s29+$0x64B0]  }
0x232: {  	v24 =	vld [tilespmem:s29+$0xA4B0]  }
0x233: {  	v25 =	vld [tilespmem:s29+$0x64C0]  }
0x234: {  	v26 =	vld [tilespmem:s29+$0xA4C0]  }
0x235: {  	v27 =	vld [tilespmem:s29+$0x64D0]  }
0x236: {  	v28 =	vld [tilespmem:s29+$0xA4D0]  }
0x237: {  	v29 =	vld [tilespmem:s29+$0x64E0]  }
0x238: {  	v30 =	vld [tilespmem:s29+$0xA4E0]  }
0x239: {  	v31 =	vld [tilespmem:s29+$0x64F0]  }
0x23a: {  	v32 =	vld [tilespmem:s29+$0xA4F0]  }
0x23b: {  	v33 =	vld [tilespmem:s29+$0x6500]  }
0x23c: {  	v34 =	vld [tilespmem:s29+$0xA500]  }
0x23d: {  	v35 =	vld [tilespmem:s29+$0x6510]  }
0x23e: {  	v36 =	vld [tilespmem:s29+$0xA510]  }
0x23f: {  	v37 =	vld [tilespmem:s29+$0x6520]  }
0x240: {  	v38 =	vld [tilespmem:s29+$0xA520]  }
0x241: {  	v39 =	vld [tilespmem:s29+$0x6530]  }
0x242: {  	v40 =	vld [tilespmem:s29+$0xA530]  }
0x243: {  	v41 =	vld [tilespmem:s29+$0x6540]  }
0x244: {  	v42 =	vld [tilespmem:s29+$0xA540]  }
0x245: {  	v43 =	vld [tilespmem:s29+$0x6550]  }
0x246: {  	v44 =	vld [tilespmem:s29+$0xA550]  }
0x247: {  	v45 =	vld [tilespmem:s29+$0x6560]  }
0x248: {  	v46 =	vld [tilespmem:s29+$0x6570]  }
0x249: {  	v47 =	vld [tilespmem:s29+$0x65C0]  }
0x24a: {  	v49 =	vld [tilespmem:s29+$0xA5C0]  }
0x24b: {  	v51 =	vld [tilespmem:s29+$0x65D0]  }
0x24c: {  	v52 =	vld [tilespmem:s29+$0xA5D0]  }
0x24d: {  	v54 =	vld [tilespmem:s29+$0x65E0]  }
0x24e: {  	v56 =	vld [tilespmem:s29+$0xA5E0]  }
0x24f: {  	v1 =	vadd.f32 v2, v1;
	v2 =	vld [tilespmem:s29+$0xA420]  }
0x250: {  	v3 =	vadd.f32 v4, v3;
	v4 =	vld [tilespmem:s29+$0xA560]  }
0x251: {  	v5 =	vadd.f32 v6, v5;
	v6 =	vld [tilespmem:s29+$0xA590]  }
0x252: {  	v10 =	vadd.f32 v10, v9;
	v9 =	vld [tilespmem:s29+$0x65B0]  }
0x253: {  	[tilespmem:s29+$0x165F0] =	vst.add.f32.msk $0xffff, v1  }
0x254: {  	v1 =	vld [tilespmem:s29+$0x6430]  }
0x255: {  	[tilespmem:s29+$0x16400] =	vst.add.f32.msk $0xffff, v3  }
0x256: {  	v3 =	vld [tilespmem:s29+$0xA570]  }
0x257: {  	[tilespmem:s29+$0x16410] =	vst.add.f32.msk $0xffff, v5  }
0x258: {  	v12 =	vadd.f32 v12, v11;
	v5 =	vld [tilespmem:s29+$0x6580]  }
0x259: {  	v14 =	vadd.f32 v14, v13;
	[tilespmem:s29+$0x16440] =	vst.add.f32.msk $0xffff, v10  }
0x25a: {  	v16 =	vadd.f32 v16, v15;
	[tilespmem:s29+$0x16450] =	vst.add.f32.msk $0xffff, v12  }
0x25b: {  	v18 =	vadd.f32 v18, v17;
	[tilespmem:s29+$0x16460] =	vst.add.f32.msk $0xffff, v14  }
0x25c: {  	[tilespmem:s29+$0x16470] =	vst.add.f32.msk $0xffff, v16  }
0x25d: {  	v20 =	vadd.f32 v20, v19;
	[tilespmem:s29+$0x16480] =	vst.add.f32.msk $0xffff, v18  }
0x25e: {  	v22 =	vadd.f32 v22, v21;
	v10 =	vld [tilespmem:s29+$0xA5B0]  }
0x25f: {  	v48 =	vadd.f32 v24, v23;
	[tilespmem:s29+$0x16490] =	vst.add.f32.msk $0xffff, v20  }
0x260: {  	v50 =	vadd.f32 v26, v25;
	[tilespmem:s29+$0x164A0] =	vst.add.f32.msk $0xffff, v22  }
0x261: {  	v53 =	vadd.f32 v28, v27;
	[tilespmem:s29+$0x164B0] =	vst.add.f32.msk $0xffff, v48  }
0x262: {  	v55 =	vadd.f32 v30, v29;
	[tilespmem:s29+$0x164C0] =	vst.add.f32.msk $0xffff, v50  }
0x263: {  	v57 =	vadd.f32 v32, v31;
	[tilespmem:s29+$0x164D0] =	vst.add.f32.msk $0xffff, v53  }
0x264: {  	v58 =	vadd.f32 v34, v33;
	[tilespmem:s29+$0x164E0] =	vst.add.f32.msk $0xffff, v55  }
0x265: {  	v59 =	vadd.f32 v36, v35;
	[tilespmem:s29+$0x164F0] =	vst.add.f32.msk $0xffff, v57  }
0x266: {  	v60 =	vadd.f32 v38, v37;
	[tilespmem:s29+$0x16500] =	vst.add.f32.msk $0xffff, v58  }
0x267: {  	v61 =	vadd.f32 v40, v39;
	[tilespmem:s29+$0x16510] =	vst.add.f32.msk $0xffff, v59  }
0x268: {  	[tilespmem:s29+$0x16520] =	vst.add.f32.msk $0xffff, v60  }
0x269: {  	[tilespmem:s29+$0x16530] =	vst.add.f32.msk $0xffff, v61;
	v2 =	vadd.f32 v2, v7  }
0x26a: {  	v7 =	vld [tilespmem:s29+$0x65A0]  }
0x26b: {  	[tilespmem:s29+$0x16420] =	vst.add.f32.msk $0xffff, v2  }
0x26c: {  	v1 =	vadd.f32 v8, v1;
	v2 =	vld [tilespmem:s29+$0xA580]  }
0x26d: {  	v8 =	vld [tilespmem:s29+$0xA5A0]  }
0x26e: {  	v62 =	vadd.f32 v42, v41;
	[tilespmem:s29+$0x16430] =	vst.add.f32.msk $0xffff, v1  }
0x26f: {  	v63 =	vadd.f32 v44, v43;
	v1 =	vld [tilespmem:s29+$0x6590]  }
0x270: {  	[tilespmem:s29+$0x16540] =	vst.add.f32.msk $0xffff, v62;
	v4 =	vadd.f32 v4, v45  }
0x271: {  	[tilespmem:s29+$0x16550] =	vst.add.f32.msk $0xffff, v63;
	v3 =	vadd.f32 v3, v46  }
0x272: {  	[tilespmem:s29+$0x16560] =	vst.add.f32.msk $0xffff, v4;
	v2 =	vadd.f32 v2, v5  }
0x273: {  	[tilespmem:s29+$0x16570] =	vst.add.f32.msk $0xffff, v3;
	v3 =	vadd.f32 v8, v7  }
0x274: {  	v1 =	vadd.f32 v6, v1;
	[tilespmem:s29+$0x16580] =	vst.add.f32.msk $0xffff, v2  }
0x275: {  	v2 =	vadd.f32 v10, v9;
	[tilespmem:s29+$0x165A0] =	vst.add.f32.msk $0xffff, v3  }
0x276: {  	[tilespmem:s29+$0x16590] =	vst.add.f32.msk $0xffff, v1;
	v1 =	vadd.f32 v49, v47  }
0x277: {  	v3 =	vadd.f32 v52, v51;
	[tilespmem:s29+$0x165B0] =	vst.add.f32.msk $0xffff, v2  }
0x278: {  	[tilespmem:s29+$0x165C0] =	vst.add.f32.msk $0xffff, v1;
	v1 =	vadd.f32 v56, v54  }
0x279: {  	s1 =	simm.s32 $0x0;
	s2 =	simm.s32 $0x800;
	[tilespmem:s29+$0x165D0] =	vst.add.f32.msk $0xffff, v3  }
.LBB2_18:
0x27a: {  	[tilespmem:s29+$0x165E0] =	vst.add.f32.msk $0xffff, v1;
	s29 =	sshra.s32 s2, $0x2  }
0x27b: {  	s1 =	sadd.s32 $0x4, s1;
	v1 =	vld [tilespmem:s29+$0x65F0]  }
0x27c: {  	p0 =	slt.u32 s1, $0x7C;
	v2 =	vld [tilespmem:s29+$0xA5F0]  }
0x27d: {  	v3 =	vld [tilespmem:s29+$0x6400]  }
0x27e: {  	v4 =	vld [tilespmem:s29+$0xA400]  }
0x27f: {  	v5 =	vld [tilespmem:s29+$0x6410]  }
0x280: {  	v6 =	vld [tilespmem:s29+$0xA410]  }
0x281: {  	v7 =	vld [tilespmem:s29+$0x6420];
	v2 =	vadd.f32 v2, v1  }
0x282: {  	v8 =	vld [tilespmem:s29+$0xA420]  }
0x283: {  	v1 =	vadd.f32 v4, v3;
	[tilespmem:s29+$0x165F0] =	vst.add.f32.msk $0xffff, v2  }
0x284: {  	v4 =	vld [tilespmem:s29+$0x6430]  }
0x285: {  	v2 =	vadd.f32 v6, v5;
	v5 =	vld [tilespmem:s29+$0xA430]  }
0x286: {  	v6 =	vld [tilespmem:s29+$0x6440]  }
0x287: {  	v3 =	vadd.f32 v8, v7;
	v7 =	vld [tilespmem:s29+$0xA440]  }
0x288: {  	v8 =	vld [tilespmem:s29+$0x6450]  }
0x289: {  	v9 =	vld [tilespmem:s29+$0xA450]  }
0x28a: {  	v4 =	vadd.f32 v5, v4;
	v10 =	vld [tilespmem:s29+$0x6460]  }
0x28b: {  	v11 =	vld [tilespmem:s29+$0xA460]  }
0x28c: {  	v5 =	vadd.f32 v7, v6;
	v6 =	vld [tilespmem:s29+$0x6470]  }
0x28d: {  	v7 =	vld [tilespmem:s29+$0xA470]  }
0x28e: {  	v8 =	vadd.f32 v9, v8;
	v9 =	vld [tilespmem:s29+$0x6480]  }
0x28f: {  	v12 =	vld [tilespmem:s29+$0xA480]  }
0x290: {  	v10 =	vadd.f32 v11, v10;
	v11 =	vld [tilespmem:s29+$0x6490]  }
0x291: {  	v13 =	vld [tilespmem:s29+$0xA490]  }
0x292: {  	v6 =	vadd.f32 v7, v6;
	v7 =	vld [tilespmem:s29+$0x64A0]  }
0x293: {  	v14 =	vld [tilespmem:s29+$0xA4A0]  }
0x294: {  	v9 =	vadd.f32 v12, v9;
	v12 =	vld [tilespmem:s29+$0x64B0]  }
0x295: {  	v15 =	vld [tilespmem:s29+$0xA4B0]  }
0x296: {  	v11 =	vadd.f32 v13, v11;
	v13 =	vld [tilespmem:s29+$0x64C0]  }
0x297: {  	v16 =	vld [tilespmem:s29+$0xA4C0]  }
0x298: {  	v7 =	vadd.f32 v14, v7;
	v14 =	vld [tilespmem:s29+$0x64D0]  }
0x299: {  	v17 =	vld [tilespmem:s29+$0xA4D0]  }
0x29a: {  	v12 =	vadd.f32 v15, v12;
	v15 =	vld [tilespmem:s29+$0x64E0]  }
0x29b: {  	v18 =	vld [tilespmem:s29+$0xA4E0]  }
0x29c: {  	v13 =	vadd.f32 v16, v13;
	v16 =	vld [tilespmem:s29+$0x64F0]  }
0x29d: {  	v19 =	vld [tilespmem:s29+$0xA4F0]  }
0x29e: {  	v14 =	vadd.f32 v17, v14;
	v17 =	vld [tilespmem:s29+$0x6500]  }
0x29f: {  	v20 =	vld [tilespmem:s29+$0xA500]  }
0x2a0: {  	v15 =	vadd.f32 v18, v15;
	v18 =	vld [tilespmem:s29+$0x6510]  }
0x2a1: {  	v21 =	vld [tilespmem:s29+$0xA510]  }
0x2a2: {  	v16 =	vadd.f32 v19, v16;
	v19 =	vld [tilespmem:s29+$0x6520]  }
0x2a3: {  	v22 =	vld [tilespmem:s29+$0xA520]  }
0x2a4: {  	v17 =	vadd.f32 v20, v17;
	v20 =	vld [tilespmem:s29+$0x6530]  }
0x2a5: {  	v23 =	vld [tilespmem:s29+$0xA530]  }
0x2a6: {  	v18 =	vadd.f32 v21, v18;
	v21 =	vld [tilespmem:s29+$0x6540]  }
0x2a7: {  	v24 =	vld [tilespmem:s29+$0xA540]  }
0x2a8: {  	v19 =	vadd.f32 v22, v19;
	v22 =	vld [tilespmem:s29+$0x6550]  }
0x2a9: {  	v25 =	vld [tilespmem:s29+$0xA550]  }
0x2aa: {  	v20 =	vadd.f32 v23, v20;
	v23 =	vld [tilespmem:s29+$0x6560]  }
0x2ab: {  	v26 =	vld [tilespmem:s29+$0xA560]  }
0x2ac: {  	v21 =	vadd.f32 v24, v21;
	v24 =	vld [tilespmem:s29+$0x6570]  }
0x2ad: {  	v27 =	vld [tilespmem:s29+$0xA570]  }
0x2ae: {  	v22 =	vadd.f32 v25, v22;
	v25 =	vld [tilespmem:s29+$0x6580]  }
0x2af: {  	v28 =	vld [tilespmem:s29+$0xA580]  }
0x2b0: {  	v23 =	vadd.f32 v26, v23;
	v26 =	vld [tilespmem:s29+$0x6590]  }
0x2b1: {  	v29 =	vld [tilespmem:s29+$0xA590]  }
0x2b2: {  	v24 =	vadd.f32 v27, v24;
	v27 =	vld [tilespmem:s29+$0x65A0]  }
0x2b3: {  	v30 =	vld [tilespmem:s29+$0xA5A0]  }
0x2b4: {  	v25 =	vadd.f32 v28, v25;
	v28 =	vld [tilespmem:s29+$0x65B0]  }
0x2b5: {  	v31 =	vld [tilespmem:s29+$0xA5B0]  }
0x2b6: {  	v26 =	vadd.f32 v29, v26;
	v29 =	vld [tilespmem:s29+$0x65C0]  }
0x2b7: {  	v32 =	vld [tilespmem:s29+$0xA5C0]  }
0x2b8: {  	v27 =	vadd.f32 v30, v27;
	v30 =	vld [tilespmem:s29+$0x65D0]  }
0x2b9: {  	v33 =	vld [tilespmem:s29+$0xA5D0]  }
0x2ba: {  	v28 =	vadd.f32 v31, v28;
	v31 =	vld [tilespmem:s29+$0x65E0]  }
0x2bb: {  	v34 =	vld [tilespmem:s29+$0xA5E0]  }
0x2bc: {  	[tilespmem:s29+$0x16400] =	vst.add.f32.msk $0xffff, v1;
	v29 =	vadd.f32 v32, v29  }
0x2bd: {  	[tilespmem:s29+$0x16410] =	vst.add.f32.msk $0xffff, v2  }
0x2be: {  	[tilespmem:s29+$0x16420] =	vst.add.f32.msk $0xffff, v3;
	v2 =	vadd.f32 v33, v30  }
0x2bf: {  	[tilespmem:s29+$0x16430] =	vst.add.f32.msk $0xffff, v4  }
0x2c0: {  	[tilespmem:s29+$0x16440] =	vst.add.f32.msk $0xffff, v5;
	v1 =	vadd.f32 v34, v31  }
0x2c1: {  	[tilespmem:s29+$0x16450] =	vst.add.f32.msk $0xffff, v8  }
0x2c2: {  	[tilespmem:s29+$0x16460] =	vst.add.f32.msk $0xffff, v10  }
0x2c3: {  	[tilespmem:s29+$0x16470] =	vst.add.f32.msk $0xffff, v6  }
0x2c4: {  	[tilespmem:s29+$0x16480] =	vst.add.f32.msk $0xffff, v9  }
0x2c5: {  	[tilespmem:s29+$0x16490] =	vst.add.f32.msk $0xffff, v11  }
0x2c6: {  	[tilespmem:s29+$0x164A0] =	vst.add.f32.msk $0xffff, v7  }
0x2c7: {  	[tilespmem:s29+$0x164B0] =	vst.add.f32.msk $0xffff, v12  }
0x2c8: {  	[tilespmem:s29+$0x164C0] =	vst.add.f32.msk $0xffff, v13  }
0x2c9: {  	[tilespmem:s29+$0x164D0] =	vst.add.f32.msk $0xffff, v14  }
0x2ca: {  	[tilespmem:s29+$0x164E0] =	vst.add.f32.msk $0xffff, v15  }
0x2cb: {  	[tilespmem:s29+$0x164F0] =	vst.add.f32.msk $0xffff, v16  }
0x2cc: {  	[tilespmem:s29+$0x16500] =	vst.add.f32.msk $0xffff, v17  }
0x2cd: {  	[tilespmem:s29+$0x16510] =	vst.add.f32.msk $0xffff, v18  }
0x2ce: {  	[tilespmem:s29+$0x16520] =	vst.add.f32.msk $0xffff, v19  }
0x2cf: {  	[tilespmem:s29+$0x16530] =	vst.add.f32.msk $0xffff, v20  }
0x2d0: {  	[tilespmem:s29+$0x16540] =	vst.add.f32.msk $0xffff, v21  }
0x2d1: {  	[tilespmem:s29+$0x16550] =	vst.add.f32.msk $0xffff, v22  }
0x2d2: {  	[tilespmem:s29+$0x16560] =	vst.add.f32.msk $0xffff, v23  }
0x2d3: {  	[tilespmem:s29+$0x16570] =	vst.add.f32.msk $0xffff, v24  }
0x2d4: {  	[tilespmem:s29+$0x16580] =	vst.add.f32.msk $0xffff, v25  }
.Ltmp10:
0x2d5: {  	[tilespmem:s29+$0x16590] =	vst.add.f32.msk $0xffff, v26;
	(pc) =	sbr.rel @p0 .LBB2_18-.Ltmp10, $4  }
0x2d6: {  	[tilespmem:s29+$0x165A0] =	vst.add.f32.msk $0xffff, v27  }
0x2d7: {  	[tilespmem:s29+$0x165B0] =	vst.add.f32.msk $0xffff, v28  }
0x2d8: {  	[tilespmem:s29+$0x165C0] =	vst.add.f32.msk $0xffff, v29  }
0x2d9: {  	s2 =	sadd.s32 $0x800, s2;
	[tilespmem:s29+$0x165D0] =	vst.add.f32.msk $0xffff, v2  }
0x2da: {  	[tilespmem:s29+$0x165E0] =	vst.add.f32.msk $0xffff, v1;
	s1 =	simm.s32 $0x0  }
0x2db: {  	[hbm4b:s6+s1] =	stream.linear.scatter [tilespmem:s16], [sflag:$0x3], $0x4000, $0x38;
	[tilespmem:$0x1A400] =	vst v63  }
0x2dc: {  	_ = 	snop  }
0x2dd: {  	[hbm4b:s8+s1] =	stream.linear.scatter [tilespmem:s17], [sflag:$0x3], $0x4000, $0x38;
	[tilespmem:$0x1A400] =	vst v63  }
0x2de: {  	_ =	swait.ge [sflag:s24], $0x4000  }
0x2df: {  	[sflag:s24] =	ssyncset.done $0x0  }
0x2e0: {  	[sflag:s24] =	ssyncadd.s32 $0xFFFFC000  }
0x2e1: {  	_ =	swait.ge [sflag:s24], $0x4000  }
0x2e2: {  	[sflag:s24] =	ssyncset.done $0x0  }
0x2e3: {  	s29 =	simm.s32 $0x0;
	[sflag:s24] =	ssyncadd.s32 $0xFFFFC000  }
0x2e4: {  	v1 =	vld [tilespmem:s29+$0xE5F0]  }
0x2e5: {  	v2 =	vld [tilespmem:s29+$0x125F0]  }
0x2e6: {  	v3 =	vld [tilespmem:s29+$0xE400]  }
0x2e7: {  	v4 =	vld [tilespmem:s29+$0x12400]  }
0x2e8: {  	v5 =	vld [tilespmem:s29+$0xE410]  }
0x2e9: {  	v6 =	vld [tilespmem:s29+$0x12410]  }
0x2ea: {  	v7 =	vld [tilespmem:s29+$0xE420]  }
0x2eb: {  	v8 =	vld [tilespmem:s29+$0x12430]  }
0x2ec: {  	v9 =	vld [tilespmem:s29+$0xE440]  }
0x2ed: {  	v10 =	vld [tilespmem:s29+$0x12440]  }
0x2ee: {  	v11 =	vld [tilespmem:s29+$0xE450]  }
0x2ef: {  	v12 =	vld [tilespmem:s29+$0x12450]  }
0x2f0: {  	v13 =	vld [tilespmem:s29+$0xE460]  }
0x2f1: {  	v14 =	vld [tilespmem:s29+$0x12460]  }
0x2f2: {  	v15 =	vld [tilespmem:s29+$0xE470]  }
0x2f3: {  	v16 =	vld [tilespmem:s29+$0x12470]  }
0x2f4: {  	v17 =	vld [tilespmem:s29+$0xE480]  }
0x2f5: {  	v18 =	vld [tilespmem:s29+$0x12480]  }
0x2f6: {  	v19 =	vld [tilespmem:s29+$0xE490]  }
0x2f7: {  	v20 =	vld [tilespmem:s29+$0x12490]  }
0x2f8: {  	v21 =	vld [tilespmem:s29+$0xE4A0]  }
0x2f9: {  	v22 =	vld [tilespmem:s29+$0x124A0]  }
0x2fa: {  	v23 =	vld [tilespmem:s29+$0xE4B0]  }
0x2fb: {  	v24 =	vld [tilespmem:s29+$0x124B0]  }
0x2fc: {  	v25 =	vld [tilespmem:s29+$0xE4C0]  }
0x2fd: {  	v26 =	vld [tilespmem:s29+$0x124C0]  }
0x2fe: {  	v27 =	vld [tilespmem:s29+$0xE4D0]  }
0x2ff: {  	v28 =	vld [tilespmem:s29+$0x124D0]  }
0x300: {  	v29 =	vld [tilespmem:s29+$0xE4E0]  }
0x301: {  	v30 =	vld [tilespmem:s29+$0x124E0]  }
0x302: {  	v31 =	vld [tilespmem:s29+$0xE4F0]  }
0x303: {  	v32 =	vld [tilespmem:s29+$0x124F0]  }
0x304: {  	v33 =	vld [tilespmem:s29+$0xE500]  }
0x305: {  	v34 =	vld [tilespmem:s29+$0x12500]  }
0x306: {  	v35 =	vld [tilespmem:s29+$0xE510]  }
0x307: {  	v36 =	vld [tilespmem:s29+$0x12510]  }
0x308: {  	v37 =	vld [tilespmem:s29+$0xE520]  }
0x309: {  	v38 =	vld [tilespmem:s29+$0x12520]  }
0x30a: {  	v39 =	vld [tilespmem:s29+$0xE530]  }
0x30b: {  	v40 =	vld [tilespmem:s29+$0x12530]  }
0x30c: {  	v41 =	vld [tilespmem:s29+$0xE540]  }
0x30d: {  	v42 =	vld [tilespmem:s29+$0x12540]  }
0x30e: {  	v43 =	vld [tilespmem:s29+$0xE550]  }
0x30f: {  	v44 =	vld [tilespmem:s29+$0x12550]  }
0x310: {  	v45 =	vld [tilespmem:s29+$0xE560]  }
0x311: {  	v46 =	vld [tilespmem:s29+$0xE570]  }
0x312: {  	v47 =	vld [tilespmem:s29+$0xE5C0]  }
0x313: {  	v49 =	vld [tilespmem:s29+$0x125C0]  }
0x314: {  	v51 =	vld [tilespmem:s29+$0xE5D0]  }
0x315: {  	v52 =	vld [tilespmem:s29+$0x125D0]  }
0x316: {  	v54 =	vld [tilespmem:s29+$0xE5E0]  }
0x317: {  	v56 =	vld [tilespmem:s29+$0x125E0]  }
0x318: {  	v1 =	vadd.f32 v2, v1;
	v2 =	vld [tilespmem:s29+$0x12420]  }
0x319: {  	v3 =	vadd.f32 v4, v3;
	v4 =	vld [tilespmem:s29+$0x12560]  }
0x31a: {  	v5 =	vadd.f32 v6, v5;
	v6 =	vld [tilespmem:s29+$0x12590]  }
0x31b: {  	v10 =	vadd.f32 v10, v9;
	v9 =	vld [tilespmem:s29+$0xE5B0]  }
0x31c: {  	[tilespmem:s29+$0x165F0] =	vst.add.f32.msk $0xffff, v1  }
0x31d: {  	v1 =	vld [tilespmem:s29+$0xE430]  }
0x31e: {  	[tilespmem:s29+$0x16400] =	vst.add.f32.msk $0xffff, v3  }
0x31f: {  	v3 =	vld [tilespmem:s29+$0x12570]  }
0x320: {  	[tilespmem:s29+$0x16410] =	vst.add.f32.msk $0xffff, v5  }
0x321: {  	v12 =	vadd.f32 v12, v11;
	v5 =	vld [tilespmem:s29+$0xE580]  }
0x322: {  	v14 =	vadd.f32 v14, v13;
	[tilespmem:s29+$0x16440] =	vst.add.f32.msk $0xffff, v10  }
0x323: {  	v16 =	vadd.f32 v16, v15;
	[tilespmem:s29+$0x16450] =	vst.add.f32.msk $0xffff, v12  }
0x324: {  	v18 =	vadd.f32 v18, v17;
	[tilespmem:s29+$0x16460] =	vst.add.f32.msk $0xffff, v14  }
0x325: {  	[tilespmem:s29+$0x16470] =	vst.add.f32.msk $0xffff, v16  }
0x326: {  	v20 =	vadd.f32 v20, v19;
	[tilespmem:s29+$0x16480] =	vst.add.f32.msk $0xffff, v18  }
0x327: {  	v22 =	vadd.f32 v22, v21;
	v10 =	vld [tilespmem:s29+$0x125B0]  }
0x328: {  	v48 =	vadd.f32 v24, v23;
	[tilespmem:s29+$0x16490] =	vst.add.f32.msk $0xffff, v20  }
0x329: {  	v50 =	vadd.f32 v26, v25;
	[tilespmem:s29+$0x164A0] =	vst.add.f32.msk $0xffff, v22  }
0x32a: {  	v53 =	vadd.f32 v28, v27;
	[tilespmem:s29+$0x164B0] =	vst.add.f32.msk $0xffff, v48  }
0x32b: {  	v55 =	vadd.f32 v30, v29;
	[tilespmem:s29+$0x164C0] =	vst.add.f32.msk $0xffff, v50  }
0x32c: {  	v57 =	vadd.f32 v32, v31;
	[tilespmem:s29+$0x164D0] =	vst.add.f32.msk $0xffff, v53  }
0x32d: {  	v58 =	vadd.f32 v34, v33;
	[tilespmem:s29+$0x164E0] =	vst.add.f32.msk $0xffff, v55  }
0x32e: {  	v59 =	vadd.f32 v36, v35;
	[tilespmem:s29+$0x164F0] =	vst.add.f32.msk $0xffff, v57  }
0x32f: {  	v60 =	vadd.f32 v38, v37;
	[tilespmem:s29+$0x16500] =	vst.add.f32.msk $0xffff, v58  }
0x330: {  	v61 =	vadd.f32 v40, v39;
	[tilespmem:s29+$0x16510] =	vst.add.f32.msk $0xffff, v59  }
0x331: {  	[tilespmem:s29+$0x16520] =	vst.add.f32.msk $0xffff, v60  }
0x332: {  	[tilespmem:s29+$0x16530] =	vst.add.f32.msk $0xffff, v61;
	v2 =	vadd.f32 v2, v7  }
0x333: {  	v7 =	vld [tilespmem:s29+$0xE5A0]  }
0x334: {  	[tilespmem:s29+$0x16420] =	vst.add.f32.msk $0xffff, v2  }
0x335: {  	v1 =	vadd.f32 v8, v1;
	v2 =	vld [tilespmem:s29+$0x12580]  }
0x336: {  	v8 =	vld [tilespmem:s29+$0x125A0]  }
0x337: {  	v62 =	vadd.f32 v42, v41;
	[tilespmem:s29+$0x16430] =	vst.add.f32.msk $0xffff, v1  }
0x338: {  	v63 =	vadd.f32 v44, v43;
	v1 =	vld [tilespmem:s29+$0xE590]  }
0x339: {  	[tilespmem:s29+$0x16540] =	vst.add.f32.msk $0xffff, v62;
	v4 =	vadd.f32 v4, v45  }
0x33a: {  	[tilespmem:s29+$0x16550] =	vst.add.f32.msk $0xffff, v63;
	v3 =	vadd.f32 v3, v46  }
0x33b: {  	[tilespmem:s29+$0x16560] =	vst.add.f32.msk $0xffff, v4;
	v2 =	vadd.f32 v2, v5  }
0x33c: {  	[tilespmem:s29+$0x16570] =	vst.add.f32.msk $0xffff, v3;
	v3 =	vadd.f32 v8, v7  }
0x33d: {  	v1 =	vadd.f32 v6, v1;
	[tilespmem:s29+$0x16580] =	vst.add.f32.msk $0xffff, v2  }
0x33e: {  	v2 =	vadd.f32 v10, v9;
	[tilespmem:s29+$0x165A0] =	vst.add.f32.msk $0xffff, v3  }
0x33f: {  	[tilespmem:s29+$0x16590] =	vst.add.f32.msk $0xffff, v1;
	v1 =	vadd.f32 v49, v47  }
0x340: {  	v3 =	vadd.f32 v52, v51;
	[tilespmem:s29+$0x165B0] =	vst.add.f32.msk $0xffff, v2  }
0x341: {  	[tilespmem:s29+$0x165C0] =	vst.add.f32.msk $0xffff, v1;
	v1 =	vadd.f32 v56, v54  }
0x342: {  	s2 =	simm.s32 $0x800;
	s1 =	simm.s32 $0x0;
	[tilespmem:s29+$0x165D0] =	vst.add.f32.msk $0xffff, v3  }
.LBB2_20:
0x343: {  	[tilespmem:s29+$0x165E0] =	vst.add.f32.msk $0xffff, v1;
	s29 =	sshra.s32 s2, $0x2  }
0x344: {  	s1 =	sadd.s32 $0x4, s1;
	v1 =	vld [tilespmem:s29+$0xE5F0]  }
0x345: {  	p0 =	slt.u32 s1, $0x7C;
	v2 =	vld [tilespmem:s29+$0x125F0]  }
0x346: {  	v3 =	vld [tilespmem:s29+$0xE400]  }
0x347: {  	v4 =	vld [tilespmem:s29+$0x12400]  }
0x348: {  	v5 =	vld [tilespmem:s29+$0xE410]  }
0x349: {  	v6 =	vld [tilespmem:s29+$0x12410]  }
0x34a: {  	v7 =	vld [tilespmem:s29+$0xE420];
	v2 =	vadd.f32 v2, v1  }
0x34b: {  	v8 =	vld [tilespmem:s29+$0x12420]  }
0x34c: {  	v1 =	vadd.f32 v4, v3;
	[tilespmem:s29+$0x165F0] =	vst.add.f32.msk $0xffff, v2  }
0x34d: {  	v4 =	vld [tilespmem:s29+$0xE430]  }
0x34e: {  	v2 =	vadd.f32 v6, v5;
	v5 =	vld [tilespmem:s29+$0x12430]  }
0x34f: {  	v6 =	vld [tilespmem:s29+$0xE440]  }
0x350: {  	v3 =	vadd.f32 v8, v7;
	v7 =	vld [tilespmem:s29+$0x12440]  }
0x351: {  	v8 =	vld [tilespmem:s29+$0xE450]  }
0x352: {  	v9 =	vld [tilespmem:s29+$0x12450]  }
0x353: {  	v4 =	vadd.f32 v5, v4;
	v10 =	vld [tilespmem:s29+$0xE460]  }
0x354: {  	v11 =	vld [tilespmem:s29+$0x12460]  }
0x355: {  	v5 =	vadd.f32 v7, v6;
	v6 =	vld [tilespmem:s29+$0xE470]  }
0x356: {  	v7 =	vld [tilespmem:s29+$0x12470]  }
0x357: {  	v8 =	vadd.f32 v9, v8;
	v9 =	vld [tilespmem:s29+$0xE480]  }
0x358: {  	v12 =	vld [tilespmem:s29+$0x12480]  }
0x359: {  	v10 =	vadd.f32 v11, v10;
	v11 =	vld [tilespmem:s29+$0xE490]  }
0x35a: {  	v13 =	vld [tilespmem:s29+$0x12490]  }
0x35b: {  	v6 =	vadd.f32 v7, v6;
	v7 =	vld [tilespmem:s29+$0xE4A0]  }
0x35c: {  	v14 =	vld [tilespmem:s29+$0x124A0]  }
0x35d: {  	v9 =	vadd.f32 v12, v9;
	v12 =	vld [tilespmem:s29+$0xE4B0]  }
0x35e: {  	v15 =	vld [tilespmem:s29+$0x124B0]  }
0x35f: {  	v11 =	vadd.f32 v13, v11;
	v13 =	vld [tilespmem:s29+$0xE4C0]  }
0x360: {  	v16 =	vld [tilespmem:s29+$0x124C0]  }
0x361: {  	v7 =	vadd.f32 v14, v7;
	v14 =	vld [tilespmem:s29+$0xE4D0]  }
0x362: {  	v17 =	vld [tilespmem:s29+$0x124D0]  }
0x363: {  	v12 =	vadd.f32 v15, v12;
	v15 =	vld [tilespmem:s29+$0xE4E0]  }
0x364: {  	v18 =	vld [tilespmem:s29+$0x124E0]  }
0x365: {  	v13 =	vadd.f32 v16, v13;
	v16 =	vld [tilespmem:s29+$0xE4F0]  }
0x366: {  	v19 =	vld [tilespmem:s29+$0x124F0]  }
0x367: {  	v14 =	vadd.f32 v17, v14;
	v17 =	vld [tilespmem:s29+$0xE500]  }
0x368: {  	v20 =	vld [tilespmem:s29+$0x12500]  }
0x369: {  	v15 =	vadd.f32 v18, v15;
	v18 =	vld [tilespmem:s29+$0xE510]  }
0x36a: {  	v21 =	vld [tilespmem:s29+$0x12510]  }
0x36b: {  	v16 =	vadd.f32 v19, v16;
	v19 =	vld [tilespmem:s29+$0xE520]  }
0x36c: {  	v22 =	vld [tilespmem:s29+$0x12520]  }
0x36d: {  	v17 =	vadd.f32 v20, v17;
	v20 =	vld [tilespmem:s29+$0xE530]  }
0x36e: {  	v23 =	vld [tilespmem:s29+$0x12530]  }
0x36f: {  	v18 =	vadd.f32 v21, v18;
	v21 =	vld [tilespmem:s29+$0xE540]  }
0x370: {  	v24 =	vld [tilespmem:s29+$0x12540]  }
0x371: {  	v19 =	vadd.f32 v22, v19;
	v22 =	vld [tilespmem:s29+$0xE550]  }
0x372: {  	v25 =	vld [tilespmem:s29+$0x12550]  }
0x373: {  	v20 =	vadd.f32 v23, v20;
	v23 =	vld [tilespmem:s29+$0xE560]  }
0x374: {  	v26 =	vld [tilespmem:s29+$0x12560]  }
0x375: {  	v21 =	vadd.f32 v24, v21;
	v24 =	vld [tilespmem:s29+$0xE570]  }
0x376: {  	v27 =	vld [tilespmem:s29+$0x12570]  }
0x377: {  	v22 =	vadd.f32 v25, v22;
	v25 =	vld [tilespmem:s29+$0xE580]  }
0x378: {  	v28 =	vld [tilespmem:s29+$0x12580]  }
0x379: {  	v23 =	vadd.f32 v26, v23;
	v26 =	vld [tilespmem:s29+$0xE590]  }
0x37a: {  	v29 =	vld [tilespmem:s29+$0x12590]  }
0x37b: {  	v24 =	vadd.f32 v27, v24;
	v27 =	vld [tilespmem:s29+$0xE5A0]  }
0x37c: {  	v30 =	vld [tilespmem:s29+$0x125A0]  }
0x37d: {  	v25 =	vadd.f32 v28, v25;
	v28 =	vld [tilespmem:s29+$0xE5B0]  }
0x37e: {  	v31 =	vld [tilespmem:s29+$0x125B0]  }
0x37f: {  	v26 =	vadd.f32 v29, v26;
	v29 =	vld [tilespmem:s29+$0xE5C0]  }
0x380: {  	v32 =	vld [tilespmem:s29+$0x125C0]  }
0x381: {  	v27 =	vadd.f32 v30, v27;
	v30 =	vld [tilespmem:s29+$0xE5D0]  }
0x382: {  	v33 =	vld [tilespmem:s29+$0x125D0]  }
0x383: {  	v28 =	vadd.f32 v31, v28;
	v31 =	vld [tilespmem:s29+$0xE5E0]  }
0x384: {  	v34 =	vld [tilespmem:s29+$0x125E0]  }
0x385: {  	[tilespmem:s29+$0x16400] =	vst.add.f32.msk $0xffff, v1;
	v29 =	vadd.f32 v32, v29  }
0x386: {  	[tilespmem:s29+$0x16410] =	vst.add.f32.msk $0xffff, v2  }
0x387: {  	[tilespmem:s29+$0x16420] =	vst.add.f32.msk $0xffff, v3;
	v2 =	vadd.f32 v33, v30  }
0x388: {  	[tilespmem:s29+$0x16430] =	vst.add.f32.msk $0xffff, v4  }
0x389: {  	[tilespmem:s29+$0x16440] =	vst.add.f32.msk $0xffff, v5;
	v1 =	vadd.f32 v34, v31  }
0x38a: {  	[tilespmem:s29+$0x16450] =	vst.add.f32.msk $0xffff, v8  }
0x38b: {  	[tilespmem:s29+$0x16460] =	vst.add.f32.msk $0xffff, v10  }
0x38c: {  	[tilespmem:s29+$0x16470] =	vst.add.f32.msk $0xffff, v6  }
0x38d: {  	[tilespmem:s29+$0x16480] =	vst.add.f32.msk $0xffff, v9  }
0x38e: {  	[tilespmem:s29+$0x16490] =	vst.add.f32.msk $0xffff, v11  }
0x38f: {  	[tilespmem:s29+$0x164A0] =	vst.add.f32.msk $0xffff, v7  }
0x390: {  	[tilespmem:s29+$0x164B0] =	vst.add.f32.msk $0xffff, v12  }
0x391: {  	[tilespmem:s29+$0x164C0] =	vst.add.f32.msk $0xffff, v13  }
0x392: {  	[tilespmem:s29+$0x164D0] =	vst.add.f32.msk $0xffff, v14  }
0x393: {  	[tilespmem:s29+$0x164E0] =	vst.add.f32.msk $0xffff, v15  }
0x394: {  	[tilespmem:s29+$0x164F0] =	vst.add.f32.msk $0xffff, v16  }
0x395: {  	[tilespmem:s29+$0x16500] =	vst.add.f32.msk $0xffff, v17  }
0x396: {  	[tilespmem:s29+$0x16510] =	vst.add.f32.msk $0xffff, v18  }
0x397: {  	[tilespmem:s29+$0x16520] =	vst.add.f32.msk $0xffff, v19  }
0x398: {  	[tilespmem:s29+$0x16530] =	vst.add.f32.msk $0xffff, v20  }
0x399: {  	[tilespmem:s29+$0x16540] =	vst.add.f32.msk $0xffff, v21  }
0x39a: {  	[tilespmem:s29+$0x16550] =	vst.add.f32.msk $0xffff, v22  }
0x39b: {  	[tilespmem:s29+$0x16560] =	vst.add.f32.msk $0xffff, v23  }
0x39c: {  	[tilespmem:s29+$0x16570] =	vst.add.f32.msk $0xffff, v24  }
0x39d: {  	[tilespmem:s29+$0x16580] =	vst.add.f32.msk $0xffff, v25  }
.Ltmp11:
0x39e: {  	[tilespmem:s29+$0x16590] =	vst.add.f32.msk $0xffff, v26;
	(pc) =	sbr.rel @p0 .LBB2_20-.Ltmp11, $4  }
0x39f: {  	[tilespmem:s29+$0x165A0] =	vst.add.f32.msk $0xffff, v27  }
0x3a0: {  	[tilespmem:s29+$0x165B0] =	vst.add.f32.msk $0xffff, v28  }
0x3a1: {  	[tilespmem:s29+$0x165C0] =	vst.add.f32.msk $0xffff, v29  }
0x3a2: {  	s2 =	sadd.s32 $0x800, s2;
	[tilespmem:s29+$0x165D0] =	vst.add.f32.msk $0xffff, v2  }
0x3a3: {  	[tilespmem:s29+$0x165E0] =	vst.add.f32.msk $0xffff, v1;
	s1 =	simm.s32 $0x0  }
0x3a4: {  	[hbm4b:s9+s1] =	stream.linear.scatter [tilespmem:s23], [sflag:$0x5], $0x4000, $0x38;
	[tilespmem:$0x1A400] =	vst v63  }
0x3a5: {  	_ =	swait.ge [sflag:s14], $0x4000  }
0x3a6: {  	[sflag:s14] =	ssyncset.done $0x0  }
0x3a7: {  	s2 =	simm.s32 $0x200;
	s1 =	simm.s32 $0x0;
	[sflag:s14] =	ssyncadd.s32 $0xFFFFC000  }
.LBB2_22:
0x3a8: {  	p0 =	sne.s32 s2, $0xFE00;
	[tilespmem:s1+$0x16470] =	vst v0  }
0x3a9: {  	[tilespmem:s1+$0x16400] =	vst v0  }
0x3aa: {  	[tilespmem:s1+$0x16410] =	vst v0  }
.Ltmp12:
0x3ab: {  	[tilespmem:s1+$0x16420] =	vst v0;
	(pc) =	sbr.rel @p0 .LBB2_22-.Ltmp12, $4  }
0x3ac: {  	[tilespmem:s1+$0x16430] =	vst v0  }
0x3ad: {  	[tilespmem:s1+$0x16440] =	vst v0  }
0x3ae: {  	[tilespmem:s1+$0x16450] =	vst v0  }
0x3af: {  	[tilespmem:s1+$0x16460] =	vst v0;
	s1 =	sshra.s32 s2, $0x2;
	s2 =	sadd.s32 $0x200, s2  }
0x3b0: {  	[tilespmem:s1+$0x16470] =	vst v0  }
0x3b1: {  	[tilespmem:s1+$0x16400] =	vst v0  }
0x3b2: {  	[tilespmem:s1+$0x16410] =	vst v0  }
0x3b3: {  	[tilespmem:s1+$0x16420] =	vst v0  }
0x3b4: {  	[tilespmem:s1+$0x16430] =	vst v0  }
0x3b5: {  	[tilespmem:s1+$0x16440] =	vst v0  }
0x3b6: {  	[tilespmem:s1+$0x16450] =	vst v0  }
0x3b7: {  	[tilespmem:s1+$0x16460] =	vst v0  }
0x3b8: {  	[hbm4b:s11+s4] =	stream.linear.scatter [tilespmem:s19], [sflag:$0x4], $0x4000, $0x38;
	[tilespmem:$0x1A400] =	vst v63  }
0x3b9: {  	_ = 	snop  }
0x3ba: {  	[hbm4b:s12+s4] =	stream.linear.scatter [tilespmem:s21], [sflag:$0x4], $0x4000, $0x38;
	[tilespmem:$0x1A400] =	vst v63  }
0x3bb: {  	_ =	swait.ge [sflag:s25], $0x4000  }
0x3bc: {  	[sflag:s25] =	ssyncset.done $0x0  }
0x3bd: {  	[sflag:s25] =	ssyncadd.s32 $0xFFFFC000  }
0x3be: {  	_ =	swait.ge [sflag:s25], $0x4000  }
0x3bf: {  	[sflag:s25] =	ssyncset.done $0x0  }
0x3c0: {  	s28 =	sadd.s32 $0x1, s28;
	[sflag:s25] =	ssyncadd.s32 $0xFFFFC000  }
0x3c1: {  	p0 =	sne.s32 s28, s13;
	_ =	swait.ge [sflag:s26], $0x4000  }
.Ltmp13:
0x3c2: {  	[sflag:s26] =	ssyncset.done $0x0;
	(pc) =	sbr.rel @p0 .LBB2_1-.Ltmp13, $4  }
0x3c3: {  	[sflag:s26] =	ssyncadd.s32 $0xFFFFC000  }
0x3c4: {  	_ =	swait.ge [sflag:s26], $0x4000  }
0x3c5: {  	[sflag:s26] =	ssyncset.done $0x0  }
0x3c6: {  	[sflag:s26] =	ssyncadd.s32 $0xFFFFC000  }
0x3c7: {  	_ =	sfence.sel $0x180000  }
0x3c8: {  	[bflag:$0x0] =	sbarrier.arrive $0xFFFF  }
0x3c9: {  	_ =	strace $0x90000047  }
0x3ca: {  	s0 =	stileid.u32;
	[bflag:$0x2] =	sbarrier.arrive $0xFFFF  }
0x3cb: {  	p0 =	sne.s32 s0, $0x0;
	s0 =	rddreg [dreg:$0x3]  }
0x3cc: {  	s0 =	sadd.s32 @!p0 $0x100000, s0  }
0x3cd: {  	[sflag:s0] =	ssyncadd.tile.s32 @!p0 $0x1;
	_ =	shalt  }
.Lfunc_end2:
_tile_overlayer_lowered:
.L_overlay_start_2:
0x3ce: {  	(tag) =	ssettag $0x2  }
0x3cf: {  	s0 =	rddreg [dreg:$0x0];
	s2 =	stileid.u32  }
0x3d0: {  	s1 =	rddreg [dreg:$0x1];
	p0 =	sne.s32 s2, $0x0  }
0x3d1: {  	s3 =	rddreg [dreg:$0x2];
	[bflag:$0x3] =	sbarrier.arrive $0xFFFF;
	s2 =	simm.s32 @!p0 $0x1C05  }
0x3d2: {  	[timem:s3], [sflag:s2] =	dma.local @!p0 [hbm:s0], s1  }
0x3d3: {  	s0 =	simm.s32 @!p0 $0x5  }
0x3d4: {  	_ =	swait.ge @!p0 [sflag:s0], s1  }
0x3d5: {  	s1 =	ssub.s32 @!p0 $0x0, s1;
	[sflag:s0] =	ssyncset.done @!p0 $0x0  }
0x3d6: {  	[sflag:s0] =	ssyncadd.s32 @!p0 s1  }
0x3d7: {  	[bflag:$0x3] =	sbarrier.arrive $0xFFFF  }
0x3d8: {  	_ =	shalt  }

</sc_bundles>
